<compile_context>
chip_gen: v7x
topology: tpu7x:2x2x1
jax: 0.10.2.dev20260603
libtpu: 0.0.44.dev20260713+nightly
codegen_flags: <defaults>
</compile_context>

<pallas_src>
import functools

import jax
import jax.numpy as jnp
from jax import lax
from jax.experimental import pallas as pl
from jax.experimental.pallas import tpu as pltpu
from jax.experimental.pallas import tpu_sc as plsc

N = 10000
D = 128
H = 128
NC = 2
NS = 16
NW = NC * NS
LANE = 128
Np = 10240
RPT = Np // NS
ROWBLK = 1000

_mesh = plsc.VectorSubcoreMesh(
    core_axis_name="c", subcore_axis_name="s", num_cores=NC, num_subcores=NS)


def _make_degrees(ch, n_edges):
    def body(srcd, dstd, degp, src_v, dst_v, ones_v, zbuf, acc_out, acc_in):
        c = lax.axis_index("c")
        s = lax.axis_index("s")
        wid = c * NS + s
        pltpu.sync_copy(srcd.at[pl.ds(wid * ch, ch)], src_v)
        pltpu.sync_copy(dstd.at[pl.ds(wid * ch, ch)], dst_v)
        for i in range(LANE // 16):
            ones_v[pl.ds(i * 16, 16)] = jnp.ones((16,), jnp.float32)
        for i in range(RPT // 16):
            zbuf[pl.ds(i * 16, 16)] = jnp.zeros((16,), jnp.float32)
        pltpu.sync_copy(zbuf, acc_out.at[pl.ds(s * RPT, RPT)])
        pltpu.sync_copy(zbuf, acc_in.at[pl.ds(s * RPT, RPT)])
        plsc.subcore_barrier()

        nch = jnp.clip((n_edges - wid * ch * LANE + LANE - 1) // LANE, 0, ch)

        def step(j, carry):
            pltpu.sync_copy(ones_v, acc_out.at[src_v.at[j]], add=True)
            pltpu.sync_copy(ones_v, acc_in.at[dst_v.at[j]], add=True)
            return carry

        lax.fori_loop(0, nch, step, 0)
        plsc.subcore_barrier()
        pltpu.sync_copy(acc_out.at[pl.ds(s * RPT, RPT)], zbuf)
        pltpu.sync_copy(zbuf, degp.at[pl.ds((2 * c) * Np + s * RPT, RPT)])
        pltpu.sync_copy(acc_in.at[pl.ds(s * RPT, RPT)], zbuf)
        pltpu.sync_copy(zbuf, degp.at[pl.ds((2 * c + 1) * Np + s * RPT, RPT)])

    return pl.kernel(
        body,
        out_type=jax.ShapeDtypeStruct((4 * Np,), jnp.float32),
        mesh=_mesh,
        scratch_types=[
            pltpu.VMEM((ch, LANE), jnp.int32),
            pltpu.VMEM((ch, LANE), jnp.int32),
            pltpu.VMEM((LANE,), jnp.float32),
            pltpu.VMEM((RPT,), jnp.float32),
            pltpu.VMEM_SHARED((Np,), jnp.float32),
            pltpu.VMEM_SHARED((Np,), jnp.float32),
        ],
    )


IB = 40


def _make_segsum(ch):
    assert ch % IB == 0 and IB % 2 == 0
    nblk = ch // IB

    def body(t, srcg, dstg, aggp, src_v, dst_v, buf0, buf1, acc, sem0, sem1):
        c = lax.axis_index("c")
        s = lax.axis_index("s")
        wid = c * NS + s

        def zrow(r, carry):
            for k in range(H // 16):
                buf0[r, pl.ds(k * 16, 16)] = jnp.zeros((16,), jnp.float32)
            return carry

        lax.fori_loop(0, LANE, zrow, 0)
        for hh in range(RPT // LANE):
            pltpu.sync_copy(buf0, acc.at[pl.ds(s * RPT + hh * LANE, LANE)])
        plsc.subcore_barrier()

        def block(blk, carry):
            base = wid * ch + blk * IB
            pltpu.sync_copy(srcg.at[pl.ds(base, IB)], src_v)
            pltpu.sync_copy(dstg.at[pl.ds(base, IB)], dst_v)
            pltpu.async_copy(t.at[src_v.at[0]], buf0, sem0)
            pltpu.async_copy(t.at[src_v.at[1]], buf1, sem1)

            def step(i, carry2):
                j = 2 * i
                pltpu.make_async_copy(t.at[src_v.at[j]], buf0, sem0).wait()
                pltpu.sync_copy(buf0, acc.at[dst_v.at[j]], add=True)
                pltpu.async_copy(t.at[src_v.at[j + 2]], buf0, sem0)
                pltpu.make_async_copy(
                    t.at[src_v.at[j + 1]], buf1, sem1).wait()
                pltpu.sync_copy(buf1, acc.at[dst_v.at[j + 1]], add=True)
                pltpu.async_copy(t.at[src_v.at[j + 3]], buf1, sem1)
                return carry2

            lax.fori_loop(0, IB // 2 - 1, step, 0)
            jlast = IB - 2
            pltpu.make_async_copy(t.at[src_v.at[jlast]], buf0, sem0).wait()
            pltpu.sync_copy(buf0, acc.at[dst_v.at[jlast]], add=True)
            pltpu.make_async_copy(t.at[src_v.at[jlast + 1]], buf1, sem1).wait()
            pltpu.sync_copy(buf1, acc.at[dst_v.at[jlast + 1]], add=True)
            return carry

        lax.fori_loop(0, nblk, block, 0)

        plsc.subcore_barrier()
        for hh in range(RPT // LANE):
            pltpu.sync_copy(acc.at[pl.ds(s * RPT + hh * LANE, LANE)], buf0)
            pltpu.sync_copy(
                buf0, aggp.at[pl.ds(c * Np + s * RPT + hh * LANE, LANE)])

    return pl.kernel(
        body,
        out_type=jax.ShapeDtypeStruct((2 * Np, H), jnp.float32),
        mesh=_mesh,
        scratch_types=[
            pltpu.VMEM((IB, LANE), jnp.int32),
            pltpu.VMEM((IB, LANE), jnp.int32),
            pltpu.VMEM((LANE, H), jnp.float32),
            pltpu.VMEM((LANE, H), jnp.float32),
            pltpu.VMEM_SHARED((Np, H), jnp.float32),
            pltpu.SemaphoreType.DMA,
            pltpu.SemaphoreType.DMA,
        ],
    )


def _prep_body(degp_ref, s2_ref):
    deg_out = jnp.maximum(degp_ref[0] + degp_ref[2], 1.0)
    deg_in = jnp.maximum(degp_ref[1] + degp_ref[3], 1.0)
    s2_ref[...] = jnp.concatenate(
        [lax.rsqrt(deg_out)[None], lax.rsqrt(deg_in)[None]], axis=0)


def _tc_prep(degp):
    return pl.pallas_call(
        _prep_body,
        out_shape=jax.ShapeDtypeStruct((2, Np), jnp.float32),
    )(degp)


def _mm_scale_body(x_ref, w_ref, so_ref, o_ref):
    o_ref[...] = jnp.dot(x_ref[...], w_ref[...],
                         preferred_element_type=jnp.float32) * so_ref[...]


def _tc_mm_scale(x, W1, so_col):
    grid = (N // ROWBLK,)
    return pl.pallas_call(
        _mm_scale_body,
        grid=grid,
        in_specs=[
            pl.BlockSpec((ROWBLK, D), lambda i: (i, 0)),
            pl.BlockSpec((D, H), lambda i: (0, 0)),
            pl.BlockSpec((ROWBLK, 1), lambda i: (i, 0)),
        ],
        out_specs=pl.BlockSpec((ROWBLK, H), lambda i: (i, 0)),
        out_shape=jax.ShapeDtypeStruct((N, H), jnp.float32),
    )(x, W1, so_col)


def _layer_body(p_ref, si_ref, so_ref, b_ref, w_ref, o_ref):
    h = jax.nn.relu((p_ref[0] + p_ref[1]) * si_ref[...] + b_ref[...])
    o_ref[...] = jnp.dot(h * so_ref[...], w_ref[...],
                         preferred_element_type=jnp.float32)


def _tc_layer(aggp, si_col, so_col, b1r, W2):
    grid = (N // ROWBLK,)
    return pl.pallas_call(
        _layer_body,
        grid=grid,
        in_specs=[
            pl.BlockSpec((2, ROWBLK, H), lambda i: (0, i, 0)),
            pl.BlockSpec((ROWBLK, 1), lambda i: (i, 0)),
            pl.BlockSpec((ROWBLK, 1), lambda i: (i, 0)),
            pl.BlockSpec((1, H), lambda i: (0, 0)),
            pl.BlockSpec((H, H), lambda i: (0, 0)),
        ],
        out_specs=pl.BlockSpec((ROWBLK, H), lambda i: (i, 0)),
        out_shape=jax.ShapeDtypeStruct((N, H), jnp.float32),
    )(aggp, si_col, so_col, b1r, W2)


def _final_body(p_ref, si_ref, b_ref, wc_ref, bc_ref, wr_ref, br_ref,
                o1_ref, o2_ref, acc_ref):
    i = pl.program_id(0)
    h = jax.nn.relu((p_ref[0] + p_ref[1]) * si_ref[...] + b_ref[...])
    ps = jnp.sum(h, axis=0, keepdims=True)

    @pl.when(i == 0)
    def _():
        acc_ref[...] = ps

    @pl.when(i > 0)
    def _():
        acc_ref[...] = acc_ref[...] + ps

    @pl.when(i == pl.num_programs(0) - 1)
    def _():
        hg = acc_ref[...] * (1.0 / N)
        o1_ref[...] = jnp.dot(hg, wc_ref[...],
                              preferred_element_type=jnp.float32) + bc_ref[...]
        o2_ref[...] = jnp.dot(hg, wr_ref[...],
                              preferred_element_type=jnp.float32) + br_ref[...]


def _tc_final(aggp, si_col, b2r, Wc, bcr, Wr, brr):
    grid = (N // ROWBLK,)
    nc = Wc.shape[1]
    nr = Wr.shape[1]
    return pl.pallas_call(
        _final_body,
        grid=grid,
        in_specs=[
            pl.BlockSpec((2, ROWBLK, H), lambda i: (0, i, 0)),
            pl.BlockSpec((ROWBLK, 1), lambda i: (i, 0)),
            pl.BlockSpec((1, H), lambda i: (0, 0)),
            pl.BlockSpec((H, nc), lambda i: (0, 0)),
            pl.BlockSpec((1, nc), lambda i: (0, 0)),
            pl.BlockSpec((H, nr), lambda i: (0, 0)),
            pl.BlockSpec((1, nr), lambda i: (0, 0)),
        ],
        out_specs=[
            pl.BlockSpec((1, nc), lambda i: (0, 0)),
            pl.BlockSpec((1, nr), lambda i: (0, 0)),
        ],
        out_shape=[
            jax.ShapeDtypeStruct((1, nc), jnp.float32),
            jax.ShapeDtypeStruct((1, nr), jnp.float32),
        ],
        scratch_shapes=[pltpu.VMEM((1, H), jnp.float32)],
    )(aggp, si_col, b2r, Wc, bcr, Wr, brr)


def kernel(x, edge_index, W1, b1, W2, b2, Wc, bc, Wr, br):
    E = edge_index.shape[1]
    per_w = -(-E // (NW * LANE)) * LANE
    ch = per_w // LANE
    if ch % 2:
        ch += 1
        per_w = ch * LANE
    e_pad = NW * per_w - E

    src = edge_index[0]
    dst = edge_index[1]
    pad_i = jnp.arange(e_pad, dtype=jnp.int32)
    pad_node = N + pad_i % (Np - N)
    srcg = jnp.concatenate([src, pad_i % N]).reshape(NW * ch, LANE)
    dstg = jnp.concatenate([dst, pad_node]).reshape(NW * ch, LANE)
    if E % LANE == 0:
        srcd = srcg
    else:
        srcd = jnp.concatenate([src, pad_node]).reshape(NW * ch, LANE)

    degp = _make_degrees(ch, E)(srcd, dstg)
    s2 = _tc_prep(degp.reshape(4, Np))
    so_col = s2[0].reshape(Np, 1)
    si_col = s2[1].reshape(Np, 1)

    segsum = _make_segsum(ch)
    t1 = _tc_mm_scale(x, W1, so_col)
    aggp1 = segsum(t1, srcg, dstg).reshape(2, Np, H)
    t2 = _tc_layer(aggp1, si_col, so_col, b1.reshape(1, H), W2)
    aggp2 = segsum(t2, srcg, dstg).reshape(2, Np, H)
    out_cat, out_cont = _tc_final(
        aggp2, si_col, b2.reshape(1, H), Wc, bc.reshape(1, Wc.shape[1]),
        Wr, br.reshape(1, Wr.shape[1]))
    return (out_cat, out_cont)

# --- scband reference (transcript-rebuilt; emitter-appended) ---
"""Pipeline reference for scband-default-gcnmodel-48601849922224 (READ-ONLY COPY).

The authoritative reference and input builder live on the scoring server;
editing this copy changes nothing except your own understanding.
"""

import jax, jax.numpy as jnp
import numpy as np

N = 10000
E = 320000
D = 128
H = 128
C = 10


def setup_inputs(seed: int = 0) -> dict:
    key = jax.random.key(seed)
    ks = jax.random.split(key, 10)
    x = jax.random.normal(ks[0], (N, D), dtype=jnp.float32)
    edge_index = jax.random.randint(ks[1], (2, E), 0, N, dtype=jnp.int32)
    W1 = jax.random.normal(ks[2], (D, H), dtype=jnp.float32) * (1.0 / np.sqrt(D))
    b1 = jnp.zeros((H,), dtype=jnp.float32)
    W2 = jax.random.normal(ks[3], (H, H), dtype=jnp.float32) * (1.0 / np.sqrt(H))
    b2 = jnp.zeros((H,), dtype=jnp.float32)
    Wc = jax.random.normal(ks[4], (H, C), dtype=jnp.float32) * (1.0 / np.sqrt(H))
    bc = jnp.zeros((C,), dtype=jnp.float32)
    Wr = jax.random.normal(ks[5], (H, 3), dtype=jnp.float32) * (1.0 / np.sqrt(H))
    br = jnp.zeros((3,), dtype=jnp.float32)
    return {"x": x, "edge_index": edge_index, "W1": W1, "b1": b1, "W2": W2,
            "b2": b2, "Wc": Wc, "bc": bc, "Wr": Wr, "br": br}


def _graph_conv(x, src, dst, W, b):
    # DGL GraphConv with norm='both': D_out^{-1/2} A D_in^{-1/2}, weight, bias
    ones = jnp.ones((src.shape[0],), dtype=jnp.float32)
    deg_out = jnp.clip(jax.ops.segment_sum(ones, src, num_segments=N), 1.0)
    deg_in = jnp.clip(jax.ops.segment_sum(ones, dst, num_segments=N), 1.0)
    h = x * (deg_out ** -0.5)[:, None]
    h = h @ W  # apply weight before aggregation (in_feats >= out_feats path)
    agg = jax.ops.segment_sum(h[src], dst, num_segments=N)
    return agg * (deg_in ** -0.5)[:, None] + b


def reference(x, edge_index, W1, b1, W2, b2, Wc, bc, Wr, br):
    src = edge_index[0]
    dst = edge_index[1]
    h = jax.nn.relu(_graph_conv(x, src, dst, W1, b1))
    h = jax.nn.relu(_graph_conv(h, src, dst, W2, b2))
    # dgl.mean_nodes over a single graph -> [1, H]
    hg = jnp.mean(h, axis=0, keepdims=True)
    out_cat = hg @ Wc + bc
    out_cont = hg @ Wr + br
    return (out_cat, out_cont)

if __name__ == "__main__":
    import jax
    _d = setup_inputs()
    print(jax.jit(kernel)(*tuple(_d.values())))

</pallas_src>

<mosaic_0001>
#map = affine_map<(d0, d1) -> (0, 0)>
#map1 = affine_map<(d0, d1) -> (0)>
module attributes {stable_mosaic.version = 14 : i64} {
  func.func @body(%arg0: i32, %arg1: i32, %arg2: memref<2560x128xi32, #tpu.memory_space<hbm>>, %arg3: memref<2560x128xi32, #tpu.memory_space<hbm>>, %arg4: memref<40960xf32, #tpu.memory_space<hbm>>, %arg5: memref<80x128xi32, #tpu.memory_space<vmem>>, %arg6: memref<80x128xi32, #tpu.memory_space<vmem>>, %arg7: memref<128xf32, #tpu.memory_space<vmem>>, %arg8: memref<640xf32, #tpu.memory_space<vmem>>, %arg9: memref<10240xf32, #tpu.memory_space<vmem_shared>>, %arg10: memref<10240xf32, #tpu.memory_space<vmem_shared>>) attributes {dimension_semantics = [#tpu.dimension_semantics<core_parallel>, #tpu.dimension_semantics<subcore_parallel>], iteration_bounds = array<i64: 2, 16>, scalar_prefetch = 0 : i64, scratch_operands = 6 : i64, tpu.core_type = #tpu.core_type<sc_vector_subcore>, window_params = [{transform_indices = #map}, {transform_indices = #map}, {transform_indices = #map1}]} {
    %mul3A = arith.constant 16 : i32
    %mul3A_0 = arith.muli %arg0, %mul3A : i32
    %add3A = arith.addi %mul3A_0, %arg1 : i32
    %mul3A_1 = arith.constant 80 : i32
    %mul3A_2 = arith.muli %add3A, %mul3A_1 : i32
    "tpu.region"() ({
      %run_scoped3A = tpu.sem_alloc : memref<!tpu.dma_semaphore, #tpu.memory_space<semaphore_mem>>
      %dma_start3A = arith.constant 0 : i32
      %dma_start3A_353 = tpu.memref_slice %arg2[%mul3A_2, %dma_start3A] : memref<2560x128xi32, #tpu.memory_space<hbm>> -> memref<80x128xi32, #tpu.memory_space<hbm>>
      %dma_start3A_354 = arith.constant 0 : i32
      %dma_start3A_355 = tpu.memref_slice %arg2[%mul3A_2, %dma_start3A_354] : memref<2560x128xi32, #tpu.memory_space<hbm>> -> memref<80x128xi32, #tpu.memory_space<hbm>>
      tpu.enqueue_dma source(%dma_start3A_355 : memref<80x128xi32, #tpu.memory_space<hbm>>) target(%arg5 : memref<80x128xi32, #tpu.memory_space<vmem>>) target_semaphore(%run_scoped3A : memref<!tpu.dma_semaphore, #tpu.memory_space<semaphore_mem>>)
      %dma_wait3A = arith.constant 0 : i32
      %dma_wait3A_356 = tpu.memref_slice %arg2[%mul3A_2, %dma_wait3A] : memref<2560x128xi32, #tpu.memory_space<hbm>> -> memref<80x128xi32, #tpu.memory_space<hbm>>
      %dma_wait3A_357 = arith.constant 0 : i32
      %dma_wait3A_358 = tpu.memref_slice %arg2[%mul3A_2, %dma_wait3A_357] : memref<2560x128xi32, #tpu.memory_space<hbm>> -> memref<80x128xi32, #tpu.memory_space<hbm>>
      tpu.wait_dma2 semaphore(%run_scoped3A : memref<!tpu.dma_semaphore, #tpu.memory_space<semaphore_mem>>) src(%dma_wait3A_358 : memref<80x128xi32, #tpu.memory_space<hbm>>) dst(%arg5 : memref<80x128xi32, #tpu.memory_space<vmem>>)
      tpu.yield
    }) : () -> ()
    %mul3A_3 = arith.constant 80 : i32
    %mul3A_4 = arith.muli %add3A, %mul3A_3 : i32
    "tpu.region"() ({
      %run_scoped3A = tpu.sem_alloc : memref<!tpu.dma_semaphore, #tpu.memory_space<semaphore_mem>>
      %dma_start3A = arith.constant 0 : i32
      %dma_start3A_353 = tpu.memref_slice %arg3[%mul3A_4, %dma_start3A] : memref<2560x128xi32, #tpu.memory_space<hbm>> -> memref<80x128xi32, #tpu.memory_space<hbm>>
      %dma_start3A_354 = arith.constant 0 : i32
      %dma_start3A_355 = tpu.memref_slice %arg3[%mul3A_4, %dma_start3A_354] : memref<2560x128xi32, #tpu.memory_space<hbm>> -> memref<80x128xi32, #tpu.memory_space<hbm>>
      tpu.enqueue_dma source(%dma_start3A_355 : memref<80x128xi32, #tpu.memory_space<hbm>>) target(%arg6 : memref<80x128xi32, #tpu.memory_space<vmem>>) target_semaphore(%run_scoped3A : memref<!tpu.dma_semaphore, #tpu.memory_space<semaphore_mem>>)
      %dma_wait3A = arith.constant 0 : i32
      %dma_wait3A_356 = tpu.memref_slice %arg3[%mul3A_4, %dma_wait3A] : memref<2560x128xi32, #tpu.memory_space<hbm>> -> memref<80x128xi32, #tpu.memory_space<hbm>>
      %dma_wait3A_357 = arith.constant 0 : i32
      %dma_wait3A_358 = tpu.memref_slice %arg3[%mul3A_4, %dma_wait3A_357] : memref<2560x128xi32, #tpu.memory_space<hbm>> -> memref<80x128xi32, #tpu.memory_space<hbm>>
      tpu.wait_dma2 semaphore(%run_scoped3A : memref<!tpu.dma_semaphore, #tpu.memory_space<semaphore_mem>>) src(%dma_wait3A_358 : memref<80x128xi32, #tpu.memory_space<hbm>>) dst(%arg6 : memref<80x128xi32, #tpu.memory_space<vmem>>)
      tpu.yield
    }) : () -> ()
    %broadcast_in_dim3A = arith.constant 1.000000e+00 : f32
    %broadcast_in_dim3A_5 = vector.broadcast %broadcast_in_dim3A : f32 to vector<16xf32>
    %swap3A = arith.constant 0 : index
    %swap3A_6 = tpu.vector_load %arg7[%swap3A] {strides = array<i32>} : memref<128xf32, #tpu.memory_space<vmem>>, vector<16xf32>,
    %swap3A_7 = vector.shape_cast %swap3A_6 : vector<16xf32> to vector<16xf32>
    %swap3A_8 = vector.shape_cast %broadcast_in_dim3A_5 : vector<16xf32> to vector<16xf32>
    tpu.vector_store %arg7[%swap3A], %swap3A_8 {strides = array<i32>} : memref<128xf32, #tpu.memory_space<vmem>>, vector<16xf32>,
    %broadcast_in_dim3A_9 = arith.constant 1.000000e+00 : f32
    %broadcast_in_dim3A_10 = vector.broadcast %broadcast_in_dim3A_9 : f32 to vector<16xf32>
    %swap3A_11 = arith.constant 16 : index
    %swap3A_12 = tpu.vector_load %arg7[%swap3A_11] {strides = array<i32>} : memref<128xf32, #tpu.memory_space<vmem>>, vector<16xf32>,
    %swap3A_13 = vector.shape_cast %swap3A_12 : vector<16xf32> to vector<16xf32>
    %swap3A_14 = vector.shape_cast %broadcast_in_dim3A_10 : vector<16xf32> to vector<16xf32>
    tpu.vector_store %arg7[%swap3A_11], %swap3A_14 {strides = array<i32>} : memref<128xf32, #tpu.memory_space<vmem>>, vector<16xf32>,
    %broadcast_in_dim3A_15 = arith.constant 1.000000e+00 : f32
    %broadcast_in_dim3A_16 = vector.broadcast %broadcast_in_dim3A_15 : f32 to vector<16xf32>
    %swap3A_17 = arith.constant 32 : index
    %swap3A_18 = tpu.vector_load %arg7[%swap3A_17] {strides = array<i32>} : memref<128xf32, #tpu.memory_space<vmem>>, vector<16xf32>,
    %swap3A_19 = vector.shape_cast %swap3A_18 : vector<16xf32> to vector<16xf32>
    %swap3A_20 = vector.shape_cast %broadcast_in_dim3A_16 : vector<16xf32> to vector<16xf32>
    tpu.vector_store %arg7[%swap3A_17], %swap3A_20 {strides = array<i32>} : memref<128xf32, #tpu.memory_space<vmem>>, vector<16xf32>,
    %broadcast_in_dim3A_21 = arith.constant 1.000000e+00 : f32
    %broadcast_in_dim3A_22 = vector.broadcast %broadcast_in_dim3A_21 : f32 to vector<16xf32>
    %swap3A_23 = arith.constant 48 : index
    %swap3A_24 = tpu.vector_load %arg7[%swap3A_23] {strides = array<i32>} : memref<128xf32, #tpu.memory_space<vmem>>, vector<16xf32>,
    %swap3A_25 = vector.shape_cast %swap3A_24 : vector<16xf32> to vector<16xf32>
    %swap3A_26 = vector.shape_cast %broadcast_in_dim3A_22 : vector<16xf32> to vector<16xf32>
    tpu.vector_store %arg7[%swap3A_23], %swap3A_26 {strides = array<i32>} : memref<128xf32, #tpu.memory_space<vmem>>, vector<16xf32>,
    %broadcast_in_dim3A_27 = arith.constant 1.000000e+00 : f32
    %broadcast_in_dim3A_28 = vector.broadcast %broadcast_in_dim3A_27 : f32 to vector<16xf32>
    %swap3A_29 = arith.constant 64 : index
    %swap3A_30 = tpu.vector_load %arg7[%swap3A_29] {strides = array<i32>} : memref<128xf32, #tpu.memory_space<vmem>>, vector<16xf32>,
    %swap3A_31 = vector.shape_cast %swap3A_30 : vector<16xf32> to vector<16xf32>
    %swap3A_32 = vector.shape_cast %broadcast_in_dim3A_28 : vector<16xf32> to vector<16xf32>
    tpu.vector_store %arg7[%swap3A_29], %swap3A_32 {strides = array<i32>} : memref<128xf32, #tpu.memory_space<vmem>>, vector<16xf32>,
    %broadcast_in_dim3A_33 = arith.constant 1.000000e+00 : f32
    %broadcast_in_dim3A_34 = vector.broadcast %broadcast_in_dim3A_33 : f32 to vector<16xf32>
    %swap3A_35 = arith.constant 80 : index
    %swap3A_36 = tpu.vector_load %arg7[%swap3A_35] {strides = array<i32>} : memref<128xf32, #tpu.memory_space<vmem>>, vector<16xf32>,
    %swap3A_37 = vector.shape_cast %swap3A_36 : vector<16xf32> to vector<16xf32>
    %swap3A_38 = vector.shape_cast %broadcast_in_dim3A_34 : vector<16xf32> to vector<16xf32>
    tpu.vector_store %arg7[%swap3A_35], %swap3A_38 {strides = array<i32>} : memref<128xf32, #tpu.memory_space<vmem>>, vector<16xf32>,
    %broadcast_in_dim3A_39 = arith.constant 1.000000e+00 : f32
    %broadcast_in_dim3A_40 = vector.broadcast %broadcast_in_dim3A_39 : f32 to vector<16xf32>
    %swap3A_41 = arith.constant 96 : index
    %swap3A_42 = tpu.vector_load %arg7[%swap3A_41] {strides = array<i32>} : memref<128xf32, #tpu.memory_space<vmem>>, vector<16xf32>,
    %swap3A_43 = vector.shape_cast %swap3A_42 : vector<16xf32> to vector<16xf32>
    %swap3A_44 = vector.shape_cast %broadcast_in_dim3A_40 : vector<16xf32> to vector<16xf32>
    tpu.vector_store %arg7[%swap3A_41], %swap3A_44 {strides = array<i32>} : memref<128xf32, #tpu.memory_space<vmem>>, vector<16xf32>,
    %broadcast_in_dim3A_45 = arith.constant 1.000000e+00 : f32
    %broadcast_in_dim3A_46 = vector.broadcast %broadcast_in_dim3A_45 : f32 to vector<16xf32>
    %swap3A_47 = arith.constant 112 : index
    %swap3A_48 = tpu.vector_load %arg7[%swap3A_47] {strides = array<i32>} : memref<128xf32, #tpu.memory_space<vmem>>, vector<16xf32>,
    %swap3A_49 = vector.shape_cast %swap3A_48 : vector<16xf32> to vector<16xf32>
    %swap3A_50 = vector.shape_cast %broadcast_in_dim3A_46 : vector<16xf32> to vector<16xf32>
    tpu.vector_store %arg7[%swap3A_47], %swap3A_50 {strides = array<i32>} : memref<128xf32, #tpu.memory_space<vmem>>, vector<16xf32>,
    %broadcast_in_dim3A_51 = arith.constant 0.000000e+00 : f32
    %broadcast_in_dim3A_52 = vector.broadcast %broadcast_in_dim3A_51 : f32 to vector<16xf32>
    %swap3A_53 = arith.constant 0 : index
    %swap3A_54 = tpu.vector_load %arg8[%swap3A_53] {strides = array<i32>} : memref<640xf32, #tpu.memory_space<vmem>>, vector<16xf32>,
    %swap3A_55 = vector.shape_cast %swap3A_54 : vector<16xf32> to vector<16xf32>
    %swap3A_56 = vector.shape_cast %broadcast_in_dim3A_52 : vector<16xf32> to vector<16xf32>
    tpu.vector_store %arg8[%swap3A_53], %swap3A_56 {strides = array<i32>} : memref<640xf32, #tpu.memory_space<vmem>>, vector<16xf32>,
    %broadcast_in_dim3A_57 = arith.constant 0.000000e+00 : f32
    %broadcast_in_dim3A_58 = vector.broadcast %broadcast_in_dim3A_57 : f32 to vector<16xf32>
    %swap3A_59 = arith.constant 16 : index
    %swap3A_60 = tpu.vector_load %arg8[%swap3A_59] {strides = array<i32>} : memref<640xf32, #tpu.memory_space<vmem>>, vector<16xf32>,
    %swap3A_61 = vector.shape_cast %swap3A_60 : vector<16xf32> to vector<16xf32>
    %swap3A_62 = vector.shape_cast %broadcast_in_dim3A_58 : vector<16xf32> to vector<16xf32>
    tpu.vector_store %arg8[%swap3A_59], %swap3A_62 {strides = array<i32>} : memref<640xf32, #tpu.memory_space<vmem>>, vector<16xf32>,
    %broadcast_in_dim3A_63 = arith.constant 0.000000e+00 : f32
    %broadcast_in_dim3A_64 = vector.broadcast %broadcast_in_dim3A_63 : f32 to vector<16xf32>
    %swap3A_65 = arith.constant 32 : index
    %swap3A_66 = tpu.vector_load %arg8[%swap3A_65] {strides = array<i32>} : memref<640xf32, #tpu.memory_space<vmem>>, vector<16xf32>,
    %swap3A_67 = vector.shape_cast %swap3A_66 : vector<16xf32> to vector<16xf32>
    %swap3A_68 = vector.shape_cast %broadcast_in_dim3A_64 : vector<16xf32> to vector<16xf32>
    tpu.vector_store %arg8[%swap3A_65], %swap3A_68 {strides = array<i32>} : memref<640xf32, #tpu.memory_space<vmem>>, vector<16xf32>,
    %broadcast_in_dim3A_69 = arith.constant 0.000000e+00 : f32
    %broadcast_in_dim3A_70 = vector.broadcast %broadcast_in_dim3A_69 : f32 to vector<16xf32>
    %swap3A_71 = arith.constant 48 : index
    %swap3A_72 = tpu.vector_load %arg8[%swap3A_71] {strides = array<i32>} : memref<640xf32, #tpu.memory_space<vmem>>, vector<16xf32>,
    %swap3A_73 = vector.shape_cast %swap3A_72 : vector<16xf32> to vector<16xf32>
    %swap3A_74 = vector.shape_cast %broadcast_in_dim3A_70 : vector<16xf32> to vector<16xf32>
    tpu.vector_store %arg8[%swap3A_71], %swap3A_74 {strides = array<i32>} : memref<640xf32, #tpu.memory_space<vmem>>, vector<16xf32>,
    %broadcast_in_dim3A_75 = arith.constant 0.000000e+00 : f32
    %broadcast_in_dim3A_76 = vector.broadcast %broadcast_in_dim3A_75 : f32 to vector<16xf32>
    %swap3A_77 = arith.constant 64 : index
    %swap3A_78 = tpu.vector_load %arg8[%swap3A_77] {strides = array<i32>} : memref<640xf32, #tpu.memory_space<vmem>>, vector<16xf32>,
    %swap3A_79 = vector.shape_cast %swap3A_78 : vector<16xf32> to vector<16xf32>
    %swap3A_80 = vector.shape_cast %broadcast_in_dim3A_76 : vector<16xf32> to vector<16xf32>
    tpu.vector_store %arg8[%swap3A_77], %swap3A_80 {strides = array<i32>} : memref<640xf32, #tpu.memory_space<vmem>>, vector<16xf32>,
    %broadcast_in_dim3A_81 = arith.constant 0.000000e+00 : f32
    %broadcast_in_dim3A_82 = vector.broadcast %broadcast_in_dim3A_81 : f32 to vector<16xf32>
    %swap3A_83 = arith.constant 80 : index
    %swap3A_84 = tpu.vector_load %arg8[%swap3A_83] {strides = array<i32>} : memref<640xf32, #tpu.memory_space<vmem>>, vector<16xf32>,
    %swap3A_85 = vector.shape_cast %swap3A_84 : vector<16xf32> to vector<16xf32>
    %swap3A_86 = vector.shape_cast %broadcast_in_dim3A_82 : vector<16xf32> to vector<16xf32>
    tpu.vector_store %arg8[%swap3A_83], %swap3A_86 {strides = array<i32>} : memref<640xf32, #tpu.memory_space<vmem>>, vector<16xf32>,
    %broadcast_in_dim3A_87 = arith.constant 0.000000e+00 : f32
    %broadcast_in_dim3A_88 = vector.broadcast %broadcast_in_dim3A_87 : f32 to vector<16xf32>
    %swap3A_89 = arith.constant 96 : index
    %swap3A_90 = tpu.vector_load %arg8[%swap3A_89] {strides = array<i32>} : memref<640xf32, #tpu.memory_space<vmem>>, vector<16xf32>,
    %swap3A_91 = vector.shape_cast %swap3A_90 : vector<16xf32> to vector<16xf32>
    %swap3A_92 = vector.shape_cast %broadcast_in_dim3A_88 : vector<16xf32> to vector<16xf32>
    tpu.vector_store %arg8[%swap3A_89], %swap3A_92 {strides = array<i32>} : memref<640xf32, #tpu.memory_space<vmem>>, vector<16xf32>,
    %broadcast_in_dim3A_93 = arith.constant 0.000000e+00 : f32
    %broadcast_in_dim3A_94 = vector.broadcast %broadcast_in_dim3A_93 : f32 to vector<16xf32>
    %swap3A_95 = arith.constant 112 : index
    %swap3A_96 = tpu.vector_load %arg8[%swap3A_95] {strides = array<i32>} : memref<640xf32, #tpu.memory_space<vmem>>, vector<16xf32>,
    %swap3A_97 = vector.shape_cast %swap3A_96 : vector<16xf32> to vector<16xf32>
    %swap3A_98 = vector.shape_cast %broadcast_in_dim3A_94 : vector<16xf32> to vector<16xf32>
    tpu.vector_store %arg8[%swap3A_95], %swap3A_98 {strides = array<i32>} : memref<640xf32, #tpu.memory_space<vmem>>, vector<16xf32>,
    %broadcast_in_dim3A_99 = arith.constant 0.000000e+00 : f32
    %broadcast_in_dim3A_100 = vector.broadcast %broadcast_in_dim3A_99 : f32 to vector<16xf32>
    %swap3A_101 = arith.constant 128 : index
    %swap3A_102 = tpu.vector_load %arg8[%swap3A_101] {strides = array<i32>} : memref<640xf32, #tpu.memory_space<vmem>>, vector<16xf32>,
    %swap3A_103 = vector.shape_cast %swap3A_102 : vector<16xf32> to vector<16xf32>
    %swap3A_104 = vector.shape_cast %broadcast_in_dim3A_100 : vector<16xf32> to vector<16xf32>
    tpu.vector_store %arg8[%swap3A_101], %swap3A_104 {strides = array<i32>} : memref<640xf32, #tpu.memory_space<vmem>>, vector<16xf32>,
    %broadcast_in_dim3A_105 = arith.constant 0.000000e+00 : f32
    %broadcast_in_dim3A_106 = vector.broadcast %broadcast_in_dim3A_105 : f32 to vector<16xf32>
    %swap3A_107 = arith.constant 144 : index
    %swap3A_108 = tpu.vector_load %arg8[%swap3A_107] {strides = array<i32>} : memref<640xf32, #tpu.memory_space<vmem>>, vector<16xf32>,
    %swap3A_109 = vector.shape_cast %swap3A_108 : vector<16xf32> to vector<16xf32>
    %swap3A_110 = vector.shape_cast %broadcast_in_dim3A_106 : vector<16xf32> to vector<16xf32>
    tpu.vector_store %arg8[%swap3A_107], %swap3A_110 {strides = array<i32>} : memref<640xf32, #tpu.memory_space<vmem>>, vector<16xf32>,
    %broadcast_in_dim3A_111 = arith.constant 0.000000e+00 : f32
    %broadcast_in_dim3A_112 = vector.broadcast %broadcast_in_dim3A_111 : f32 to vector<16xf32>
    %swap3A_113 = arith.constant 160 : index
    %swap3A_114 = tpu.vector_load %arg8[%swap3A_113] {strides = array<i32>} : memref<640xf32, #tpu.memory_space<vmem>>, vector<16xf32>,
    %swap3A_115 = vector.shape_cast %swap3A_114 : vector<16xf32> to vector<16xf32>
    %swap3A_116 = vector.shape_cast %broadcast_in_dim3A_112 : vector<16xf32> to vector<16xf32>
    tpu.vector_store %arg8[%swap3A_113], %swap3A_116 {strides = array<i32>} : memref<640xf32, #tpu.memory_space<vmem>>, vector<16xf32>,
    %broadcast_in_dim3A_117 = arith.constant 0.000000e+00 : f32
    %broadcast_in_dim3A_118 = vector.broadcast %broadcast_in_dim3A_117 : f32 to vector<16xf32>
    %swap3A_119 = arith.constant 176 : index
    %swap3A_120 = tpu.vector_load %arg8[%swap3A_119] {strides = array<i32>} : memref<640xf32, #tpu.memory_space<vmem>>, vector<16xf32>,
    %swap3A_121 = vector.shape_cast %swap3A_120 : vector<16xf32> to vector<16xf32>
    %swap3A_122 = vector.shape_cast %broadcast_in_dim3A_118 : vector<16xf32> to vector<16xf32>
    tpu.vector_store %arg8[%swap3A_119], %swap3A_122 {strides = array<i32>} : memref<640xf32, #tpu.memory_space<vmem>>, vector<16xf32>,
    %broadcast_in_dim3A_123 = arith.constant 0.000000e+00 : f32
    %broadcast_in_dim3A_124 = vector.broadcast %broadcast_in_dim3A_123 : f32 to vector<16xf32>
    %swap3A_125 = arith.constant 192 : index
    %swap3A_126 = tpu.vector_load %arg8[%swap3A_125] {strides = array<i32>} : memref<640xf32, #tpu.memory_space<vmem>>, vector<16xf32>,
    %swap3A_127 = vector.shape_cast %swap3A_126 : vector<16xf32> to vector<16xf32>
    %swap3A_128 = vector.shape_cast %broadcast_in_dim3A_124 : vector<16xf32> to vector<16xf32>
    tpu.vector_store %arg8[%swap3A_125], %swap3A_128 {strides = array<i32>} : memref<640xf32, #tpu.memory_space<vmem>>, vector<16xf32>,
    %broadcast_in_dim3A_129 = arith.constant 0.000000e+00 : f32
    %broadcast_in_dim3A_130 = vector.broadcast %broadcast_in_dim3A_129 : f32 to vector<16xf32>
    %swap3A_131 = arith.constant 208 : index
    %swap3A_132 = tpu.vector_load %arg8[%swap3A_131] {strides = array<i32>} : memref<640xf32, #tpu.memory_space<vmem>>, vector<16xf32>,
    %swap3A_133 = vector.shape_cast %swap3A_132 : vector<16xf32> to vector<16xf32>
    %swap3A_134 = vector.shape_cast %broadcast_in_dim3A_130 : vector<16xf32> to vector<16xf32>
    tpu.vector_store %arg8[%swap3A_131], %swap3A_134 {strides = array<i32>} : memref<640xf32, #tpu.memory_space<vmem>>, vector<16xf32>,
    %broadcast_in_dim3A_135 = arith.constant 0.000000e+00 : f32
    %broadcast_in_dim3A_136 = vector.broadcast %broadcast_in_dim3A_135 : f32 to vector<16xf32>
    %swap3A_137 = arith.constant 224 : index
    %swap3A_138 = tpu.vector_load %arg8[%swap3A_137] {strides = array<i32>} : memref<640xf32, #tpu.memory_space<vmem>>, vector<16xf32>,
    %swap3A_139 = vector.shape_cast %swap3A_138 : vector<16xf32> to vector<16xf32>
    %swap3A_140 = vector.shape_cast %broadcast_in_dim3A_136 : vector<16xf32> to vector<16xf32>
    tpu.vector_store %arg8[%swap3A_137], %swap3A_140 {strides = array<i32>} : memref<640xf32, #tpu.memory_space<vmem>>, vector<16xf32>,
    %broadcast_in_dim3A_141 = arith.constant 0.000000e+00 : f32
    %broadcast_in_dim3A_142 = vector.broadcast %broadcast_in_dim3A_141 : f32 to vector<16xf32>
    %swap3A_143 = arith.constant 240 : index
    %swap3A_144 = tpu.vector_load %arg8[%swap3A_143] {strides = array<i32>} : memref<640xf32, #tpu.memory_space<vmem>>, vector<16xf32>,
    %swap3A_145 = vector.shape_cast %swap3A_144 : vector<16xf32> to vector<16xf32>
    %swap3A_146 = vector.shape_cast %broadcast_in_dim3A_142 : vector<16xf32> to vector<16xf32>
    tpu.vector_store %arg8[%swap3A_143], %swap3A_146 {strides = array<i32>} : memref<640xf32, #tpu.memory_space<vmem>>, vector<16xf32>,
    %broadcast_in_dim3A_147 = arith.constant 0.000000e+00 : f32
    %broadcast_in_dim3A_148 = vector.broadcast %broadcast_in_dim3A_147 : f32 to vector<16xf32>
    %swap3A_149 = arith.constant 256 : index
    %swap3A_150 = tpu.vector_load %arg8[%swap3A_149] {strides = array<i32>} : memref<640xf32, #tpu.memory_space<vmem>>, vector<16xf32>,
    %swap3A_151 = vector.shape_cast %swap3A_150 : vector<16xf32> to vector<16xf32>
    %swap3A_152 = vector.shape_cast %broadcast_in_dim3A_148 : vector<16xf32> to vector<16xf32>
    tpu.vector_store %arg8[%swap3A_149], %swap3A_152 {strides = array<i32>} : memref<640xf32, #tpu.memory_space<vmem>>, vector<16xf32>,
    %broadcast_in_dim3A_153 = arith.constant 0.000000e+00 : f32
    %broadcast_in_dim3A_154 = vector.broadcast %broadcast_in_dim3A_153 : f32 to vector<16xf32>
    %swap3A_155 = arith.constant 272 : index
    %swap3A_156 = tpu.vector_load %arg8[%swap3A_155] {strides = array<i32>} : memref<640xf32, #tpu.memory_space<vmem>>, vector<16xf32>,
    %swap3A_157 = vector.shape_cast %swap3A_156 : vector<16xf32> to vector<16xf32>
    %swap3A_158 = vector.shape_cast %broadcast_in_dim3A_154 : vector<16xf32> to vector<16xf32>
    tpu.vector_store %arg8[%swap3A_155], %swap3A_158 {strides = array<i32>} : memref<640xf32, #tpu.memory_space<vmem>>, vector<16xf32>,
    %broadcast_in_dim3A_159 = arith.constant 0.000000e+00 : f32
    %broadcast_in_dim3A_160 = vector.broadcast %broadcast_in_dim3A_159 : f32 to vector<16xf32>
    %swap3A_161 = arith.constant 288 : index
    %swap3A_162 = tpu.vector_load %arg8[%swap3A_161] {strides = array<i32>} : memref<640xf32, #tpu.memory_space<vmem>>, vector<16xf32>,
    %swap3A_163 = vector.shape_cast %swap3A_162 : vector<16xf32> to vector<16xf32>
    %swap3A_164 = vector.shape_cast %broadcast_in_dim3A_160 : vector<16xf32> to vector<16xf32>
    tpu.vector_store %arg8[%swap3A_161], %swap3A_164 {strides = array<i32>} : memref<640xf32, #tpu.memory_space<vmem>>, vector<16xf32>,
    %broadcast_in_dim3A_165 = arith.constant 0.000000e+00 : f32
    %broadcast_in_dim3A_166 = vector.broadcast %broadcast_in_dim3A_165 : f32 to vector<16xf32>
    %swap3A_167 = arith.constant 304 : index
    %swap3A_168 = tpu.vector_load %arg8[%swap3A_167] {strides = array<i32>} : memref<640xf32, #tpu.memory_space<vmem>>, vector<16xf32>,
    %swap3A_169 = vector.shape_cast %swap3A_168 : vector<16xf32> to vector<16xf32>
    %swap3A_170 = vector.shape_cast %broadcast_in_dim3A_166 : vector<16xf32> to vector<16xf32>
    tpu.vector_store %arg8[%swap3A_167], %swap3A_170 {strides = array<i32>} : memref<640xf32, #tpu.memory_space<vmem>>, vector<16xf32>,
    %broadcast_in_dim3A_171 = arith.constant 0.000000e+00 : f32
    %broadcast_in_dim3A_172 = vector.broadcast %broadcast_in_dim3A_171 : f32 to vector<16xf32>
    %swap3A_173 = arith.constant 320 : index
    %swap3A_174 = tpu.vector_load %arg8[%swap3A_173] {strides = array<i32>} : memref<640xf32, #tpu.memory_space<vmem>>, vector<16xf32>,
    %swap3A_175 = vector.shape_cast %swap3A_174 : vector<16xf32> to vector<16xf32>
    %swap3A_176 = vector.shape_cast %broadcast_in_dim3A_172 : vector<16xf32> to vector<16xf32>
    tpu.vector_store %arg8[%swap3A_173], %swap3A_176 {strides = array<i32>} : memref<640xf32, #tpu.memory_space<vmem>>, vector<16xf32>,
    %broadcast_in_dim3A_177 = arith.constant 0.000000e+00 : f32
    %broadcast_in_dim3A_178 = vector.broadcast %broadcast_in_dim3A_177 : f32 to vector<16xf32>
    %swap3A_179 = arith.constant 336 : index
    %swap3A_180 = tpu.vector_load %arg8[%swap3A_179] {strides = array<i32>} : memref<640xf32, #tpu.memory_space<vmem>>, vector<16xf32>,
    %swap3A_181 = vector.shape_cast %swap3A_180 : vector<16xf32> to vector<16xf32>
    %swap3A_182 = vector.shape_cast %broadcast_in_dim3A_178 : vector<16xf32> to vector<16xf32>
    tpu.vector_store %arg8[%swap3A_179], %swap3A_182 {strides = array<i32>} : memref<640xf32, #tpu.memory_space<vmem>>, vector<16xf32>,
    %broadcast_in_dim3A_183 = arith.constant 0.000000e+00 : f32
    %broadcast_in_dim3A_184 = vector.broadcast %broadcast_in_dim3A_183 : f32 to vector<16xf32>
    %swap3A_185 = arith.constant 352 : index
    %swap3A_186 = tpu.vector_load %arg8[%swap3A_185] {strides = array<i32>} : memref<640xf32, #tpu.memory_space<vmem>>, vector<16xf32>,
    %swap3A_187 = vector.shape_cast %swap3A_186 : vector<16xf32> to vector<16xf32>
    %swap3A_188 = vector.shape_cast %broadcast_in_dim3A_184 : vector<16xf32> to vector<16xf32>
    tpu.vector_store %arg8[%swap3A_185], %swap3A_188 {strides = array<i32>} : memref<640xf32, #tpu.memory_space<vmem>>, vector<16xf32>,
    %broadcast_in_dim3A_189 = arith.constant 0.000000e+00 : f32
    %broadcast_in_dim3A_190 = vector.broadcast %broadcast_in_dim3A_189 : f32 to vector<16xf32>
    %swap3A_191 = arith.constant 368 : index
    %swap3A_192 = tpu.vector_load %arg8[%swap3A_191] {strides = array<i32>} : memref<640xf32, #tpu.memory_space<vmem>>, vector<16xf32>,
    %swap3A_193 = vector.shape_cast %swap3A_192 : vector<16xf32> to vector<16xf32>
    %swap3A_194 = vector.shape_cast %broadcast_in_dim3A_190 : vector<16xf32> to vector<16xf32>
    tpu.vector_store %arg8[%swap3A_191], %swap3A_194 {strides = array<i32>} : memref<640xf32, #tpu.memory_space<vmem>>, vector<16xf32>,
    %broadcast_in_dim3A_195 = arith.constant 0.000000e+00 : f32
    %broadcast_in_dim3A_196 = vector.broadcast %broadcast_in_dim3A_195 : f32 to vector<16xf32>
    %swap3A_197 = arith.constant 384 : index
    %swap3A_198 = tpu.vector_load %arg8[%swap3A_197] {strides = array<i32>} : memref<640xf32, #tpu.memory_space<vmem>>, vector<16xf32>,
    %swap3A_199 = vector.shape_cast %swap3A_198 : vector<16xf32> to vector<16xf32>
    %swap3A_200 = vector.shape_cast %broadcast_in_dim3A_196 : vector<16xf32> to vector<16xf32>
    tpu.vector_store %arg8[%swap3A_197], %swap3A_200 {strides = array<i32>} : memref<640xf32, #tpu.memory_space<vmem>>, vector<16xf32>,
    %broadcast_in_dim3A_201 = arith.constant 0.000000e+00 : f32
    %broadcast_in_dim3A_202 = vector.broadcast %broadcast_in_dim3A_201 : f32 to vector<16xf32>
    %swap3A_203 = arith.constant 400 : index
    %swap3A_204 = tpu.vector_load %arg8[%swap3A_203] {strides = array<i32>} : memref<640xf32, #tpu.memory_space<vmem>>, vector<16xf32>,
    %swap3A_205 = vector.shape_cast %swap3A_204 : vector<16xf32> to vector<16xf32>
    %swap3A_206 = vector.shape_cast %broadcast_in_dim3A_202 : vector<16xf32> to vector<16xf32>
    tpu.vector_store %arg8[%swap3A_203], %swap3A_206 {strides = array<i32>} : memref<640xf32, #tpu.memory_space<vmem>>, vector<16xf32>,
    %broadcast_in_dim3A_207 = arith.constant 0.000000e+00 : f32
    %broadcast_in_dim3A_208 = vector.broadcast %broadcast_in_dim3A_207 : f32 to vector<16xf32>
    %swap3A_209 = arith.constant 416 : index
    %swap3A_210 = tpu.vector_load %arg8[%swap3A_209] {strides = array<i32>} : memref<640xf32, #tpu.memory_space<vmem>>, vector<16xf32>,
    %swap3A_211 = vector.shape_cast %swap3A_210 : vector<16xf32> to vector<16xf32>
    %swap3A_212 = vector.shape_cast %broadcast_in_dim3A_208 : vector<16xf32> to vector<16xf32>
    tpu.vector_store %arg8[%swap3A_209], %swap3A_212 {strides = array<i32>} : memref<640xf32, #tpu.memory_space<vmem>>, vector<16xf32>,
    %broadcast_in_dim3A_213 = arith.constant 0.000000e+00 : f32
    %broadcast_in_dim3A_214 = vector.broadcast %broadcast_in_dim3A_213 : f32 to vector<16xf32>
    %swap3A_215 = arith.constant 432 : index
    %swap3A_216 = tpu.vector_load %arg8[%swap3A_215] {strides = array<i32>} : memref<640xf32, #tpu.memory_space<vmem>>, vector<16xf32>,
    %swap3A_217 = vector.shape_cast %swap3A_216 : vector<16xf32> to vector<16xf32>
    %swap3A_218 = vector.shape_cast %broadcast_in_dim3A_214 : vector<16xf32> to vector<16xf32>
    tpu.vector_store %arg8[%swap3A_215], %swap3A_218 {strides = array<i32>} : memref<640xf32, #tpu.memory_space<vmem>>, vector<16xf32>,
    %broadcast_in_dim3A_219 = arith.constant 0.000000e+00 : f32
    %broadcast_in_dim3A_220 = vector.broadcast %broadcast_in_dim3A_219 : f32 to vector<16xf32>
    %swap3A_221 = arith.constant 448 : index
    %swap3A_222 = tpu.vector_load %arg8[%swap3A_221] {strides = array<i32>} : memref<640xf32, #tpu.memory_space<vmem>>, vector<16xf32>,
    %swap3A_223 = vector.shape_cast %swap3A_222 : vector<16xf32> to vector<16xf32>
    %swap3A_224 = vector.shape_cast %broadcast_in_dim3A_220 : vector<16xf32> to vector<16xf32>
    tpu.vector_store %arg8[%swap3A_221], %swap3A_224 {strides = array<i32>} : memref<640xf32, #tpu.memory_space<vmem>>, vector<16xf32>,
    %broadcast_in_dim3A_225 = arith.constant 0.000000e+00 : f32
    %broadcast_in_dim3A_226 = vector.broadcast %broadcast_in_dim3A_225 : f32 to vector<16xf32>
    %swap3A_227 = arith.constant 464 : index
    %swap3A_228 = tpu.vector_load %arg8[%swap3A_227] {strides = array<i32>} : memref<640xf32, #tpu.memory_space<vmem>>, vector<16xf32>,
    %swap3A_229 = vector.shape_cast %swap3A_228 : vector<16xf32> to vector<16xf32>
    %swap3A_230 = vector.shape_cast %broadcast_in_dim3A_226 : vector<16xf32> to vector<16xf32>
    tpu.vector_store %arg8[%swap3A_227], %swap3A_230 {strides = array<i32>} : memref<640xf32, #tpu.memory_space<vmem>>, vector<16xf32>,
    %broadcast_in_dim3A_231 = arith.constant 0.000000e+00 : f32
    %broadcast_in_dim3A_232 = vector.broadcast %broadcast_in_dim3A_231 : f32 to vector<16xf32>
    %swap3A_233 = arith.constant 480 : index
    %swap3A_234 = tpu.vector_load %arg8[%swap3A_233] {strides = array<i32>} : memref<640xf32, #tpu.memory_space<vmem>>, vector<16xf32>,
    %swap3A_235 = vector.shape_cast %swap3A_234 : vector<16xf32> to vector<16xf32>
    %swap3A_236 = vector.shape_cast %broadcast_in_dim3A_232 : vector<16xf32> to vector<16xf32>
    tpu.vector_store %arg8[%swap3A_233], %swap3A_236 {strides = array<i32>} : memref<640xf32, #tpu.memory_space<vmem>>, vector<16xf32>,
    %broadcast_in_dim3A_237 = arith.constant 0.000000e+00 : f32
    %broadcast_in_dim3A_238 = vector.broadcast %broadcast_in_dim3A_237 : f32 to vector<16xf32>
    %swap3A_239 = arith.constant 496 : index
    %swap3A_240 = tpu.vector_load %arg8[%swap3A_239] {strides = array<i32>} : memref<640xf32, #tpu.memory_space<vmem>>, vector<16xf32>,
    %swap3A_241 = vector.shape_cast %swap3A_240 : vector<16xf32> to vector<16xf32>
    %swap3A_242 = vector.shape_cast %broadcast_in_dim3A_238 : vector<16xf32> to vector<16xf32>
    tpu.vector_store %arg8[%swap3A_239], %swap3A_242 {strides = array<i32>} : memref<640xf32, #tpu.memory_space<vmem>>, vector<16xf32>,
    %broadcast_in_dim3A_243 = arith.constant 0.000000e+00 : f32
    %broadcast_in_dim3A_244 = vector.broadcast %broadcast_in_dim3A_243 : f32 to vector<16xf32>
    %swap3A_245 = arith.constant 512 : index
    %swap3A_246 = tpu.vector_load %arg8[%swap3A_245] {strides = array<i32>} : memref<640xf32, #tpu.memory_space<vmem>>, vector<16xf32>,
    %swap3A_247 = vector.shape_cast %swap3A_246 : vector<16xf32> to vector<16xf32>
    %swap3A_248 = vector.shape_cast %broadcast_in_dim3A_244 : vector<16xf32> to vector<16xf32>
    tpu.vector_store %arg8[%swap3A_245], %swap3A_248 {strides = array<i32>} : memref<640xf32, #tpu.memory_space<vmem>>, vector<16xf32>,
    %broadcast_in_dim3A_249 = arith.constant 0.000000e+00 : f32
    %broadcast_in_dim3A_250 = vector.broadcast %broadcast_in_dim3A_249 : f32 to vector<16xf32>
    %swap3A_251 = arith.constant 528 : index
    %swap3A_252 = tpu.vector_load %arg8[%swap3A_251] {strides = array<i32>} : memref<640xf32, #tpu.memory_space<vmem>>, vector<16xf32>,
    %swap3A_253 = vector.shape_cast %swap3A_252 : vector<16xf32> to vector<16xf32>
    %swap3A_254 = vector.shape_cast %broadcast_in_dim3A_250 : vector<16xf32> to vector<16xf32>
    tpu.vector_store %arg8[%swap3A_251], %swap3A_254 {strides = array<i32>} : memref<640xf32, #tpu.memory_space<vmem>>, vector<16xf32>,
    %broadcast_in_dim3A_255 = arith.constant 0.000000e+00 : f32
    %broadcast_in_dim3A_256 = vector.broadcast %broadcast_in_dim3A_255 : f32 to vector<16xf32>
    %swap3A_257 = arith.constant 544 : index
    %swap3A_258 = tpu.vector_load %arg8[%swap3A_257] {strides = array<i32>} : memref<640xf32, #tpu.memory_space<vmem>>, vector<16xf32>,
    %swap3A_259 = vector.shape_cast %swap3A_258 : vector<16xf32> to vector<16xf32>
    %swap3A_260 = vector.shape_cast %broadcast_in_dim3A_256 : vector<16xf32> to vector<16xf32>
    tpu.vector_store %arg8[%swap3A_257], %swap3A_260 {strides = array<i32>} : memref<640xf32, #tpu.memory_space<vmem>>, vector<16xf32>,
    %broadcast_in_dim3A_261 = arith.constant 0.000000e+00 : f32
    %broadcast_in_dim3A_262 = vector.broadcast %broadcast_in_dim3A_261 : f32 to vector<16xf32>
    %swap3A_263 = arith.constant 560 : index
    %swap3A_264 = tpu.vector_load %arg8[%swap3A_263] {strides = array<i32>} : memref<640xf32, #tpu.memory_space<vmem>>, vector<16xf32>,
    %swap3A_265 = vector.shape_cast %swap3A_264 : vector<16xf32> to vector<16xf32>
    %swap3A_266 = vector.shape_cast %broadcast_in_dim3A_262 : vector<16xf32> to vector<16xf32>
    tpu.vector_store %arg8[%swap3A_263], %swap3A_266 {strides = array<i32>} : memref<640xf32, #tpu.memory_space<vmem>>, vector<16xf32>,
    %broadcast_in_dim3A_267 = arith.constant 0.000000e+00 : f32
    %broadcast_in_dim3A_268 = vector.broadcast %broadcast_in_dim3A_267 : f32 to vector<16xf32>
    %swap3A_269 = arith.constant 576 : index
    %swap3A_270 = tpu.vector_load %arg8[%swap3A_269] {strides = array<i32>} : memref<640xf32, #tpu.memory_space<vmem>>, vector<16xf32>,
    %swap3A_271 = vector.shape_cast %swap3A_270 : vector<16xf32> to vector<16xf32>
    %swap3A_272 = vector.shape_cast %broadcast_in_dim3A_268 : vector<16xf32> to vector<16xf32>
    tpu.vector_store %arg8[%swap3A_269], %swap3A_272 {strides = array<i32>} : memref<640xf32, #tpu.memory_space<vmem>>, vector<16xf32>,
    %broadcast_in_dim3A_273 = arith.constant 0.000000e+00 : f32
    %broadcast_in_dim3A_274 = vector.broadcast %broadcast_in_dim3A_273 : f32 to vector<16xf32>
    %swap3A_275 = arith.constant 592 : index
    %swap3A_276 = tpu.vector_load %arg8[%swap3A_275] {strides = array<i32>} : memref<640xf32, #tpu.memory_space<vmem>>, vector<16xf32>,
    %swap3A_277 = vector.shape_cast %swap3A_276 : vector<16xf32> to vector<16xf32>
    %swap3A_278 = vector.shape_cast %broadcast_in_dim3A_274 : vector<16xf32> to vector<16xf32>
    tpu.vector_store %arg8[%swap3A_275], %swap3A_278 {strides = array<i32>} : memref<640xf32, #tpu.memory_space<vmem>>, vector<16xf32>,
    %broadcast_in_dim3A_279 = arith.constant 0.000000e+00 : f32
    %broadcast_in_dim3A_280 = vector.broadcast %broadcast_in_dim3A_279 : f32 to vector<16xf32>
    %swap3A_281 = arith.constant 608 : index
    %swap3A_282 = tpu.vector_load %arg8[%swap3A_281] {strides = array<i32>} : memref<640xf32, #tpu.memory_space<vmem>>, vector<16xf32>,
    %swap3A_283 = vector.shape_cast %swap3A_282 : vector<16xf32> to vector<16xf32>
    %swap3A_284 = vector.shape_cast %broadcast_in_dim3A_280 : vector<16xf32> to vector<16xf32>
    tpu.vector_store %arg8[%swap3A_281], %swap3A_284 {strides = array<i32>} : memref<640xf32, #tpu.memory_space<vmem>>, vector<16xf32>,
    %broadcast_in_dim3A_285 = arith.constant 0.000000e+00 : f32
    %broadcast_in_dim3A_286 = vector.broadcast %broadcast_in_dim3A_285 : f32 to vector<16xf32>
    %swap3A_287 = arith.constant 624 : index
    %swap3A_288 = tpu.vector_load %arg8[%swap3A_287] {strides = array<i32>} : memref<640xf32, #tpu.memory_space<vmem>>, vector<16xf32>,
    %swap3A_289 = vector.shape_cast %swap3A_288 : vector<16xf32> to vector<16xf32>
    %swap3A_290 = vector.shape_cast %broadcast_in_dim3A_286 : vector<16xf32> to vector<16xf32>
    tpu.vector_store %arg8[%swap3A_287], %swap3A_290 {strides = array<i32>} : memref<640xf32, #tpu.memory_space<vmem>>, vector<16xf32>,
    %mul3A_291 = arith.constant 640 : i32
    %mul3A_292 = arith.muli %arg1, %mul3A_291 : i32
    "tpu.region"() ({
      %run_scoped3A = tpu.sem_alloc : memref<!tpu.dma_semaphore, #tpu.memory_space<semaphore_mem>>
      %dma_start3A = tpu.memref_slice %arg9[%mul3A_292] : memref<10240xf32, #tpu.memory_space<vmem_shared>> -> memref<640xf32, #tpu.memory_space<vmem_shared>>
      %dma_start3A_353 = tpu.memref_slice %arg9[%mul3A_292] : memref<10240xf32, #tpu.memory_space<vmem_shared>> -> memref<640xf32, #tpu.memory_space<vmem_shared>>
      tpu.enqueue_dma source(%arg8 : memref<640xf32, #tpu.memory_space<vmem>>) target(%dma_start3A_353 : memref<640xf32, #tpu.memory_space<vmem_shared>>) target_semaphore(%run_scoped3A : memref<!tpu.dma_semaphore, #tpu.memory_space<semaphore_mem>>)
      %dma_wait3A = tpu.memref_slice %arg9[%mul3A_292] : memref<10240xf32, #tpu.memory_space<vmem_shared>> -> memref<640xf32, #tpu.memory_space<vmem_shared>>
      %dma_wait3A_354 = tpu.memref_slice %arg9[%mul3A_292] : memref<10240xf32, #tpu.memory_space<vmem_shared>> -> memref<640xf32, #tpu.memory_space<vmem_shared>>
      tpu.wait_dma2 semaphore(%run_scoped3A : memref<!tpu.dma_semaphore, #tpu.memory_space<semaphore_mem>>) src(%arg8 : memref<640xf32, #tpu.memory_space<vmem>>) dst(%dma_wait3A_354 : memref<640xf32, #tpu.memory_space<vmem_shared>>)
      tpu.yield
    }) : () -> ()
    %mul3A_293 = arith.constant 640 : i32
    %mul3A_294 = arith.muli %arg1, %mul3A_293 : i32
    "tpu.region"() ({
      %run_scoped3A = tpu.sem_alloc : memref<!tpu.dma_semaphore, #tpu.memory_space<semaphore_mem>>
      %dma_start3A = tpu.memref_slice %arg10[%mul3A_294] : memref<10240xf32, #tpu.memory_space<vmem_shared>> -> memref<640xf32, #tpu.memory_space<vmem_shared>>
      %dma_start3A_353 = tpu.memref_slice %arg10[%mul3A_294] : memref<10240xf32, #tpu.memory_space<vmem_shared>> -> memref<640xf32, #tpu.memory_space<vmem_shared>>
      tpu.enqueue_dma source(%arg8 : memref<640xf32, #tpu.memory_space<vmem>>) target(%dma_start3A_353 : memref<640xf32, #tpu.memory_space<vmem_shared>>) target_semaphore(%run_scoped3A : memref<!tpu.dma_semaphore, #tpu.memory_space<semaphore_mem>>)
      %dma_wait3A = tpu.memref_slice %arg10[%mul3A_294] : memref<10240xf32, #tpu.memory_space<vmem_shared>> -> memref<640xf32, #tpu.memory_space<vmem_shared>>
      %dma_wait3A_354 = tpu.memref_slice %arg10[%mul3A_294] : memref<10240xf32, #tpu.memory_space<vmem_shared>> -> memref<640xf32, #tpu.memory_space<vmem_shared>>
      tpu.wait_dma2 semaphore(%run_scoped3A : memref<!tpu.dma_semaphore, #tpu.memory_space<semaphore_mem>>) src(%arg8 : memref<640xf32, #tpu.memory_space<vmem>>) dst(%dma_wait3A_354 : memref<640xf32, #tpu.memory_space<vmem_shared>>)
      tpu.yield
    }) : () -> ()
    %barrier3A = arith.constant 0 : index
    tpu.barrier barrier_id(%barrier3A)
    %mul3A_295 = arith.constant 80 : i32
    %mul3A_296 = arith.muli %add3A, %mul3A_295 : i32
    %mul3A_297 = arith.constant 128 : i32
    %mul3A_298 = arith.muli %mul3A_296, %mul3A_297 : i32
    %sub3A = arith.constant 320000 : i32
    %sub3A_299 = arith.subi %sub3A, %mul3A_298 : i32
    %add3A_300 = arith.constant 128 : i32
    %add3A_301 = arith.addi %sub3A_299, %add3A_300 : i32
    %sub3A_302 = arith.constant 1 : i32
    %sub3A_303 = arith.subi %add3A_301, %sub3A_302 : i32
    %jit3A = arith.constant 128 : i32
    %div3A = arith.divsi %sub3A_303, %jit3A : i32
    %sign3A = arith.constant 0 : i32
    %sign3A_304 = arith.cmpi sgt, %sub3A_303, %sign3A : i32
    %sign3A_305 = arith.extui %sign3A_304 : i1 to i32
    %sign3A_306 = arith.constant 0 : i32
    %sign3A_307 = arith.cmpi slt, %sub3A_303, %sign3A_306 : i32
    %sign3A_308 = arith.extui %sign3A_307 : i1 to i32
    %sign3A_309 = arith.subi %sign3A_305, %sign3A_308 : i32
    %sign3A_310 = arith.constant 0 : i32
    %sign3A_311 = arith.cmpi sgt, %jit3A, %sign3A_310 : i32
    %sign3A_312 = arith.extui %sign3A_311 : i1 to i32
    %sign3A_313 = arith.constant 0 : i32
    %sign3A_314 = arith.cmpi slt, %jit3A, %sign3A_313 : i32
    %sign3A_315 = arith.extui %sign3A_314 : i1 to i32
    %sign3A_316 = arith.subi %sign3A_312, %sign3A_315 : i32
    %ne3A = arith.cmpi ne, %sign3A_309, %sign3A_316 : i32
    %rem3A = arith.remsi %sub3A_303, %jit3A : i32
    %ne3A_317 = arith.constant 0 : i32
    %ne3A_318 = arith.cmpi ne, %rem3A, %ne3A_317 : i32
    %and3A = arith.andi %ne3A, %ne3A_318 : i1
    %sub3A_319 = arith.constant 1 : i32
    %sub3A_320 = arith.subi %div3A, %sub3A_319 : i32
    %select_n3A = arith.select %and3A, %sub3A_320, %div3A : i32
    %jit3A_321 = arith.constant 0 : i32
    %jit3A_322 = arith.constant 80 : i32
    %max3A = arith.maxsi %jit3A_321, %select_n3A : i32
    %min3A = arith.minsi %jit3A_322, %max3A : i32
    %while3A = arith.constant 0 : i32
    %while3A_323 = arith.constant 0 : i32
    %while3A_324 = arith.subi %min3A, %while3A_323 : i32
    %while3A_325 = arith.addi %while3A_323, %while3A_324 : i32
    %while3A_326 = arith.constant 1 : i32
    %while3A_327 = arith.divsi %while3A_324, %while3A_326 : i32
    %while3A_328 = arith.muli %while3A_327, %while3A_326 : i32
    %while3A_329 = arith.addi %while3A_323, %while3A_328 : i32
    %while3A_330 = arith.constant 1 : i32
    scf.for %while3A_353 = %while3A_323 to %while3A_329 step %while3A_330  : i32 {
      "tpu.region"() ({
        %run_scoped3A = tpu.sem_alloc : memref<!tpu.dma_semaphore, #tpu.memory_space<semaphore_mem>>
        %dma_start3A = arith.constant 0 : i32
        %dma_start3A_354 = tpu.memref_slice %arg5[%while3A_353, %dma_start3A] : memref<80x128xi32, #tpu.memory_space<vmem>> -> memref<1x128xi32, #tpu.memory_space<vmem>>
        %dma_start3A_355 = tpu.memref_squeeze %dma_start3A_354 : memref<1x128xi32, #tpu.memory_space<vmem>> -> memref<128xi32, #tpu.memory_space<vmem>>
        %dma_start3A_356 = arith.constant 0 : i32
        %dma_start3A_357 = tpu.memref_slice %arg9[%dma_start3A_356] : memref<10240xf32, #tpu.memory_space<vmem_shared>> -> memref<10240xf32, #tpu.memory_space<vmem_shared>>
        tpu.enqueue_indirect_dma source(%arg7 : memref<128xf32, #tpu.memory_space<vmem>>) target(%dma_start3A_357 : memref<10240xf32, #tpu.memory_space<vmem_shared>>) offsets(%dma_start3A_355 : memref<128xi32, #tpu.memory_space<vmem>>) semaphore(%run_scoped3A : memref<!tpu.dma_semaphore, #tpu.memory_space<semaphore_mem>>) {add = true}
        %dma_wait3A = arith.constant 0 : i32
        %dma_wait3A_358 = tpu.memref_slice %arg5[%while3A_353, %dma_wait3A] : memref<80x128xi32, #tpu.memory_space<vmem>> -> memref<1x128xi32, #tpu.memory_space<vmem>>
        %dma_wait3A_359 = tpu.memref_squeeze %dma_wait3A_358 : memref<1x128xi32, #tpu.memory_space<vmem>> -> memref<128xi32, #tpu.memory_space<vmem>>
        %dma_wait3A_360 = arith.constant 0 : i32
        %dma_wait3A_361 = tpu.memref_slice %arg9[%dma_wait3A_360] : memref<10240xf32, #tpu.memory_space<vmem_shared>> -> memref<10240xf32, #tpu.memory_space<vmem_shared>>
        tpu.wait_indirect_dma semaphore(%run_scoped3A : memref<!tpu.dma_semaphore, #tpu.memory_space<semaphore_mem>>) src(%arg7 : memref<128xf32, #tpu.memory_space<vmem>>) dst(%dma_wait3A_361 : memref<10240xf32, #tpu.memory_space<vmem_shared>>)
        tpu.yield
      }) : () -> ()
      "tpu.region"() ({
        %run_scoped3A = tpu.sem_alloc : memref<!tpu.dma_semaphore, #tpu.memory_space<semaphore_mem>>
        %dma_start3A = arith.constant 0 : i32
        %dma_start3A_354 = tpu.memref_slice %arg6[%while3A_353, %dma_start3A] : memref<80x128xi32, #tpu.memory_space<vmem>> -> memref<1x128xi32, #tpu.memory_space<vmem>>
        %dma_start3A_355 = tpu.memref_squeeze %dma_start3A_354 : memref<1x128xi32, #tpu.memory_space<vmem>> -> memref<128xi32, #tpu.memory_space<vmem>>
        %dma_start3A_356 = arith.constant 0 : i32
        %dma_start3A_357 = tpu.memref_slice %arg10[%dma_start3A_356] : memref<10240xf32, #tpu.memory_space<vmem_shared>> -> memref<10240xf32, #tpu.memory_space<vmem_shared>>
        tpu.enqueue_indirect_dma source(%arg7 : memref<128xf32, #tpu.memory_space<vmem>>) target(%dma_start3A_357 : memref<10240xf32, #tpu.memory_space<vmem_shared>>) offsets(%dma_start3A_355 : memref<128xi32, #tpu.memory_space<vmem>>) semaphore(%run_scoped3A : memref<!tpu.dma_semaphore, #tpu.memory_space<semaphore_mem>>) {add = true}
        %dma_wait3A = arith.constant 0 : i32
        %dma_wait3A_358 = tpu.memref_slice %arg6[%while3A_353, %dma_wait3A] : memref<80x128xi32, #tpu.memory_space<vmem>> -> memref<1x128xi32, #tpu.memory_space<vmem>>
        %dma_wait3A_359 = tpu.memref_squeeze %dma_wait3A_358 : memref<1x128xi32, #tpu.memory_space<vmem>> -> memref<128xi32, #tpu.memory_space<vmem>>
        %dma_wait3A_360 = arith.constant 0 : i32
        %dma_wait3A_361 = tpu.memref_slice %arg10[%dma_wait3A_360] : memref<10240xf32, #tpu.memory_space<vmem_shared>> -> memref<10240xf32, #tpu.memory_space<vmem_shared>>
        tpu.wait_indirect_dma semaphore(%run_scoped3A : memref<!tpu.dma_semaphore, #tpu.memory_space<semaphore_mem>>) src(%arg7 : memref<128xf32, #tpu.memory_space<vmem>>) dst(%dma_wait3A_361 : memref<10240xf32, #tpu.memory_space<vmem_shared>>)
        tpu.yield
      }) : () -> ()
    }
    %while3A_331 = arith.constant 1 : i32
    scf.for %while3A_353 = %while3A_329 to %while3A_325 step %while3A_331  : i32 {
      "tpu.region"() ({
        %run_scoped3A = tpu.sem_alloc : memref<!tpu.dma_semaphore, #tpu.memory_space<semaphore_mem>>
        %dma_start3A = arith.constant 0 : i32
        %dma_start3A_354 = tpu.memref_slice %arg5[%while3A_353, %dma_start3A] : memref<80x128xi32, #tpu.memory_space<vmem>> -> memref<1x128xi32, #tpu.memory_space<vmem>>
        %dma_start3A_355 = tpu.memref_squeeze %dma_start3A_354 : memref<1x128xi32, #tpu.memory_space<vmem>> -> memref<128xi32, #tpu.memory_space<vmem>>
        %dma_start3A_356 = arith.constant 0 : i32
        %dma_start3A_357 = tpu.memref_slice %arg9[%dma_start3A_356] : memref<10240xf32, #tpu.memory_space<vmem_shared>> -> memref<10240xf32, #tpu.memory_space<vmem_shared>>
        tpu.enqueue_indirect_dma source(%arg7 : memref<128xf32, #tpu.memory_space<vmem>>) target(%dma_start3A_357 : memref<10240xf32, #tpu.memory_space<vmem_shared>>) offsets(%dma_start3A_355 : memref<128xi32, #tpu.memory_space<vmem>>) semaphore(%run_scoped3A : memref<!tpu.dma_semaphore, #tpu.memory_space<semaphore_mem>>) {add = true}
        %dma_wait3A = arith.constant 0 : i32
        %dma_wait3A_358 = tpu.memref_slice %arg5[%while3A_353, %dma_wait3A] : memref<80x128xi32, #tpu.memory_space<vmem>> -> memref<1x128xi32, #tpu.memory_space<vmem>>
        %dma_wait3A_359 = tpu.memref_squeeze %dma_wait3A_358 : memref<1x128xi32, #tpu.memory_space<vmem>> -> memref<128xi32, #tpu.memory_space<vmem>>
        %dma_wait3A_360 = arith.constant 0 : i32
        %dma_wait3A_361 = tpu.memref_slice %arg9[%dma_wait3A_360] : memref<10240xf32, #tpu.memory_space<vmem_shared>> -> memref<10240xf32, #tpu.memory_space<vmem_shared>>
        tpu.wait_indirect_dma semaphore(%run_scoped3A : memref<!tpu.dma_semaphore, #tpu.memory_space<semaphore_mem>>) src(%arg7 : memref<128xf32, #tpu.memory_space<vmem>>) dst(%dma_wait3A_361 : memref<10240xf32, #tpu.memory_space<vmem_shared>>)
        tpu.yield
      }) : () -> ()
      "tpu.region"() ({
        %run_scoped3A = tpu.sem_alloc : memref<!tpu.dma_semaphore, #tpu.memory_space<semaphore_mem>>
        %dma_start3A = arith.constant 0 : i32
        %dma_start3A_354 = tpu.memref_slice %arg6[%while3A_353, %dma_start3A] : memref<80x128xi32, #tpu.memory_space<vmem>> -> memref<1x128xi32, #tpu.memory_space<vmem>>
        %dma_start3A_355 = tpu.memref_squeeze %dma_start3A_354 : memref<1x128xi32, #tpu.memory_space<vmem>> -> memref<128xi32, #tpu.memory_space<vmem>>
        %dma_start3A_356 = arith.constant 0 : i32
        %dma_start3A_357 = tpu.memref_slice %arg10[%dma_start3A_356] : memref<10240xf32, #tpu.memory_space<vmem_shared>> -> memref<10240xf32, #tpu.memory_space<vmem_shared>>
        tpu.enqueue_indirect_dma source(%arg7 : memref<128xf32, #tpu.memory_space<vmem>>) target(%dma_start3A_357 : memref<10240xf32, #tpu.memory_space<vmem_shared>>) offsets(%dma_start3A_355 : memref<128xi32, #tpu.memory_space<vmem>>) semaphore(%run_scoped3A : memref<!tpu.dma_semaphore, #tpu.memory_space<semaphore_mem>>) {add = true}
        %dma_wait3A = arith.constant 0 : i32
        %dma_wait3A_358 = tpu.memref_slice %arg6[%while3A_353, %dma_wait3A] : memref<80x128xi32, #tpu.memory_space<vmem>> -> memref<1x128xi32, #tpu.memory_space<vmem>>
        %dma_wait3A_359 = tpu.memref_squeeze %dma_wait3A_358 : memref<1x128xi32, #tpu.memory_space<vmem>> -> memref<128xi32, #tpu.memory_space<vmem>>
        %dma_wait3A_360 = arith.constant 0 : i32
        %dma_wait3A_361 = tpu.memref_slice %arg10[%dma_wait3A_360] : memref<10240xf32, #tpu.memory_space<vmem_shared>> -> memref<10240xf32, #tpu.memory_space<vmem_shared>>
        tpu.wait_indirect_dma semaphore(%run_scoped3A : memref<!tpu.dma_semaphore, #tpu.memory_space<semaphore_mem>>) src(%arg7 : memref<128xf32, #tpu.memory_space<vmem>>) dst(%dma_wait3A_361 : memref<10240xf32, #tpu.memory_space<vmem_shared>>)
        tpu.yield
      }) : () -> ()
    }
    %barrier3A_332 = arith.constant 0 : index
    tpu.barrier barrier_id(%barrier3A_332)
    %mul3A_333 = arith.constant 640 : i32
    %mul3A_334 = arith.muli %arg1, %mul3A_333 : i32
    "tpu.region"() ({
      %run_scoped3A = tpu.sem_alloc : memref<!tpu.dma_semaphore, #tpu.memory_space<semaphore_mem>>
      %dma_start3A = tpu.memref_slice %arg9[%mul3A_334] : memref<10240xf32, #tpu.memory_space<vmem_shared>> -> memref<640xf32, #tpu.memory_space<vmem_shared>>
      %dma_start3A_353 = tpu.memref_slice %arg9[%mul3A_334] : memref<10240xf32, #tpu.memory_space<vmem_shared>> -> memref<640xf32, #tpu.memory_space<vmem_shared>>
      tpu.enqueue_dma source(%dma_start3A_353 : memref<640xf32, #tpu.memory_space<vmem_shared>>) target(%arg8 : memref<640xf32, #tpu.memory_space<vmem>>) target_semaphore(%run_scoped3A : memref<!tpu.dma_semaphore, #tpu.memory_space<semaphore_mem>>)
      %dma_wait3A = tpu.memref_slice %arg9[%mul3A_334] : memref<10240xf32, #tpu.memory_space<vmem_shared>> -> memref<640xf32, #tpu.memory_space<vmem_shared>>
      %dma_wait3A_354 = tpu.memref_slice %arg9[%mul3A_334] : memref<10240xf32, #tpu.memory_space<vmem_shared>> -> memref<640xf32, #tpu.memory_space<vmem_shared>>
      tpu.wait_dma2 semaphore(%run_scoped3A : memref<!tpu.dma_semaphore, #tpu.memory_space<semaphore_mem>>) src(%dma_wait3A_354 : memref<640xf32, #tpu.memory_space<vmem_shared>>) dst(%arg8 : memref<640xf32, #tpu.memory_space<vmem>>)
      tpu.yield
    }) : () -> ()
    %mul3A_335 = arith.constant 2 : i32
    %mul3A_336 = arith.muli %mul3A_335, %arg0 : i32
    %mul3A_337 = arith.constant 10240 : i32
    %mul3A_338 = arith.muli %mul3A_336, %mul3A_337 : i32
    %mul3A_339 = arith.constant 640 : i32
    %mul3A_340 = arith.muli %arg1, %mul3A_339 : i32
    %add3A_341 = arith.addi %mul3A_338, %mul3A_340 : i32
    "tpu.region"() ({
      %run_scoped3A = tpu.sem_alloc : memref<!tpu.dma_semaphore, #tpu.memory_space<semaphore_mem>>
      %dma_start3A = tpu.memref_slice %arg4[%add3A_341] : memref<40960xf32, #tpu.memory_space<hbm>> -> memref<640xf32, #tpu.memory_space<hbm>>
      %dma_start3A_353 = tpu.memref_slice %arg4[%add3A_341] : memref<40960xf32, #tpu.memory_space<hbm>> -> memref<640xf32, #tpu.memory_space<hbm>>
      tpu.enqueue_dma source(%arg8 : memref<640xf32, #tpu.memory_space<vmem>>) target(%dma_start3A_353 : memref<640xf32, #tpu.memory_space<hbm>>) target_semaphore(%run_scoped3A : memref<!tpu.dma_semaphore, #tpu.memory_space<semaphore_mem>>)
      %dma_wait3A = tpu.memref_slice %arg4[%add3A_341] : memref<40960xf32, #tpu.memory_space<hbm>> -> memref<640xf32, #tpu.memory_space<hbm>>
      %dma_wait3A_354 = tpu.memref_slice %arg4[%add3A_341] : memref<40960xf32, #tpu.memory_space<hbm>> -> memref<640xf32, #tpu.memory_space<hbm>>
      tpu.wait_dma2 semaphore(%run_scoped3A : memref<!tpu.dma_semaphore, #tpu.memory_space<semaphore_mem>>) src(%arg8 : memref<640xf32, #tpu.memory_space<vmem>>) dst(%dma_wait3A_354 : memref<640xf32, #tpu.memory_space<hbm>>)
      tpu.yield
    }) : () -> ()
    %mul3A_342 = arith.constant 640 : i32
    %mul3A_343 = arith.muli %arg1, %mul3A_342 : i32
    "tpu.region"() ({
      %run_scoped3A = tpu.sem_alloc : memref<!tpu.dma_semaphore, #tpu.memory_space<semaphore_mem>>
      %dma_start3A = tpu.memref_slice %arg10[%mul3A_343] : memref<10240xf32, #tpu.memory_space<vmem_shared>> -> memref<640xf32, #tpu.memory_space<vmem_shared>>
      %dma_start3A_353 = tpu.memref_slice %arg10[%mul3A_343] : memref<10240xf32, #tpu.memory_space<vmem_shared>> -> memref<640xf32, #tpu.memory_space<vmem_shared>>
      tpu.enqueue_dma source(%dma_start3A_353 : memref<640xf32, #tpu.memory_space<vmem_shared>>) target(%arg8 : memref<640xf32, #tpu.memory_space<vmem>>) target_semaphore(%run_scoped3A : memref<!tpu.dma_semaphore, #tpu.memory_space<semaphore_mem>>)
      %dma_wait3A = tpu.memref_slice %arg10[%mul3A_343] : memref<10240xf32, #tpu.memory_space<vmem_shared>> -> memref<640xf32, #tpu.memory_space<vmem_shared>>
      %dma_wait3A_354 = tpu.memref_slice %arg10[%mul3A_343] : memref<10240xf32, #tpu.memory_space<vmem_shared>> -> memref<640xf32, #tpu.memory_space<vmem_shared>>
      tpu.wait_dma2 semaphore(%run_scoped3A : memref<!tpu.dma_semaphore, #tpu.memory_space<semaphore_mem>>) src(%dma_wait3A_354 : memref<640xf32, #tpu.memory_space<vmem_shared>>) dst(%arg8 : memref<640xf32, #tpu.memory_space<vmem>>)
      tpu.yield
    }) : () -> ()
    %mul3A_344 = arith.constant 2 : i32
    %mul3A_345 = arith.muli %mul3A_344, %arg0 : i32
    %add3A_346 = arith.constant 1 : i32
    %add3A_347 = arith.addi %mul3A_345, %add3A_346 : i32
    %mul3A_348 = arith.constant 10240 : i32
    %mul3A_349 = arith.muli %add3A_347, %mul3A_348 : i32
    %mul3A_350 = arith.constant 640 : i32
    %mul3A_351 = arith.muli %arg1, %mul3A_350 : i32
    %add3A_352 = arith.addi %mul3A_349, %mul3A_351 : i32
    "tpu.region"() ({
      %run_scoped3A = tpu.sem_alloc : memref<!tpu.dma_semaphore, #tpu.memory_space<semaphore_mem>>
      %dma_start3A = tpu.memref_slice %arg4[%add3A_352] : memref<40960xf32, #tpu.memory_space<hbm>> -> memref<640xf32, #tpu.memory_space<hbm>>
      %dma_start3A_353 = tpu.memref_slice %arg4[%add3A_352] : memref<40960xf32, #tpu.memory_space<hbm>> -> memref<640xf32, #tpu.memory_space<hbm>>
      tpu.enqueue_dma source(%arg8 : memref<640xf32, #tpu.memory_space<vmem>>) target(%dma_start3A_353 : memref<640xf32, #tpu.memory_space<hbm>>) target_semaphore(%run_scoped3A : memref<!tpu.dma_semaphore, #tpu.memory_space<semaphore_mem>>)
      %dma_wait3A = tpu.memref_slice %arg4[%add3A_352] : memref<40960xf32, #tpu.memory_space<hbm>> -> memref<640xf32, #tpu.memory_space<hbm>>
      %dma_wait3A_354 = tpu.memref_slice %arg4[%add3A_352] : memref<40960xf32, #tpu.memory_space<hbm>> -> memref<640xf32, #tpu.memory_space<hbm>>
      tpu.wait_dma2 semaphore(%run_scoped3A : memref<!tpu.dma_semaphore, #tpu.memory_space<semaphore_mem>>) src(%arg8 : memref<640xf32, #tpu.memory_space<vmem>>) dst(%dma_wait3A_354 : memref<640xf32, #tpu.memory_space<hbm>>)
      tpu.yield
    }) : () -> ()
    return
  }
}

#map = affine_map<(d0, d1) -> (0, 0)>
module attributes {stable_mosaic.version = 14 : i64} {
  func.func @body(%arg0: i32, %arg1: i32, %arg2: memref<10000x128xf32, #tpu.memory_space<hbm>>, %arg3: memref<2560x128xi32, #tpu.memory_space<hbm>>, %arg4: memref<2560x128xi32, #tpu.memory_space<hbm>>, %arg5: memref<20480x128xf32, #tpu.memory_space<hbm>>, %arg6: memref<40x128xi32, #tpu.memory_space<vmem>>, %arg7: memref<40x128xi32, #tpu.memory_space<vmem>>, %arg8: memref<128x128xf32, #tpu.memory_space<vmem>>, %arg9: memref<128x128xf32, #tpu.memory_space<vmem>>, %arg10: memref<10240x128xf32, #tpu.memory_space<vmem_shared>>, %arg11: memref<!tpu.dma_semaphore, #tpu.memory_space<semaphore_mem>>, %arg12: memref<!tpu.dma_semaphore, #tpu.memory_space<semaphore_mem>>) attributes {dimension_semantics = [#tpu.dimension_semantics<core_parallel>, #tpu.dimension_semantics<subcore_parallel>], iteration_bounds = array<i64: 2, 16>, scalar_prefetch = 0 : i64, scratch_operands = 7 : i64, tpu.core_type = #tpu.core_type<sc_vector_subcore>, window_params = [{transform_indices = #map}, {transform_indices = #map}, {transform_indices = #map}, {transform_indices = #map}]} {
    %mul3A = arith.constant 16 : i32
    %mul3A_0 = arith.muli %arg0, %mul3A : i32
    %add3A = arith.addi %mul3A_0, %arg1 : i32
    %scan3A = arith.constant 0 : i32
    %scan3A_1 = arith.constant 0 : i32
    %scan3A_2 = arith.constant 128 : i32
    %scan3A_3 = arith.addi %scan3A_1, %scan3A_2 : i32
    %scan3A_4 = arith.constant 1 : i32
    scf.for %scan3A_88 = %scan3A_1 to %scan3A_3 step %scan3A_4  : i32 {
      %broadcast_in_dim3A = arith.constant 0.000000e+00 : f32
      %broadcast_in_dim3A_89 = vector.broadcast %broadcast_in_dim3A : f32 to vector<16xf32>
      %swap3A = arith.index_cast %scan3A_88 : i32 to index
      %swap3A_90 = arith.constant 0 : index
      %swap3A_91 = tpu.vector_load %arg8[%swap3A, %swap3A_90] {strides = array<i32>} : memref<128x128xf32, #tpu.memory_space<vmem>>, vector<1x16xf32>,
      %swap3A_92 = vector.shape_cast %swap3A_91 : vector<1x16xf32> to vector<16xf32>
      %swap3A_93 = vector.shape_cast %broadcast_in_dim3A_89 : vector<16xf32> to vector<1x16xf32>
      tpu.vector_store %arg8[%swap3A, %swap3A_90], %swap3A_93 {strides = array<i32>} : memref<128x128xf32, #tpu.memory_space<vmem>>, vector<1x16xf32>,
      %broadcast_in_dim3A_94 = arith.constant 0.000000e+00 : f32
      %broadcast_in_dim3A_95 = vector.broadcast %broadcast_in_dim3A_94 : f32 to vector<16xf32>
      %swap3A_96 = arith.index_cast %scan3A_88 : i32 to index
      %swap3A_97 = arith.constant 16 : index
      %swap3A_98 = tpu.vector_load %arg8[%swap3A_96, %swap3A_97] {strides = array<i32>} : memref<128x128xf32, #tpu.memory_space<vmem>>, vector<1x16xf32>,
      %swap3A_99 = vector.shape_cast %swap3A_98 : vector<1x16xf32> to vector<16xf32>
      %swap3A_100 = vector.shape_cast %broadcast_in_dim3A_95 : vector<16xf32> to vector<1x16xf32>
      tpu.vector_store %arg8[%swap3A_96, %swap3A_97], %swap3A_100 {strides = array<i32>} : memref<128x128xf32, #tpu.memory_space<vmem>>, vector<1x16xf32>,
      %broadcast_in_dim3A_101 = arith.constant 0.000000e+00 : f32
      %broadcast_in_dim3A_102 = vector.broadcast %broadcast_in_dim3A_101 : f32 to vector<16xf32>
      %swap3A_103 = arith.index_cast %scan3A_88 : i32 to index
      %swap3A_104 = arith.constant 32 : index
      %swap3A_105 = tpu.vector_load %arg8[%swap3A_103, %swap3A_104] {strides = array<i32>} : memref<128x128xf32, #tpu.memory_space<vmem>>, vector<1x16xf32>,
      %swap3A_106 = vector.shape_cast %swap3A_105 : vector<1x16xf32> to vector<16xf32>
      %swap3A_107 = vector.shape_cast %broadcast_in_dim3A_102 : vector<16xf32> to vector<1x16xf32>
      tpu.vector_store %arg8[%swap3A_103, %swap3A_104], %swap3A_107 {strides = array<i32>} : memref<128x128xf32, #tpu.memory_space<vmem>>, vector<1x16xf32>,
      %broadcast_in_dim3A_108 = arith.constant 0.000000e+00 : f32
      %broadcast_in_dim3A_109 = vector.broadcast %broadcast_in_dim3A_108 : f32 to vector<16xf32>
      %swap3A_110 = arith.index_cast %scan3A_88 : i32 to index
      %swap3A_111 = arith.constant 48 : index
      %swap3A_112 = tpu.vector_load %arg8[%swap3A_110, %swap3A_111] {strides = array<i32>} : memref<128x128xf32, #tpu.memory_space<vmem>>, vector<1x16xf32>,
      %swap3A_113 = vector.shape_cast %swap3A_112 : vector<1x16xf32> to vector<16xf32>
      %swap3A_114 = vector.shape_cast %broadcast_in_dim3A_109 : vector<16xf32> to vector<1x16xf32>
      tpu.vector_store %arg8[%swap3A_110, %swap3A_111], %swap3A_114 {strides = array<i32>} : memref<128x128xf32, #tpu.memory_space<vmem>>, vector<1x16xf32>,
      %broadcast_in_dim3A_115 = arith.constant 0.000000e+00 : f32
      %broadcast_in_dim3A_116 = vector.broadcast %broadcast_in_dim3A_115 : f32 to vector<16xf32>
      %swap3A_117 = arith.index_cast %scan3A_88 : i32 to index
      %swap3A_118 = arith.constant 64 : index
      %swap3A_119 = tpu.vector_load %arg8[%swap3A_117, %swap3A_118] {strides = array<i32>} : memref<128x128xf32, #tpu.memory_space<vmem>>, vector<1x16xf32>,
      %swap3A_120 = vector.shape_cast %swap3A_119 : vector<1x16xf32> to vector<16xf32>
      %swap3A_121 = vector.shape_cast %broadcast_in_dim3A_116 : vector<16xf32> to vector<1x16xf32>
      tpu.vector_store %arg8[%swap3A_117, %swap3A_118], %swap3A_121 {strides = array<i32>} : memref<128x128xf32, #tpu.memory_space<vmem>>, vector<1x16xf32>,
      %broadcast_in_dim3A_122 = arith.constant 0.000000e+00 : f32
      %broadcast_in_dim3A_123 = vector.broadcast %broadcast_in_dim3A_122 : f32 to vector<16xf32>
      %swap3A_124 = arith.index_cast %scan3A_88 : i32 to index
      %swap3A_125 = arith.constant 80 : index
      %swap3A_126 = tpu.vector_load %arg8[%swap3A_124, %swap3A_125] {strides = array<i32>} : memref<128x128xf32, #tpu.memory_space<vmem>>, vector<1x16xf32>,
      %swap3A_127 = vector.shape_cast %swap3A_126 : vector<1x16xf32> to vector<16xf32>
      %swap3A_128 = vector.shape_cast %broadcast_in_dim3A_123 : vector<16xf32> to vector<1x16xf32>
      tpu.vector_store %arg8[%swap3A_124, %swap3A_125], %swap3A_128 {strides = array<i32>} : memref<128x128xf32, #tpu.memory_space<vmem>>, vector<1x16xf32>,
      %broadcast_in_dim3A_129 = arith.constant 0.000000e+00 : f32
      %broadcast_in_dim3A_130 = vector.broadcast %broadcast_in_dim3A_129 : f32 to vector<16xf32>
      %swap3A_131 = arith.index_cast %scan3A_88 : i32 to index
      %swap3A_132 = arith.constant 96 : index
      %swap3A_133 = tpu.vector_load %arg8[%swap3A_131, %swap3A_132] {strides = array<i32>} : memref<128x128xf32, #tpu.memory_space<vmem>>, vector<1x16xf32>,
      %swap3A_134 = vector.shape_cast %swap3A_133 : vector<1x16xf32> to vector<16xf32>
      %swap3A_135 = vector.shape_cast %broadcast_in_dim3A_130 : vector<16xf32> to vector<1x16xf32>
      tpu.vector_store %arg8[%swap3A_131, %swap3A_132], %swap3A_135 {strides = array<i32>} : memref<128x128xf32, #tpu.memory_space<vmem>>, vector<1x16xf32>,
      %broadcast_in_dim3A_136 = arith.constant 0.000000e+00 : f32
      %broadcast_in_dim3A_137 = vector.broadcast %broadcast_in_dim3A_136 : f32 to vector<16xf32>
      %swap3A_138 = arith.index_cast %scan3A_88 : i32 to index
      %swap3A_139 = arith.constant 112 : index
      %swap3A_140 = tpu.vector_load %arg8[%swap3A_138, %swap3A_139] {strides = array<i32>} : memref<128x128xf32, #tpu.memory_space<vmem>>, vector<1x16xf32>,
      %swap3A_141 = vector.shape_cast %swap3A_140 : vector<1x16xf32> to vector<16xf32>
      %swap3A_142 = vector.shape_cast %broadcast_in_dim3A_137 : vector<16xf32> to vector<1x16xf32>
      tpu.vector_store %arg8[%swap3A_138, %swap3A_139], %swap3A_142 {strides = array<i32>} : memref<128x128xf32, #tpu.memory_space<vmem>>, vector<1x16xf32>,
    }
    %scan3A_5 = arith.constant 128 : i32
    %mul3A_6 = arith.constant 640 : i32
    %mul3A_7 = arith.muli %arg1, %mul3A_6 : i32
    %add3A_8 = arith.constant 0 : i32
    %add3A_9 = arith.addi %mul3A_7, %add3A_8 : i32
    "tpu.region"() ({
      %run_scoped3A = tpu.sem_alloc : memref<!tpu.dma_semaphore, #tpu.memory_space<semaphore_mem>>
      %dma_start3A = arith.constant 0 : i32
      %dma_start3A_88 = tpu.memref_slice %arg10[%add3A_9, %dma_start3A] : memref<10240x128xf32, #tpu.memory_space<vmem_shared>> -> memref<128x128xf32, #tpu.memory_space<vmem_shared>>
      %dma_start3A_89 = arith.constant 0 : i32
      %dma_start3A_90 = tpu.memref_slice %arg10[%add3A_9, %dma_start3A_89] : memref<10240x128xf32, #tpu.memory_space<vmem_shared>> -> memref<128x128xf32, #tpu.memory_space<vmem_shared>>
      tpu.enqueue_dma source(%arg8 : memref<128x128xf32, #tpu.memory_space<vmem>>) target(%dma_start3A_90 : memref<128x128xf32, #tpu.memory_space<vmem_shared>>) target_semaphore(%run_scoped3A : memref<!tpu.dma_semaphore, #tpu.memory_space<semaphore_mem>>)
      %dma_wait3A = arith.constant 0 : i32
      %dma_wait3A_91 = tpu.memref_slice %arg10[%add3A_9, %dma_wait3A] : memref<10240x128xf32, #tpu.memory_space<vmem_shared>> -> memref<128x128xf32, #tpu.memory_space<vmem_shared>>
      %dma_wait3A_92 = arith.constant 0 : i32
      %dma_wait3A_93 = tpu.memref_slice %arg10[%add3A_9, %dma_wait3A_92] : memref<10240x128xf32, #tpu.memory_space<vmem_shared>> -> memref<128x128xf32, #tpu.memory_space<vmem_shared>>
      tpu.wait_dma2 semaphore(%run_scoped3A : memref<!tpu.dma_semaphore, #tpu.memory_space<semaphore_mem>>) src(%arg8 : memref<128x128xf32, #tpu.memory_space<vmem>>) dst(%dma_wait3A_93 : memref<128x128xf32, #tpu.memory_space<vmem_shared>>)
      tpu.yield
    }) : () -> ()
    %mul3A_10 = arith.constant 640 : i32
    %mul3A_11 = arith.muli %arg1, %mul3A_10 : i32
    %add3A_12 = arith.constant 128 : i32
    %add3A_13 = arith.addi %mul3A_11, %add3A_12 : i32
    "tpu.region"() ({
      %run_scoped3A = tpu.sem_alloc : memref<!tpu.dma_semaphore, #tpu.memory_space<semaphore_mem>>
      %dma_start3A = arith.constant 0 : i32
      %dma_start3A_88 = tpu.memref_slice %arg10[%add3A_13, %dma_start3A] : memref<10240x128xf32, #tpu.memory_space<vmem_shared>> -> memref<128x128xf32, #tpu.memory_space<vmem_shared>>
      %dma_start3A_89 = arith.constant 0 : i32
      %dma_start3A_90 = tpu.memref_slice %arg10[%add3A_13, %dma_start3A_89] : memref<10240x128xf32, #tpu.memory_space<vmem_shared>> -> memref<128x128xf32, #tpu.memory_space<vmem_shared>>
      tpu.enqueue_dma source(%arg8 : memref<128x128xf32, #tpu.memory_space<vmem>>) target(%dma_start3A_90 : memref<128x128xf32, #tpu.memory_space<vmem_shared>>) target_semaphore(%run_scoped3A : memref<!tpu.dma_semaphore, #tpu.memory_space<semaphore_mem>>)
      %dma_wait3A = arith.constant 0 : i32
      %dma_wait3A_91 = tpu.memref_slice %arg10[%add3A_13, %dma_wait3A] : memref<10240x128xf32, #tpu.memory_space<vmem_shared>> -> memref<128x128xf32, #tpu.memory_space<vmem_shared>>
      %dma_wait3A_92 = arith.constant 0 : i32
      %dma_wait3A_93 = tpu.memref_slice %arg10[%add3A_13, %dma_wait3A_92] : memref<10240x128xf32, #tpu.memory_space<vmem_shared>> -> memref<128x128xf32, #tpu.memory_space<vmem_shared>>
      tpu.wait_dma2 semaphore(%run_scoped3A : memref<!tpu.dma_semaphore, #tpu.memory_space<semaphore_mem>>) src(%arg8 : memref<128x128xf32, #tpu.memory_space<vmem>>) dst(%dma_wait3A_93 : memref<128x128xf32, #tpu.memory_space<vmem_shared>>)
      tpu.yield
    }) : () -> ()
    %mul3A_14 = arith.constant 640 : i32
    %mul3A_15 = arith.muli %arg1, %mul3A_14 : i32
    %add3A_16 = arith.constant 256 : i32
    %add3A_17 = arith.addi %mul3A_15, %add3A_16 : i32
    "tpu.region"() ({
      %run_scoped3A = tpu.sem_alloc : memref<!tpu.dma_semaphore, #tpu.memory_space<semaphore_mem>>
      %dma_start3A = arith.constant 0 : i32
      %dma_start3A_88 = tpu.memref_slice %arg10[%add3A_17, %dma_start3A] : memref<10240x128xf32, #tpu.memory_space<vmem_shared>> -> memref<128x128xf32, #tpu.memory_space<vmem_shared>>
      %dma_start3A_89 = arith.constant 0 : i32
      %dma_start3A_90 = tpu.memref_slice %arg10[%add3A_17, %dma_start3A_89] : memref<10240x128xf32, #tpu.memory_space<vmem_shared>> -> memref<128x128xf32, #tpu.memory_space<vmem_shared>>
      tpu.enqueue_dma source(%arg8 : memref<128x128xf32, #tpu.memory_space<vmem>>) target(%dma_start3A_90 : memref<128x128xf32, #tpu.memory_space<vmem_shared>>) target_semaphore(%run_scoped3A : memref<!tpu.dma_semaphore, #tpu.memory_space<semaphore_mem>>)
      %dma_wait3A = arith.constant 0 : i32
      %dma_wait3A_91 = tpu.memref_slice %arg10[%add3A_17, %dma_wait3A] : memref<10240x128xf32, #tpu.memory_space<vmem_shared>> -> memref<128x128xf32, #tpu.memory_space<vmem_shared>>
      %dma_wait3A_92 = arith.constant 0 : i32
      %dma_wait3A_93 = tpu.memref_slice %arg10[%add3A_17, %dma_wait3A_92] : memref<10240x128xf32, #tpu.memory_space<vmem_shared>> -> memref<128x128xf32, #tpu.memory_space<vmem_shared>>
      tpu.wait_dma2 semaphore(%run_scoped3A : memref<!tpu.dma_semaphore, #tpu.memory_space<semaphore_mem>>) src(%arg8 : memref<128x128xf32, #tpu.memory_space<vmem>>) dst(%dma_wait3A_93 : memref<128x128xf32, #tpu.memory_space<vmem_shared>>)
      tpu.yield
    }) : () -> ()
    %mul3A_18 = arith.constant 640 : i32
    %mul3A_19 = arith.muli %arg1, %mul3A_18 : i32
    %add3A_20 = arith.constant 384 : i32
    %add3A_21 = arith.addi %mul3A_19, %add3A_20 : i32
    "tpu.region"() ({
      %run_scoped3A = tpu.sem_alloc : memref<!tpu.dma_semaphore, #tpu.memory_space<semaphore_mem>>
      %dma_start3A = arith.constant 0 : i32
      %dma_start3A_88 = tpu.memref_slice %arg10[%add3A_21, %dma_start3A] : memref<10240x128xf32, #tpu.memory_space<vmem_shared>> -> memref<128x128xf32, #tpu.memory_space<vmem_shared>>
      %dma_start3A_89 = arith.constant 0 : i32
      %dma_start3A_90 = tpu.memref_slice %arg10[%add3A_21, %dma_start3A_89] : memref<10240x128xf32, #tpu.memory_space<vmem_shared>> -> memref<128x128xf32, #tpu.memory_space<vmem_shared>>
      tpu.enqueue_dma source(%arg8 : memref<128x128xf32, #tpu.memory_space<vmem>>) target(%dma_start3A_90 : memref<128x128xf32, #tpu.memory_space<vmem_shared>>) target_semaphore(%run_scoped3A : memref<!tpu.dma_semaphore, #tpu.memory_space<semaphore_mem>>)
      %dma_wait3A = arith.constant 0 : i32
      %dma_wait3A_91 = tpu.memref_slice %arg10[%add3A_21, %dma_wait3A] : memref<10240x128xf32, #tpu.memory_space<vmem_shared>> -> memref<128x128xf32, #tpu.memory_space<vmem_shared>>
      %dma_wait3A_92 = arith.constant 0 : i32
      %dma_wait3A_93 = tpu.memref_slice %arg10[%add3A_21, %dma_wait3A_92] : memref<10240x128xf32, #tpu.memory_space<vmem_shared>> -> memref<128x128xf32, #tpu.memory_space<vmem_shared>>
      tpu.wait_dma2 semaphore(%run_scoped3A : memref<!tpu.dma_semaphore, #tpu.memory_space<semaphore_mem>>) src(%arg8 : memref<128x128xf32, #tpu.memory_space<vmem>>) dst(%dma_wait3A_93 : memref<128x128xf32, #tpu.memory_space<vmem_shared>>)
      tpu.yield
    }) : () -> ()
    %mul3A_22 = arith.constant 640 : i32
    %mul3A_23 = arith.muli %arg1, %mul3A_22 : i32
    %add3A_24 = arith.constant 512 : i32
    %add3A_25 = arith.addi %mul3A_23, %add3A_24 : i32
    "tpu.region"() ({
      %run_scoped3A = tpu.sem_alloc : memref<!tpu.dma_semaphore, #tpu.memory_space<semaphore_mem>>
      %dma_start3A = arith.constant 0 : i32
      %dma_start3A_88 = tpu.memref_slice %arg10[%add3A_25, %dma_start3A] : memref<10240x128xf32, #tpu.memory_space<vmem_shared>> -> memref<128x128xf32, #tpu.memory_space<vmem_shared>>
      %dma_start3A_89 = arith.constant 0 : i32
      %dma_start3A_90 = tpu.memref_slice %arg10[%add3A_25, %dma_start3A_89] : memref<10240x128xf32, #tpu.memory_space<vmem_shared>> -> memref<128x128xf32, #tpu.memory_space<vmem_shared>>
      tpu.enqueue_dma source(%arg8 : memref<128x128xf32, #tpu.memory_space<vmem>>) target(%dma_start3A_90 : memref<128x128xf32, #tpu.memory_space<vmem_shared>>) target_semaphore(%run_scoped3A : memref<!tpu.dma_semaphore, #tpu.memory_space<semaphore_mem>>)
      %dma_wait3A = arith.constant 0 : i32
      %dma_wait3A_91 = tpu.memref_slice %arg10[%add3A_25, %dma_wait3A] : memref<10240x128xf32, #tpu.memory_space<vmem_shared>> -> memref<128x128xf32, #tpu.memory_space<vmem_shared>>
      %dma_wait3A_92 = arith.constant 0 : i32
      %dma_wait3A_93 = tpu.memref_slice %arg10[%add3A_25, %dma_wait3A_92] : memref<10240x128xf32, #tpu.memory_space<vmem_shared>> -> memref<128x128xf32, #tpu.memory_space<vmem_shared>>
      tpu.wait_dma2 semaphore(%run_scoped3A : memref<!tpu.dma_semaphore, #tpu.memory_space<semaphore_mem>>) src(%arg8 : memref<128x128xf32, #tpu.memory_space<vmem>>) dst(%dma_wait3A_93 : memref<128x128xf32, #tpu.memory_space<vmem_shared>>)
      tpu.yield
    }) : () -> ()
    %barrier3A = arith.constant 0 : index
    tpu.barrier barrier_id(%barrier3A)
    %scan3A_26 = arith.constant 0 : i32
    %scan3A_27 = arith.constant 0 : i32
    %scan3A_28 = arith.constant 2 : i32
    %scan3A_29 = arith.addi %scan3A_27, %scan3A_28 : i32
    %scan3A_30 = arith.constant 1 : i32
    scf.for %scan3A_88 = %scan3A_27 to %scan3A_29 step %scan3A_30  : i32 {
      %mul3A_89 = arith.constant 80 : i32
      %mul3A_90 = arith.muli %add3A, %mul3A_89 : i32
      %mul3A_91 = arith.constant 40 : i32
      %mul3A_92 = arith.muli %scan3A_88, %mul3A_91 : i32
      %add3A_93 = arith.addi %mul3A_90, %mul3A_92 : i32
      "tpu.region"() ({
        %run_scoped3A_127 = tpu.sem_alloc : memref<!tpu.dma_semaphore, #tpu.memory_space<semaphore_mem>>
        %dma_start3A_128 = arith.constant 0 : i32
        %dma_start3A_129 = tpu.memref_slice %arg3[%add3A_93, %dma_start3A_128] : memref<2560x128xi32, #tpu.memory_space<hbm>> -> memref<40x128xi32, #tpu.memory_space<hbm>>
        %dma_start3A_130 = arith.constant 0 : i32
        %dma_start3A_131 = tpu.memref_slice %arg3[%add3A_93, %dma_start3A_130] : memref<2560x128xi32, #tpu.memory_space<hbm>> -> memref<40x128xi32, #tpu.memory_space<hbm>>
        tpu.enqueue_dma source(%dma_start3A_131 : memref<40x128xi32, #tpu.memory_space<hbm>>) target(%arg6 : memref<40x128xi32, #tpu.memory_space<vmem>>) target_semaphore(%run_scoped3A_127 : memref<!tpu.dma_semaphore, #tpu.memory_space<semaphore_mem>>)
        %dma_wait3A_132 = arith.constant 0 : i32
        %dma_wait3A_133 = tpu.memref_slice %arg3[%add3A_93, %dma_wait3A_132] : memref<2560x128xi32, #tpu.memory_space<hbm>> -> memref<40x128xi32, #tpu.memory_space<hbm>>
        %dma_wait3A_134 = arith.constant 0 : i32
        %dma_wait3A_135 = tpu.memref_slice %arg3[%add3A_93, %dma_wait3A_134] : memref<2560x128xi32, #tpu.memory_space<hbm>> -> memref<40x128xi32, #tpu.memory_space<hbm>>
        tpu.wait_dma2 semaphore(%run_scoped3A_127 : memref<!tpu.dma_semaphore, #tpu.memory_space<semaphore_mem>>) src(%dma_wait3A_135 : memref<40x128xi32, #tpu.memory_space<hbm>>) dst(%arg6 : memref<40x128xi32, #tpu.memory_space<vmem>>)
        tpu.yield
      }) : () -> ()
      "tpu.region"() ({
        %run_scoped3A_127 = tpu.sem_alloc : memref<!tpu.dma_semaphore, #tpu.memory_space<semaphore_mem>>
        %dma_start3A_128 = arith.constant 0 : i32
        %dma_start3A_129 = tpu.memref_slice %arg4[%add3A_93, %dma_start3A_128] : memref<2560x128xi32, #tpu.memory_space<hbm>> -> memref<40x128xi32, #tpu.memory_space<hbm>>
        %dma_start3A_130 = arith.constant 0 : i32
        %dma_start3A_131 = tpu.memref_slice %arg4[%add3A_93, %dma_start3A_130] : memref<2560x128xi32, #tpu.memory_space<hbm>> -> memref<40x128xi32, #tpu.memory_space<hbm>>
        tpu.enqueue_dma source(%dma_start3A_131 : memref<40x128xi32, #tpu.memory_space<hbm>>) target(%arg7 : memref<40x128xi32, #tpu.memory_space<vmem>>) target_semaphore(%run_scoped3A_127 : memref<!tpu.dma_semaphore, #tpu.memory_space<semaphore_mem>>)
        %dma_wait3A_132 = arith.constant 0 : i32
        %dma_wait3A_133 = tpu.memref_slice %arg4[%add3A_93, %dma_wait3A_132] : memref<2560x128xi32, #tpu.memory_space<hbm>> -> memref<40x128xi32, #tpu.memory_space<hbm>>
        %dma_wait3A_134 = arith.constant 0 : i32
        %dma_wait3A_135 = tpu.memref_slice %arg4[%add3A_93, %dma_wait3A_134] : memref<2560x128xi32, #tpu.memory_space<hbm>> -> memref<40x128xi32, #tpu.memory_space<hbm>>
        tpu.wait_dma2 semaphore(%run_scoped3A_127 : memref<!tpu.dma_semaphore, #tpu.memory_space<semaphore_mem>>) src(%dma_wait3A_135 : memref<40x128xi32, #tpu.memory_space<hbm>>) dst(%arg7 : memref<40x128xi32, #tpu.memory_space<vmem>>)
        tpu.yield
      }) : () -> ()
      %dma_start3A = arith.constant 0 : i32
      %dma_start3A_94 = arith.constant 0 : i32
      %dma_start3A_95 = tpu.memref_slice %arg6[%dma_start3A, %dma_start3A_94] : memref<40x128xi32, #tpu.memory_space<vmem>> -> memref<1x128xi32, #tpu.memory_space<vmem>>
      %dma_start3A_96 = tpu.memref_squeeze %dma_start3A_95 : memref<1x128xi32, #tpu.memory_space<vmem>> -> memref<128xi32, #tpu.memory_space<vmem>>
      %dma_start3A_97 = arith.constant 0 : i32
      %dma_start3A_98 = arith.constant 0 : i32
      %dma_start3A_99 = tpu.memref_slice %arg2[%dma_start3A_97, %dma_start3A_98] : memref<10000x128xf32, #tpu.memory_space<hbm>> -> memref<10000x128xf32, #tpu.memory_space<hbm>>
      tpu.enqueue_indirect_dma source(%dma_start3A_99 : memref<10000x128xf32, #tpu.memory_space<hbm>>) target(%arg8 : memref<128x128xf32, #tpu.memory_space<vmem>>) offsets(%dma_start3A_96 : memref<128xi32, #tpu.memory_space<vmem>>) semaphore(%arg11 : memref<!tpu.dma_semaphore, #tpu.memory_space<semaphore_mem>>)
      %dma_start3A_100 = arith.constant 1 : i32
      %dma_start3A_101 = arith.constant 0 : i32
      %dma_start3A_102 = tpu.memref_slice %arg6[%dma_start3A_100, %dma_start3A_101] : memref<40x128xi32, #tpu.memory_space<vmem>> -> memref<1x128xi32, #tpu.memory_space<vmem>>
      %dma_start3A_103 = tpu.memref_squeeze %dma_start3A_102 : memref<1x128xi32, #tpu.memory_space<vmem>> -> memref<128xi32, #tpu.memory_space<vmem>>
      %dma_start3A_104 = arith.constant 0 : i32
      %dma_start3A_105 = arith.constant 0 : i32
      %dma_start3A_106 = tpu.memref_slice %arg2[%dma_start3A_104, %dma_start3A_105] : memref<10000x128xf32, #tpu.memory_space<hbm>> -> memref<10000x128xf32, #tpu.memory_space<hbm>>
      tpu.enqueue_indirect_dma source(%dma_start3A_106 : memref<10000x128xf32, #tpu.memory_space<hbm>>) target(%arg9 : memref<128x128xf32, #tpu.memory_space<vmem>>) offsets(%dma_start3A_103 : memref<128xi32, #tpu.memory_space<vmem>>) semaphore(%arg12 : memref<!tpu.dma_semaphore, #tpu.memory_space<semaphore_mem>>)
      %scan3A_107 = arith.constant 0 : i32
      %scan3A_108 = arith.constant 0 : i32
      %scan3A_109 = arith.constant 19 : i32
      %scan3A_110 = arith.addi %scan3A_108, %scan3A_109 : i32
      %scan3A_111 = arith.constant 1 : i32
      scf.for %scan3A_127 = %scan3A_108 to %scan3A_110 step %scan3A_111  : i32 {
        %mul3A_128 = arith.constant 2 : i32
        %mul3A_129 = arith.muli %mul3A_128, %scan3A_127 : i32
        %dma_wait3A_130 = arith.constant 0 : i32
        %dma_wait3A_131 = tpu.memref_slice %arg6[%mul3A_129, %dma_wait3A_130] : memref<40x128xi32, #tpu.memory_space<vmem>> -> memref<1x128xi32, #tpu.memory_space<vmem>>
        %dma_wait3A_132 = tpu.memref_squeeze %dma_wait3A_131 : memref<1x128xi32, #tpu.memory_space<vmem>> -> memref<128xi32, #tpu.memory_space<vmem>>
        %dma_wait3A_133 = arith.constant 0 : i32
        %dma_wait3A_134 = arith.constant 0 : i32
        %dma_wait3A_135 = tpu.memref_slice %arg2[%dma_wait3A_133, %dma_wait3A_134] : memref<10000x128xf32, #tpu.memory_space<hbm>> -> memref<10000x128xf32, #tpu.memory_space<hbm>>
        tpu.wait_indirect_dma semaphore(%arg11 : memref<!tpu.dma_semaphore, #tpu.memory_space<semaphore_mem>>) src(%dma_wait3A_135 : memref<10000x128xf32, #tpu.memory_space<hbm>>) dst(%arg8 : memref<128x128xf32, #tpu.memory_space<vmem>>)
        "tpu.region"() ({
          %run_scoped3A_162 = tpu.sem_alloc : memref<!tpu.dma_semaphore, #tpu.memory_space<semaphore_mem>>
          %dma_start3A_163 = arith.constant 0 : i32
          %dma_start3A_164 = tpu.memref_slice %arg7[%mul3A_129, %dma_start3A_163] : memref<40x128xi32, #tpu.memory_space<vmem>> -> memref<1x128xi32, #tpu.memory_space<vmem>>
          %dma_start3A_165 = tpu.memref_squeeze %dma_start3A_164 : memref<1x128xi32, #tpu.memory_space<vmem>> -> memref<128xi32, #tpu.memory_space<vmem>>
          %dma_start3A_166 = arith.constant 0 : i32
          %dma_start3A_167 = arith.constant 0 : i32
          %dma_start3A_168 = tpu.memref_slice %arg10[%dma_start3A_166, %dma_start3A_167] : memref<10240x128xf32, #tpu.memory_space<vmem_shared>> -> memref<10240x128xf32, #tpu.memory_space<vmem_shared>>
          tpu.enqueue_indirect_dma source(%arg8 : memref<128x128xf32, #tpu.memory_space<vmem>>) target(%dma_start3A_168 : memref<10240x128xf32, #tpu.memory_space<vmem_shared>>) offsets(%dma_start3A_165 : memref<128xi32, #tpu.memory_space<vmem>>) semaphore(%run_scoped3A_162 : memref<!tpu.dma_semaphore, #tpu.memory_space<semaphore_mem>>) {add = true}
          %dma_wait3A_169 = arith.constant 0 : i32
          %dma_wait3A_170 = tpu.memref_slice %arg7[%mul3A_129, %dma_wait3A_169] : memref<40x128xi32, #tpu.memory_space<vmem>> -> memref<1x128xi32, #tpu.memory_space<vmem>>
          %dma_wait3A_171 = tpu.memref_squeeze %dma_wait3A_170 : memref<1x128xi32, #tpu.memory_space<vmem>> -> memref<128xi32, #tpu.memory_space<vmem>>
          %dma_wait3A_172 = arith.constant 0 : i32
          %dma_wait3A_173 = arith.constant 0 : i32
          %dma_wait3A_174 = tpu.memref_slice %arg10[%dma_wait3A_172, %dma_wait3A_173] : memref<10240x128xf32, #tpu.memory_space<vmem_shared>> -> memref<10240x128xf32, #tpu.memory_space<vmem_shared>>
          tpu.wait_indirect_dma semaphore(%run_scoped3A_162 : memref<!tpu.dma_semaphore, #tpu.memory_space<semaphore_mem>>) src(%arg8 : memref<128x128xf32, #tpu.memory_space<vmem>>) dst(%dma_wait3A_174 : memref<10240x128xf32, #tpu.memory_space<vmem_shared>>)
          tpu.yield
        }) : () -> ()
        %add3A_136 = arith.constant 2 : i32
        %add3A_137 = arith.addi %mul3A_129, %add3A_136 : i32
        %dma_start3A_138 = arith.constant 0 : i32
        %dma_start3A_139 = tpu.memref_slice %arg6[%add3A_137, %dma_start3A_138] : memref<40x128xi32, #tpu.memory_space<vmem>> -> memref<1x128xi32, #tpu.memory_space<vmem>>
        %dma_start3A_140 = tpu.memref_squeeze %dma_start3A_139 : memref<1x128xi32, #tpu.memory_space<vmem>> -> memref<128xi32, #tpu.memory_space<vmem>>
        %dma_start3A_141 = arith.constant 0 : i32
        %dma_start3A_142 = arith.constant 0 : i32
        %dma_start3A_143 = tpu.memref_slice %arg2[%dma_start3A_141, %dma_start3A_142] : memref<10000x128xf32, #tpu.memory_space<hbm>> -> memref<10000x128xf32, #tpu.memory_space<hbm>>
        tpu.enqueue_indirect_dma source(%dma_start3A_143 : memref<10000x128xf32, #tpu.memory_space<hbm>>) target(%arg8 : memref<128x128xf32, #tpu.memory_space<vmem>>) offsets(%dma_start3A_140 : memref<128xi32, #tpu.memory_space<vmem>>) semaphore(%arg11 : memref<!tpu.dma_semaphore, #tpu.memory_space<semaphore_mem>>)
        %add3A_144 = arith.constant 1 : i32
        %add3A_145 = arith.addi %mul3A_129, %add3A_144 : i32
        %dma_wait3A_146 = arith.constant 0 : i32
        %dma_wait3A_147 = tpu.memref_slice %arg6[%add3A_145, %dma_wait3A_146] : memref<40x128xi32, #tpu.memory_space<vmem>> -> memref<1x128xi32, #tpu.memory_space<vmem>>
        %dma_wait3A_148 = tpu.memref_squeeze %dma_wait3A_147 : memref<1x128xi32, #tpu.memory_space<vmem>> -> memref<128xi32, #tpu.memory_space<vmem>>
        %dma_wait3A_149 = arith.constant 0 : i32
        %dma_wait3A_150 = arith.constant 0 : i32
        %dma_wait3A_151 = tpu.memref_slice %arg2[%dma_wait3A_149, %dma_wait3A_150] : memref<10000x128xf32, #tpu.memory_space<hbm>> -> memref<10000x128xf32, #tpu.memory_space<hbm>>
        tpu.wait_indirect_dma semaphore(%arg12 : memref<!tpu.dma_semaphore, #tpu.memory_space<semaphore_mem>>) src(%dma_wait3A_151 : memref<10000x128xf32, #tpu.memory_space<hbm>>) dst(%arg9 : memref<128x128xf32, #tpu.memory_space<vmem>>)
        %add3A_152 = arith.constant 1 : i32
        %add3A_153 = arith.addi %mul3A_129, %add3A_152 : i32
        "tpu.region"() ({
          %run_scoped3A_162 = tpu.sem_alloc : memref<!tpu.dma_semaphore, #tpu.memory_space<semaphore_mem>>
          %dma_start3A_163 = arith.constant 0 : i32
          %dma_start3A_164 = tpu.memref_slice %arg7[%add3A_153, %dma_start3A_163] : memref<40x128xi32, #tpu.memory_space<vmem>> -> memref<1x128xi32, #tpu.memory_space<vmem>>
          %dma_start3A_165 = tpu.memref_squeeze %dma_start3A_164 : memref<1x128xi32, #tpu.memory_space<vmem>> -> memref<128xi32, #tpu.memory_space<vmem>>
          %dma_start3A_166 = arith.constant 0 : i32
          %dma_start3A_167 = arith.constant 0 : i32
          %dma_start3A_168 = tpu.memref_slice %arg10[%dma_start3A_166, %dma_start3A_167] : memref<10240x128xf32, #tpu.memory_space<vmem_shared>> -> memref<10240x128xf32, #tpu.memory_space<vmem_shared>>
          tpu.enqueue_indirect_dma source(%arg9 : memref<128x128xf32, #tpu.memory_space<vmem>>) target(%dma_start3A_168 : memref<10240x128xf32, #tpu.memory_space<vmem_shared>>) offsets(%dma_start3A_165 : memref<128xi32, #tpu.memory_space<vmem>>) semaphore(%run_scoped3A_162 : memref<!tpu.dma_semaphore, #tpu.memory_space<semaphore_mem>>) {add = true}
          %dma_wait3A_169 = arith.constant 0 : i32
          %dma_wait3A_170 = tpu.memref_slice %arg7[%add3A_153, %dma_wait3A_169] : memref<40x128xi32, #tpu.memory_space<vmem>> -> memref<1x128xi32, #tpu.memory_space<vmem>>
          %dma_wait3A_171 = tpu.memref_squeeze %dma_wait3A_170 : memref<1x128xi32, #tpu.memory_space<vmem>> -> memref<128xi32, #tpu.memory_space<vmem>>
          %dma_wait3A_172 = arith.constant 0 : i32
          %dma_wait3A_173 = arith.constant 0 : i32
          %dma_wait3A_174 = tpu.memref_slice %arg10[%dma_wait3A_172, %dma_wait3A_173] : memref<10240x128xf32, #tpu.memory_space<vmem_shared>> -> memref<10240x128xf32, #tpu.memory_space<vmem_shared>>
          tpu.wait_indirect_dma semaphore(%run_scoped3A_162 : memref<!tpu.dma_semaphore, #tpu.memory_space<semaphore_mem>>) src(%arg9 : memref<128x128xf32, #tpu.memory_space<vmem>>) dst(%dma_wait3A_174 : memref<10240x128xf32, #tpu.memory_space<vmem_shared>>)
          tpu.yield
        }) : () -> ()
        %add3A_154 = arith.constant 3 : i32
        %add3A_155 = arith.addi %mul3A_129, %add3A_154 : i32
        %dma_start3A_156 = arith.constant 0 : i32
        %dma_start3A_157 = tpu.memref_slice %arg6[%add3A_155, %dma_start3A_156] : memref<40x128xi32, #tpu.memory_space<vmem>> -> memref<1x128xi32, #tpu.memory_space<vmem>>
        %dma_start3A_158 = tpu.memref_squeeze %dma_start3A_157 : memref<1x128xi32, #tpu.memory_space<vmem>> -> memref<128xi32, #tpu.memory_space<vmem>>
        %dma_start3A_159 = arith.constant 0 : i32
        %dma_start3A_160 = arith.constant 0 : i32
        %dma_start3A_161 = tpu.memref_slice %arg2[%dma_start3A_159, %dma_start3A_160] : memref<10000x128xf32, #tpu.memory_space<hbm>> -> memref<10000x128xf32, #tpu.memory_space<hbm>>
        tpu.enqueue_indirect_dma source(%dma_start3A_161 : memref<10000x128xf32, #tpu.memory_space<hbm>>) target(%arg9 : memref<128x128xf32, #tpu.memory_space<vmem>>) offsets(%dma_start3A_158 : memref<128xi32, #tpu.memory_space<vmem>>) semaphore(%arg12 : memref<!tpu.dma_semaphore, #tpu.memory_space<semaphore_mem>>)
      }
      %scan3A_112 = arith.constant 19 : i32
      %dma_wait3A = arith.constant 38 : i32
      %dma_wait3A_113 = arith.constant 0 : i32
      %dma_wait3A_114 = tpu.memref_slice %arg6[%dma_wait3A, %dma_wait3A_113] : memref<40x128xi32, #tpu.memory_space<vmem>> -> memref<1x128xi32, #tpu.memory_space<vmem>>
      %dma_wait3A_115 = tpu.memref_squeeze %dma_wait3A_114 : memref<1x128xi32, #tpu.memory_space<vmem>> -> memref<128xi32, #tpu.memory_space<vmem>>
      %dma_wait3A_116 = arith.constant 0 : i32
      %dma_wait3A_117 = arith.constant 0 : i32
      %dma_wait3A_118 = tpu.memref_slice %arg2[%dma_wait3A_116, %dma_wait3A_117] : memref<10000x128xf32, #tpu.memory_space<hbm>> -> memref<10000x128xf32, #tpu.memory_space<hbm>>
      tpu.wait_indirect_dma semaphore(%arg11 : memref<!tpu.dma_semaphore, #tpu.memory_space<semaphore_mem>>) src(%dma_wait3A_118 : memref<10000x128xf32, #tpu.memory_space<hbm>>) dst(%arg8 : memref<128x128xf32, #tpu.memory_space<vmem>>)
      %run_scoped3A = arith.constant 38 : i32
      "tpu.region"() ({
        %run_scoped3A_127 = tpu.sem_alloc : memref<!tpu.dma_semaphore, #tpu.memory_space<semaphore_mem>>
        %dma_start3A_128 = arith.constant 0 : i32
        %dma_start3A_129 = tpu.memref_slice %arg7[%run_scoped3A, %dma_start3A_128] : memref<40x128xi32, #tpu.memory_space<vmem>> -> memref<1x128xi32, #tpu.memory_space<vmem>>
        %dma_start3A_130 = tpu.memref_squeeze %dma_start3A_129 : memref<1x128xi32, #tpu.memory_space<vmem>> -> memref<128xi32, #tpu.memory_space<vmem>>
        %dma_start3A_131 = arith.constant 0 : i32
        %dma_start3A_132 = arith.constant 0 : i32
        %dma_start3A_133 = tpu.memref_slice %arg10[%dma_start3A_131, %dma_start3A_132] : memref<10240x128xf32, #tpu.memory_space<vmem_shared>> -> memref<10240x128xf32, #tpu.memory_space<vmem_shared>>
        tpu.enqueue_indirect_dma source(%arg8 : memref<128x128xf32, #tpu.memory_space<vmem>>) target(%dma_start3A_133 : memref<10240x128xf32, #tpu.memory_space<vmem_shared>>) offsets(%dma_start3A_130 : memref<128xi32, #tpu.memory_space<vmem>>) semaphore(%run_scoped3A_127 : memref<!tpu.dma_semaphore, #tpu.memory_space<semaphore_mem>>) {add = true}
        %dma_wait3A_134 = arith.constant 0 : i32
        %dma_wait3A_135 = tpu.memref_slice %arg7[%run_scoped3A, %dma_wait3A_134] : memref<40x128xi32, #tpu.memory_space<vmem>> -> memref<1x128xi32, #tpu.memory_space<vmem>>
        %dma_wait3A_136 = tpu.memref_squeeze %dma_wait3A_135 : memref<1x128xi32, #tpu.memory_space<vmem>> -> memref<128xi32, #tpu.memory_space<vmem>>
        %dma_wait3A_137 = arith.constant 0 : i32
        %dma_wait3A_138 = arith.constant 0 : i32
        %dma_wait3A_139 = tpu.memref_slice %arg10[%dma_wait3A_137, %dma_wait3A_138] : memref<10240x128xf32, #tpu.memory_space<vmem_shared>> -> memref<10240x128xf32, #tpu.memory_space<vmem_shared>>
        tpu.wait_indirect_dma semaphore(%run_scoped3A_127 : memref<!tpu.dma_semaphore, #tpu.memory_space<semaphore_mem>>) src(%arg8 : memref<128x128xf32, #tpu.memory_space<vmem>>) dst(%dma_wait3A_139 : memref<10240x128xf32, #tpu.memory_space<vmem_shared>>)
        tpu.yield
      }) : () -> ()
      %dma_wait3A_119 = arith.constant 39 : i32
      %dma_wait3A_120 = arith.constant 0 : i32
      %dma_wait3A_121 = tpu.memref_slice %arg6[%dma_wait3A_119, %dma_wait3A_120] : memref<40x128xi32, #tpu.memory_space<vmem>> -> memref<1x128xi32, #tpu.memory_space<vmem>>
      %dma_wait3A_122 = tpu.memref_squeeze %dma_wait3A_121 : memref<1x128xi32, #tpu.memory_space<vmem>> -> memref<128xi32, #tpu.memory_space<vmem>>
      %dma_wait3A_123 = arith.constant 0 : i32
      %dma_wait3A_124 = arith.constant 0 : i32
      %dma_wait3A_125 = tpu.memref_slice %arg2[%dma_wait3A_123, %dma_wait3A_124] : memref<10000x128xf32, #tpu.memory_space<hbm>> -> memref<10000x128xf32, #tpu.memory_space<hbm>>
      tpu.wait_indirect_dma semaphore(%arg12 : memref<!tpu.dma_semaphore, #tpu.memory_space<semaphore_mem>>) src(%dma_wait3A_125 : memref<10000x128xf32, #tpu.memory_space<hbm>>) dst(%arg9 : memref<128x128xf32, #tpu.memory_space<vmem>>)
      %run_scoped3A_126 = arith.constant 39 : i32
      "tpu.region"() ({
        %run_scoped3A_127 = tpu.sem_alloc : memref<!tpu.dma_semaphore, #tpu.memory_space<semaphore_mem>>
        %dma_start3A_128 = arith.constant 0 : i32
        %dma_start3A_129 = tpu.memref_slice %arg7[%run_scoped3A_126, %dma_start3A_128] : memref<40x128xi32, #tpu.memory_space<vmem>> -> memref<1x128xi32, #tpu.memory_space<vmem>>
        %dma_start3A_130 = tpu.memref_squeeze %dma_start3A_129 : memref<1x128xi32, #tpu.memory_space<vmem>> -> memref<128xi32, #tpu.memory_space<vmem>>
        %dma_start3A_131 = arith.constant 0 : i32
        %dma_start3A_132 = arith.constant 0 : i32
        %dma_start3A_133 = tpu.memref_slice %arg10[%dma_start3A_131, %dma_start3A_132] : memref<10240x128xf32, #tpu.memory_space<vmem_shared>> -> memref<10240x128xf32, #tpu.memory_space<vmem_shared>>
        tpu.enqueue_indirect_dma source(%arg9 : memref<128x128xf32, #tpu.memory_space<vmem>>) target(%dma_start3A_133 : memref<10240x128xf32, #tpu.memory_space<vmem_shared>>) offsets(%dma_start3A_130 : memref<128xi32, #tpu.memory_space<vmem>>) semaphore(%run_scoped3A_127 : memref<!tpu.dma_semaphore, #tpu.memory_space<semaphore_mem>>) {add = true}
        %dma_wait3A_134 = arith.constant 0 : i32
        %dma_wait3A_135 = tpu.memref_slice %arg7[%run_scoped3A_126, %dma_wait3A_134] : memref<40x128xi32, #tpu.memory_space<vmem>> -> memref<1x128xi32, #tpu.memory_space<vmem>>
        %dma_wait3A_136 = tpu.memref_squeeze %dma_wait3A_135 : memref<1x128xi32, #tpu.memory_space<vmem>> -> memref<128xi32, #tpu.memory_space<vmem>>
        %dma_wait3A_137 = arith.constant 0 : i32
        %dma_wait3A_138 = arith.constant 0 : i32
        %dma_wait3A_139 = tpu.memref_slice %arg10[%dma_wait3A_137, %dma_wait3A_138] : memref<10240x128xf32, #tpu.memory_space<vmem_shared>> -> memref<10240x128xf32, #tpu.memory_space<vmem_shared>>
        tpu.wait_indirect_dma semaphore(%run_scoped3A_127 : memref<!tpu.dma_semaphore, #tpu.memory_space<semaphore_mem>>) src(%arg9 : memref<128x128xf32, #tpu.memory_space<vmem>>) dst(%dma_wait3A_139 : memref<10240x128xf32, #tpu.memory_space<vmem_shared>>)
        tpu.yield
      }) : () -> ()
    }
    %scan3A_31 = arith.constant 2 : i32
    %barrier3A_32 = arith.constant 0 : index
    tpu.barrier barrier_id(%barrier3A_32)
    %mul3A_33 = arith.constant 640 : i32
    %mul3A_34 = arith.muli %arg1, %mul3A_33 : i32
    %add3A_35 = arith.constant 0 : i32
    %add3A_36 = arith.addi %mul3A_34, %add3A_35 : i32
    "tpu.region"() ({
      %run_scoped3A = tpu.sem_alloc : memref<!tpu.dma_semaphore, #tpu.memory_space<semaphore_mem>>
      %dma_start3A = arith.constant 0 : i32
      %dma_start3A_88 = tpu.memref_slice %arg10[%add3A_36, %dma_start3A] : memref<10240x128xf32, #tpu.memory_space<vmem_shared>> -> memref<128x128xf32, #tpu.memory_space<vmem_shared>>
      %dma_start3A_89 = arith.constant 0 : i32
      %dma_start3A_90 = tpu.memref_slice %arg10[%add3A_36, %dma_start3A_89] : memref<10240x128xf32, #tpu.memory_space<vmem_shared>> -> memref<128x128xf32, #tpu.memory_space<vmem_shared>>
      tpu.enqueue_dma source(%dma_start3A_90 : memref<128x128xf32, #tpu.memory_space<vmem_shared>>) target(%arg8 : memref<128x128xf32, #tpu.memory_space<vmem>>) target_semaphore(%run_scoped3A : memref<!tpu.dma_semaphore, #tpu.memory_space<semaphore_mem>>)
      %dma_wait3A = arith.constant 0 : i32
      %dma_wait3A_91 = tpu.memref_slice %arg10[%add3A_36, %dma_wait3A] : memref<10240x128xf32, #tpu.memory_space<vmem_shared>> -> memref<128x128xf32, #tpu.memory_space<vmem_shared>>
      %dma_wait3A_92 = arith.constant 0 : i32
      %dma_wait3A_93 = tpu.memref_slice %arg10[%add3A_36, %dma_wait3A_92] : memref<10240x128xf32, #tpu.memory_space<vmem_shared>> -> memref<128x128xf32, #tpu.memory_space<vmem_shared>>
      tpu.wait_dma2 semaphore(%run_scoped3A : memref<!tpu.dma_semaphore, #tpu.memory_space<semaphore_mem>>) src(%dma_wait3A_93 : memref<128x128xf32, #tpu.memory_space<vmem_shared>>) dst(%arg8 : memref<128x128xf32, #tpu.memory_space<vmem>>)
      tpu.yield
    }) : () -> ()
    %mul3A_37 = arith.constant 10240 : i32
    %mul3A_38 = arith.muli %arg0, %mul3A_37 : i32
    %mul3A_39 = arith.constant 640 : i32
    %mul3A_40 = arith.muli %arg1, %mul3A_39 : i32
    %add3A_41 = arith.addi %mul3A_38, %mul3A_40 : i32
    %add3A_42 = arith.constant 0 : i32
    %add3A_43 = arith.addi %add3A_41, %add3A_42 : i32
    "tpu.region"() ({
      %run_scoped3A = tpu.sem_alloc : memref<!tpu.dma_semaphore, #tpu.memory_space<semaphore_mem>>
      %dma_start3A = arith.constant 0 : i32
      %dma_start3A_88 = tpu.memref_slice %arg5[%add3A_43, %dma_start3A] : memref<20480x128xf32, #tpu.memory_space<hbm>> -> memref<128x128xf32, #tpu.memory_space<hbm>>
      %dma_start3A_89 = arith.constant 0 : i32
      %dma_start3A_90 = tpu.memref_slice %arg5[%add3A_43, %dma_start3A_89] : memref<20480x128xf32, #tpu.memory_space<hbm>> -> memref<128x128xf32, #tpu.memory_space<hbm>>
      tpu.enqueue_dma source(%arg8 : memref<128x128xf32, #tpu.memory_space<vmem>>) target(%dma_start3A_90 : memref<128x128xf32, #tpu.memory_space<hbm>>) target_semaphore(%run_scoped3A : memref<!tpu.dma_semaphore, #tpu.memory_space<semaphore_mem>>)
      %dma_wait3A = arith.constant 0 : i32
      %dma_wait3A_91 = tpu.memref_slice %arg5[%add3A_43, %dma_wait3A] : memref<20480x128xf32, #tpu.memory_space<hbm>> -> memref<128x128xf32, #tpu.memory_space<hbm>>
      %dma_wait3A_92 = arith.constant 0 : i32
      %dma_wait3A_93 = tpu.memref_slice %arg5[%add3A_43, %dma_wait3A_92] : memref<20480x128xf32, #tpu.memory_space<hbm>> -> memref<128x128xf32, #tpu.memory_space<hbm>>
      tpu.wait_dma2 semaphore(%run_scoped3A : memref<!tpu.dma_semaphore, #tpu.memory_space<semaphore_mem>>) src(%arg8 : memref<128x128xf32, #tpu.memory_space<vmem>>) dst(%dma_wait3A_93 : memref<128x128xf32, #tpu.memory_space<hbm>>)
      tpu.yield
    }) : () -> ()
    %mul3A_44 = arith.constant 640 : i32
    %mul3A_45 = arith.muli %arg1, %mul3A_44 : i32
    %add3A_46 = arith.constant 128 : i32
    %add3A_47 = arith.addi %mul3A_45, %add3A_46 : i32
    "tpu.region"() ({
      %run_scoped3A = tpu.sem_alloc : memref<!tpu.dma_semaphore, #tpu.memory_space<semaphore_mem>>
      %dma_start3A = arith.constant 0 : i32
      %dma_start3A_88 = tpu.memref_slice %arg10[%add3A_47, %dma_start3A] : memref<10240x128xf32, #tpu.memory_space<vmem_shared>> -> memref<128x128xf32, #tpu.memory_space<vmem_shared>>
      %dma_start3A_89 = arith.constant 0 : i32
      %dma_start3A_90 = tpu.memref_slice %arg10[%add3A_47, %dma_start3A_89] : memref<10240x128xf32, #tpu.memory_space<vmem_shared>> -> memref<128x128xf32, #tpu.memory_space<vmem_shared>>
      tpu.enqueue_dma source(%dma_start3A_90 : memref<128x128xf32, #tpu.memory_space<vmem_shared>>) target(%arg8 : memref<128x128xf32, #tpu.memory_space<vmem>>) target_semaphore(%run_scoped3A : memref<!tpu.dma_semaphore, #tpu.memory_space<semaphore_mem>>)
      %dma_wait3A = arith.constant 0 : i32
      %dma_wait3A_91 = tpu.memref_slice %arg10[%add3A_47, %dma_wait3A] : memref<10240x128xf32, #tpu.memory_space<vmem_shared>> -> memref<128x128xf32, #tpu.memory_space<vmem_shared>>
      %dma_wait3A_92 = arith.constant 0 : i32
      %dma_wait3A_93 = tpu.memref_slice %arg10[%add3A_47, %dma_wait3A_92] : memref<10240x128xf32, #tpu.memory_space<vmem_shared>> -> memref<128x128xf32, #tpu.memory_space<vmem_shared>>
      tpu.wait_dma2 semaphore(%run_scoped3A : memref<!tpu.dma_semaphore, #tpu.memory_space<semaphore_mem>>) src(%dma_wait3A_93 : memref<128x128xf32, #tpu.memory_space<vmem_shared>>) dst(%arg8 : memref<128x128xf32, #tpu.memory_space<vmem>>)
      tpu.yield
    }) : () -> ()
    %mul3A_48 = arith.constant 10240 : i32
    %mul3A_49 = arith.muli %arg0, %mul3A_48 : i32
    %mul3A_50 = arith.constant 640 : i32
    %mul3A_51 = arith.muli %arg1, %mul3A_50 : i32
    %add3A_52 = arith.addi %mul3A_49, %mul3A_51 : i32
    %add3A_53 = arith.constant 128 : i32
    %add3A_54 = arith.addi %add3A_52, %add3A_53 : i32
    "tpu.region"() ({
      %run_scoped3A = tpu.sem_alloc : memref<!tpu.dma_semaphore, #tpu.memory_space<semaphore_mem>>
      %dma_start3A = arith.constant 0 : i32
      %dma_start3A_88 = tpu.memref_slice %arg5[%add3A_54, %dma_start3A] : memref<20480x128xf32, #tpu.memory_space<hbm>> -> memref<128x128xf32, #tpu.memory_space<hbm>>
      %dma_start3A_89 = arith.constant 0 : i32
      %dma_start3A_90 = tpu.memref_slice %arg5[%add3A_54, %dma_start3A_89] : memref<20480x128xf32, #tpu.memory_space<hbm>> -> memref<128x128xf32, #tpu.memory_space<hbm>>
      tpu.enqueue_dma source(%arg8 : memref<128x128xf32, #tpu.memory_space<vmem>>) target(%dma_start3A_90 : memref<128x128xf32, #tpu.memory_space<hbm>>) target_semaphore(%run_scoped3A : memref<!tpu.dma_semaphore, #tpu.memory_space<semaphore_mem>>)
      %dma_wait3A = arith.constant 0 : i32
      %dma_wait3A_91 = tpu.memref_slice %arg5[%add3A_54, %dma_wait3A] : memref<20480x128xf32, #tpu.memory_space<hbm>> -> memref<128x128xf32, #tpu.memory_space<hbm>>
      %dma_wait3A_92 = arith.constant 0 : i32
      %dma_wait3A_93 = tpu.memref_slice %arg5[%add3A_54, %dma_wait3A_92] : memref<20480x128xf32, #tpu.memory_space<hbm>> -> memref<128x128xf32, #tpu.memory_space<hbm>>
      tpu.wait_dma2 semaphore(%run_scoped3A : memref<!tpu.dma_semaphore, #tpu.memory_space<semaphore_mem>>) src(%arg8 : memref<128x128xf32, #tpu.memory_space<vmem>>) dst(%dma_wait3A_93 : memref<128x128xf32, #tpu.memory_space<hbm>>)
      tpu.yield
    }) : () -> ()
    %mul3A_55 = arith.constant 640 : i32
    %mul3A_56 = arith.muli %arg1, %mul3A_55 : i32
    %add3A_57 = arith.constant 256 : i32
    %add3A_58 = arith.addi %mul3A_56, %add3A_57 : i32
    "tpu.region"() ({
      %run_scoped3A = tpu.sem_alloc : memref<!tpu.dma_semaphore, #tpu.memory_space<semaphore_mem>>
      %dma_start3A = arith.constant 0 : i32
      %dma_start3A_88 = tpu.memref_slice %arg10[%add3A_58, %dma_start3A] : memref<10240x128xf32, #tpu.memory_space<vmem_shared>> -> memref<128x128xf32, #tpu.memory_space<vmem_shared>>
      %dma_start3A_89 = arith.constant 0 : i32
      %dma_start3A_90 = tpu.memref_slice %arg10[%add3A_58, %dma_start3A_89] : memref<10240x128xf32, #tpu.memory_space<vmem_shared>> -> memref<128x128xf32, #tpu.memory_space<vmem_shared>>
      tpu.enqueue_dma source(%dma_start3A_90 : memref<128x128xf32, #tpu.memory_space<vmem_shared>>) target(%arg8 : memref<128x128xf32, #tpu.memory_space<vmem>>) target_semaphore(%run_scoped3A : memref<!tpu.dma_semaphore, #tpu.memory_space<semaphore_mem>>)
      %dma_wait3A = arith.constant 0 : i32
      %dma_wait3A_91 = tpu.memref_slice %arg10[%add3A_58, %dma_wait3A] : memref<10240x128xf32, #tpu.memory_space<vmem_shared>> -> memref<128x128xf32, #tpu.memory_space<vmem_shared>>
      %dma_wait3A_92 = arith.constant 0 : i32
      %dma_wait3A_93 = tpu.memref_slice %arg10[%add3A_58, %dma_wait3A_92] : memref<10240x128xf32, #tpu.memory_space<vmem_shared>> -> memref<128x128xf32, #tpu.memory_space<vmem_shared>>
      tpu.wait_dma2 semaphore(%run_scoped3A : memref<!tpu.dma_semaphore, #tpu.memory_space<semaphore_mem>>) src(%dma_wait3A_93 : memref<128x128xf32, #tpu.memory_space<vmem_shared>>) dst(%arg8 : memref<128x128xf32, #tpu.memory_space<vmem>>)
      tpu.yield
    }) : () -> ()
    %mul3A_59 = arith.constant 10240 : i32
    %mul3A_60 = arith.muli %arg0, %mul3A_59 : i32
    %mul3A_61 = arith.constant 640 : i32
    %mul3A_62 = arith.muli %arg1, %mul3A_61 : i32
    %add3A_63 = arith.addi %mul3A_60, %mul3A_62 : i32
    %add3A_64 = arith.constant 256 : i32
    %add3A_65 = arith.addi %add3A_63, %add3A_64 : i32
    "tpu.region"() ({
      %run_scoped3A = tpu.sem_alloc : memref<!tpu.dma_semaphore, #tpu.memory_space<semaphore_mem>>
      %dma_start3A = arith.constant 0 : i32
      %dma_start3A_88 = tpu.memref_slice %arg5[%add3A_65, %dma_start3A] : memref<20480x128xf32, #tpu.memory_space<hbm>> -> memref<128x128xf32, #tpu.memory_space<hbm>>
      %dma_start3A_89 = arith.constant 0 : i32
      %dma_start3A_90 = tpu.memref_slice %arg5[%add3A_65, %dma_start3A_89] : memref<20480x128xf32, #tpu.memory_space<hbm>> -> memref<128x128xf32, #tpu.memory_space<hbm>>
      tpu.enqueue_dma source(%arg8 : memref<128x128xf32, #tpu.memory_space<vmem>>) target(%dma_start3A_90 : memref<128x128xf32, #tpu.memory_space<hbm>>) target_semaphore(%run_scoped3A : memref<!tpu.dma_semaphore, #tpu.memory_space<semaphore_mem>>)
      %dma_wait3A = arith.constant 0 : i32
      %dma_wait3A_91 = tpu.memref_slice %arg5[%add3A_65, %dma_wait3A] : memref<20480x128xf32, #tpu.memory_space<hbm>> -> memref<128x128xf32, #tpu.memory_space<hbm>>
      %dma_wait3A_92 = arith.constant 0 : i32
      %dma_wait3A_93 = tpu.memref_slice %arg5[%add3A_65, %dma_wait3A_92] : memref<20480x128xf32, #tpu.memory_space<hbm>> -> memref<128x128xf32, #tpu.memory_space<hbm>>
      tpu.wait_dma2 semaphore(%run_scoped3A : memref<!tpu.dma_semaphore, #tpu.memory_space<semaphore_mem>>) src(%arg8 : memref<128x128xf32, #tpu.memory_space<vmem>>) dst(%dma_wait3A_93 : memref<128x128xf32, #tpu.memory_space<hbm>>)
      tpu.yield
    }) : () -> ()
    %mul3A_66 = arith.constant 640 : i32
    %mul3A_67 = arith.muli %arg1, %mul3A_66 : i32
    %add3A_68 = arith.constant 384 : i32
    %add3A_69 = arith.addi %mul3A_67, %add3A_68 : i32
    "tpu.region"() ({
      %run_scoped3A = tpu.sem_alloc : memref<!tpu.dma_semaphore, #tpu.memory_space<semaphore_mem>>
      %dma_start3A = arith.constant 0 : i32
      %dma_start3A_88 = tpu.memref_slice %arg10[%add3A_69, %dma_start3A] : memref<10240x128xf32, #tpu.memory_space<vmem_shared>> -> memref<128x128xf32, #tpu.memory_space<vmem_shared>>
      %dma_start3A_89 = arith.constant 0 : i32
      %dma_start3A_90 = tpu.memref_slice %arg10[%add3A_69, %dma_start3A_89] : memref<10240x128xf32, #tpu.memory_space<vmem_shared>> -> memref<128x128xf32, #tpu.memory_space<vmem_shared>>
      tpu.enqueue_dma source(%dma_start3A_90 : memref<128x128xf32, #tpu.memory_space<vmem_shared>>) target(%arg8 : memref<128x128xf32, #tpu.memory_space<vmem>>) target_semaphore(%run_scoped3A : memref<!tpu.dma_semaphore, #tpu.memory_space<semaphore_mem>>)
      %dma_wait3A = arith.constant 0 : i32
      %dma_wait3A_91 = tpu.memref_slice %arg10[%add3A_69, %dma_wait3A] : memref<10240x128xf32, #tpu.memory_space<vmem_shared>> -> memref<128x128xf32, #tpu.memory_space<vmem_shared>>
      %dma_wait3A_92 = arith.constant 0 : i32
      %dma_wait3A_93 = tpu.memref_slice %arg10[%add3A_69, %dma_wait3A_92] : memref<10240x128xf32, #tpu.memory_space<vmem_shared>> -> memref<128x128xf32, #tpu.memory_space<vmem_shared>>
      tpu.wait_dma2 semaphore(%run_scoped3A : memref<!tpu.dma_semaphore, #tpu.memory_space<semaphore_mem>>) src(%dma_wait3A_93 : memref<128x128xf32, #tpu.memory_space<vmem_shared>>) dst(%arg8 : memref<128x128xf32, #tpu.memory_space<vmem>>)
      tpu.yield
    }) : () -> ()
    %mul3A_70 = arith.constant 10240 : i32
    %mul3A_71 = arith.muli %arg0, %mul3A_70 : i32
    %mul3A_72 = arith.constant 640 : i32
    %mul3A_73 = arith.muli %arg1, %mul3A_72 : i32
    %add3A_74 = arith.addi %mul3A_71, %mul3A_73 : i32
    %add3A_75 = arith.constant 384 : i32
    %add3A_76 = arith.addi %add3A_74, %add3A_75 : i32
    "tpu.region"() ({
      %run_scoped3A = tpu.sem_alloc : memref<!tpu.dma_semaphore, #tpu.memory_space<semaphore_mem>>
      %dma_start3A = arith.constant 0 : i32
      %dma_start3A_88 = tpu.memref_slice %arg5[%add3A_76, %dma_start3A] : memref<20480x128xf32, #tpu.memory_space<hbm>> -> memref<128x128xf32, #tpu.memory_space<hbm>>
      %dma_start3A_89 = arith.constant 0 : i32
      %dma_start3A_90 = tpu.memref_slice %arg5[%add3A_76, %dma_start3A_89] : memref<20480x128xf32, #tpu.memory_space<hbm>> -> memref<128x128xf32, #tpu.memory_space<hbm>>
      tpu.enqueue_dma source(%arg8 : memref<128x128xf32, #tpu.memory_space<vmem>>) target(%dma_start3A_90 : memref<128x128xf32, #tpu.memory_space<hbm>>) target_semaphore(%run_scoped3A : memref<!tpu.dma_semaphore, #tpu.memory_space<semaphore_mem>>)
      %dma_wait3A = arith.constant 0 : i32
      %dma_wait3A_91 = tpu.memref_slice %arg5[%add3A_76, %dma_wait3A] : memref<20480x128xf32, #tpu.memory_space<hbm>> -> memref<128x128xf32, #tpu.memory_space<hbm>>
      %dma_wait3A_92 = arith.constant 0 : i32
      %dma_wait3A_93 = tpu.memref_slice %arg5[%add3A_76, %dma_wait3A_92] : memref<20480x128xf32, #tpu.memory_space<hbm>> -> memref<128x128xf32, #tpu.memory_space<hbm>>
      tpu.wait_dma2 semaphore(%run_scoped3A : memref<!tpu.dma_semaphore, #tpu.memory_space<semaphore_mem>>) src(%arg8 : memref<128x128xf32, #tpu.memory_space<vmem>>) dst(%dma_wait3A_93 : memref<128x128xf32, #tpu.memory_space<hbm>>)
      tpu.yield
    }) : () -> ()
    %mul3A_77 = arith.constant 640 : i32
    %mul3A_78 = arith.muli %arg1, %mul3A_77 : i32
    %add3A_79 = arith.constant 512 : i32
    %add3A_80 = arith.addi %mul3A_78, %add3A_79 : i32
    "tpu.region"() ({
      %run_scoped3A = tpu.sem_alloc : memref<!tpu.dma_semaphore, #tpu.memory_space<semaphore_mem>>
      %dma_start3A = arith.constant 0 : i32
      %dma_start3A_88 = tpu.memref_slice %arg10[%add3A_80, %dma_start3A] : memref<10240x128xf32, #tpu.memory_space<vmem_shared>> -> memref<128x128xf32, #tpu.memory_space<vmem_shared>>
      %dma_start3A_89 = arith.constant 0 : i32
      %dma_start3A_90 = tpu.memref_slice %arg10[%add3A_80, %dma_start3A_89] : memref<10240x128xf32, #tpu.memory_space<vmem_shared>> -> memref<128x128xf32, #tpu.memory_space<vmem_shared>>
      tpu.enqueue_dma source(%dma_start3A_90 : memref<128x128xf32, #tpu.memory_space<vmem_shared>>) target(%arg8 : memref<128x128xf32, #tpu.memory_space<vmem>>) target_semaphore(%run_scoped3A : memref<!tpu.dma_semaphore, #tpu.memory_space<semaphore_mem>>)
      %dma_wait3A = arith.constant 0 : i32
      %dma_wait3A_91 = tpu.memref_slice %arg10[%add3A_80, %dma_wait3A] : memref<10240x128xf32, #tpu.memory_space<vmem_shared>> -> memref<128x128xf32, #tpu.memory_space<vmem_shared>>
      %dma_wait3A_92 = arith.constant 0 : i32
      %dma_wait3A_93 = tpu.memref_slice %arg10[%add3A_80, %dma_wait3A_92] : memref<10240x128xf32, #tpu.memory_space<vmem_shared>> -> memref<128x128xf32, #tpu.memory_space<vmem_shared>>
      tpu.wait_dma2 semaphore(%run_scoped3A : memref<!tpu.dma_semaphore, #tpu.memory_space<semaphore_mem>>) src(%dma_wait3A_93 : memref<128x128xf32, #tpu.memory_space<vmem_shared>>) dst(%arg8 : memref<128x128xf32, #tpu.memory_space<vmem>>)
      tpu.yield
    }) : () -> ()
    %mul3A_81 = arith.constant 10240 : i32
    %mul3A_82 = arith.muli %arg0, %mul3A_81 : i32
    %mul3A_83 = arith.constant 640 : i32
    %mul3A_84 = arith.muli %arg1, %mul3A_83 : i32
    %add3A_85 = arith.addi %mul3A_82, %mul3A_84 : i32
    %add3A_86 = arith.constant 512 : i32
    %add3A_87 = arith.addi %add3A_85, %add3A_86 : i32
    "tpu.region"() ({
      %run_scoped3A = tpu.sem_alloc : memref<!tpu.dma_semaphore, #tpu.memory_space<semaphore_mem>>
      %dma_start3A = arith.constant 0 : i32
      %dma_start3A_88 = tpu.memref_slice %arg5[%add3A_87, %dma_start3A] : memref<20480x128xf32, #tpu.memory_space<hbm>> -> memref<128x128xf32, #tpu.memory_space<hbm>>
      %dma_start3A_89 = arith.constant 0 : i32
      %dma_start3A_90 = tpu.memref_slice %arg5[%add3A_87, %dma_start3A_89] : memref<20480x128xf32, #tpu.memory_space<hbm>> -> memref<128x128xf32, #tpu.memory_space<hbm>>
      tpu.enqueue_dma source(%arg8 : memref<128x128xf32, #tpu.memory_space<vmem>>) target(%dma_start3A_90 : memref<128x128xf32, #tpu.memory_space<hbm>>) target_semaphore(%run_scoped3A : memref<!tpu.dma_semaphore, #tpu.memory_space<semaphore_mem>>)
      %dma_wait3A = arith.constant 0 : i32
      %dma_wait3A_91 = tpu.memref_slice %arg5[%add3A_87, %dma_wait3A] : memref<20480x128xf32, #tpu.memory_space<hbm>> -> memref<128x128xf32, #tpu.memory_space<hbm>>
      %dma_wait3A_92 = arith.constant 0 : i32
      %dma_wait3A_93 = tpu.memref_slice %arg5[%add3A_87, %dma_wait3A_92] : memref<20480x128xf32, #tpu.memory_space<hbm>> -> memref<128x128xf32, #tpu.memory_space<hbm>>
      tpu.wait_dma2 semaphore(%run_scoped3A : memref<!tpu.dma_semaphore, #tpu.memory_space<semaphore_mem>>) src(%arg8 : memref<128x128xf32, #tpu.memory_space<vmem>>) dst(%dma_wait3A_93 : memref<128x128xf32, #tpu.memory_space<hbm>>)
      tpu.yield
    }) : () -> ()
    return
  }
}

#map = affine_map<(d0, d1) -> (0, 0)>
module attributes {stable_mosaic.version = 14 : i64} {
  func.func @body(%arg0: i32, %arg1: i32, %arg2: memref<10000x128xf32, #tpu.memory_space<hbm>>, %arg3: memref<2560x128xi32, #tpu.memory_space<hbm>>, %arg4: memref<2560x128xi32, #tpu.memory_space<hbm>>, %arg5: memref<20480x128xf32, #tpu.memory_space<hbm>>, %arg6: memref<40x128xi32, #tpu.memory_space<vmem>>, %arg7: memref<40x128xi32, #tpu.memory_space<vmem>>, %arg8: memref<128x128xf32, #tpu.memory_space<vmem>>, %arg9: memref<128x128xf32, #tpu.memory_space<vmem>>, %arg10: memref<10240x128xf32, #tpu.memory_space<vmem_shared>>, %arg11: memref<!tpu.dma_semaphore, #tpu.memory_space<semaphore_mem>>, %arg12: memref<!tpu.dma_semaphore, #tpu.memory_space<semaphore_mem>>) attributes {dimension_semantics = [#tpu.dimension_semantics<core_parallel>, #tpu.dimension_semantics<subcore_parallel>], iteration_bounds = array<i64: 2, 16>, scalar_prefetch = 0 : i64, scratch_operands = 7 : i64, tpu.core_type = #tpu.core_type<sc_vector_subcore>, window_params = [{transform_indices = #map}, {transform_indices = #map}, {transform_indices = #map}, {transform_indices = #map}]} {
    %mul3A = arith.constant 16 : i32
    %mul3A_0 = arith.muli %arg0, %mul3A : i32
    %add3A = arith.addi %mul3A_0, %arg1 : i32
    %scan3A = arith.constant 0 : i32
    %scan3A_1 = arith.constant 0 : i32
    %scan3A_2 = arith.constant 128 : i32
    %scan3A_3 = arith.addi %scan3A_1, %scan3A_2 : i32
    %scan3A_4 = arith.constant 1 : i32
    scf.for %scan3A_88 = %scan3A_1 to %scan3A_3 step %scan3A_4  : i32 {
      %broadcast_in_dim3A = arith.constant 0.000000e+00 : f32
      %broadcast_in_dim3A_89 = vector.broadcast %broadcast_in_dim3A : f32 to vector<16xf32>
      %swap3A = arith.index_cast %scan3A_88 : i32 to index
      %swap3A_90 = arith.constant 0 : index
      %swap3A_91 = tpu.vector_load %arg8[%swap3A, %swap3A_90] {strides = array<i32>} : memref<128x128xf32, #tpu.memory_space<vmem>>, vector<1x16xf32>,
      %swap3A_92 = vector.shape_cast %swap3A_91 : vector<1x16xf32> to vector<16xf32>
      %swap3A_93 = vector.shape_cast %broadcast_in_dim3A_89 : vector<16xf32> to vector<1x16xf32>
      tpu.vector_store %arg8[%swap3A, %swap3A_90], %swap3A_93 {strides = array<i32>} : memref<128x128xf32, #tpu.memory_space<vmem>>, vector<1x16xf32>,
      %broadcast_in_dim3A_94 = arith.constant 0.000000e+00 : f32
      %broadcast_in_dim3A_95 = vector.broadcast %broadcast_in_dim3A_94 : f32 to vector<16xf32>
      %swap3A_96 = arith.index_cast %scan3A_88 : i32 to index
      %swap3A_97 = arith.constant 16 : index
      %swap3A_98 = tpu.vector_load %arg8[%swap3A_96, %swap3A_97] {strides = array<i32>} : memref<128x128xf32, #tpu.memory_space<vmem>>, vector<1x16xf32>,
      %swap3A_99 = vector.shape_cast %swap3A_98 : vector<1x16xf32> to vector<16xf32>
      %swap3A_100 = vector.shape_cast %broadcast_in_dim3A_95 : vector<16xf32> to vector<1x16xf32>
      tpu.vector_store %arg8[%swap3A_96, %swap3A_97], %swap3A_100 {strides = array<i32>} : memref<128x128xf32, #tpu.memory_space<vmem>>, vector<1x16xf32>,
      %broadcast_in_dim3A_101 = arith.constant 0.000000e+00 : f32
      %broadcast_in_dim3A_102 = vector.broadcast %broadcast_in_dim3A_101 : f32 to vector<16xf32>
      %swap3A_103 = arith.index_cast %scan3A_88 : i32 to index
      %swap3A_104 = arith.constant 32 : index
      %swap3A_105 = tpu.vector_load %arg8[%swap3A_103, %swap3A_104] {strides = array<i32>} : memref<128x128xf32, #tpu.memory_space<vmem>>, vector<1x16xf32>,
      %swap3A_106 = vector.shape_cast %swap3A_105 : vector<1x16xf32> to vector<16xf32>
      %swap3A_107 = vector.shape_cast %broadcast_in_dim3A_102 : vector<16xf32> to vector<1x16xf32>
      tpu.vector_store %arg8[%swap3A_103, %swap3A_104], %swap3A_107 {strides = array<i32>} : memref<128x128xf32, #tpu.memory_space<vmem>>, vector<1x16xf32>,
      %broadcast_in_dim3A_108 = arith.constant 0.000000e+00 : f32
      %broadcast_in_dim3A_109 = vector.broadcast %broadcast_in_dim3A_108 : f32 to vector<16xf32>
      %swap3A_110 = arith.index_cast %scan3A_88 : i32 to index
      %swap3A_111 = arith.constant 48 : index
      %swap3A_112 = tpu.vector_load %arg8[%swap3A_110, %swap3A_111] {strides = array<i32>} : memref<128x128xf32, #tpu.memory_space<vmem>>, vector<1x16xf32>,
      %swap3A_113 = vector.shape_cast %swap3A_112 : vector<1x16xf32> to vector<16xf32>
      %swap3A_114 = vector.shape_cast %broadcast_in_dim3A_109 : vector<16xf32> to vector<1x16xf32>
      tpu.vector_store %arg8[%swap3A_110, %swap3A_111], %swap3A_114 {strides = array<i32>} : memref<128x128xf32, #tpu.memory_space<vmem>>, vector<1x16xf32>,
      %broadcast_in_dim3A_115 = arith.constant 0.000000e+00 : f32
      %broadcast_in_dim3A_116 = vector.broadcast %broadcast_in_dim3A_115 : f32 to vector<16xf32>
      %swap3A_117 = arith.index_cast %scan3A_88 : i32 to index
      %swap3A_118 = arith.constant 64 : index
      %swap3A_119 = tpu.vector_load %arg8[%swap3A_117, %swap3A_118] {strides = array<i32>} : memref<128x128xf32, #tpu.memory_space<vmem>>, vector<1x16xf32>,
      %swap3A_120 = vector.shape_cast %swap3A_119 : vector<1x16xf32> to vector<16xf32>
      %swap3A_121 = vector.shape_cast %broadcast_in_dim3A_116 : vector<16xf32> to vector<1x16xf32>
      tpu.vector_store %arg8[%swap3A_117, %swap3A_118], %swap3A_121 {strides = array<i32>} : memref<128x128xf32, #tpu.memory_space<vmem>>, vector<1x16xf32>,
      %broadcast_in_dim3A_122 = arith.constant 0.000000e+00 : f32
      %broadcast_in_dim3A_123 = vector.broadcast %broadcast_in_dim3A_122 : f32 to vector<16xf32>
      %swap3A_124 = arith.index_cast %scan3A_88 : i32 to index
      %swap3A_125 = arith.constant 80 : index
      %swap3A_126 = tpu.vector_load %arg8[%swap3A_124, %swap3A_125] {strides = array<i32>} : memref<128x128xf32, #tpu.memory_space<vmem>>, vector<1x16xf32>,
      %swap3A_127 = vector.shape_cast %swap3A_126 : vector<1x16xf32> to vector<16xf32>
      %swap3A_128 = vector.shape_cast %broadcast_in_dim3A_123 : vector<16xf32> to vector<1x16xf32>
      tpu.vector_store %arg8[%swap3A_124, %swap3A_125], %swap3A_128 {strides = array<i32>} : memref<128x128xf32, #tpu.memory_space<vmem>>, vector<1x16xf32>,
      %broadcast_in_dim3A_129 = arith.constant 0.000000e+00 : f32
      %broadcast_in_dim3A_130 = vector.broadcast %broadcast_in_dim3A_129 : f32 to vector<16xf32>
      %swap3A_131 = arith.index_cast %scan3A_88 : i32 to index
      %swap3A_132 = arith.constant 96 : index
      %swap3A_133 = tpu.vector_load %arg8[%swap3A_131, %swap3A_132] {strides = array<i32>} : memref<128x128xf32, #tpu.memory_space<vmem>>, vector<1x16xf32>,
      %swap3A_134 = vector.shape_cast %swap3A_133 : vector<1x16xf32> to vector<16xf32>
      %swap3A_135 = vector.shape_cast %broadcast_in_dim3A_130 : vector<16xf32> to vector<1x16xf32>
      tpu.vector_store %arg8[%swap3A_131, %swap3A_132], %swap3A_135 {strides = array<i32>} : memref<128x128xf32, #tpu.memory_space<vmem>>, vector<1x16xf32>,
      %broadcast_in_dim3A_136 = arith.constant 0.000000e+00 : f32
      %broadcast_in_dim3A_137 = vector.broadcast %broadcast_in_dim3A_136 : f32 to vector<16xf32>
      %swap3A_138 = arith.index_cast %scan3A_88 : i32 to index
      %swap3A_139 = arith.constant 112 : index
      %swap3A_140 = tpu.vector_load %arg8[%swap3A_138, %swap3A_139] {strides = array<i32>} : memref<128x128xf32, #tpu.memory_space<vmem>>, vector<1x16xf32>,
      %swap3A_141 = vector.shape_cast %swap3A_140 : vector<1x16xf32> to vector<16xf32>
      %swap3A_142 = vector.shape_cast %broadcast_in_dim3A_137 : vector<16xf32> to vector<1x16xf32>
      tpu.vector_store %arg8[%swap3A_138, %swap3A_139], %swap3A_142 {strides = array<i32>} : memref<128x128xf32, #tpu.memory_space<vmem>>, vector<1x16xf32>,
    }
    %scan3A_5 = arith.constant 128 : i32
    %mul3A_6 = arith.constant 640 : i32
    %mul3A_7 = arith.muli %arg1, %mul3A_6 : i32
    %add3A_8 = arith.constant 0 : i32
    %add3A_9 = arith.addi %mul3A_7, %add3A_8 : i32
    "tpu.region"() ({
      %run_scoped3A = tpu.sem_alloc : memref<!tpu.dma_semaphore, #tpu.memory_space<semaphore_mem>>
      %dma_start3A = arith.constant 0 : i32
      %dma_start3A_88 = tpu.memref_slice %arg10[%add3A_9, %dma_start3A] : memref<10240x128xf32, #tpu.memory_space<vmem_shared>> -> memref<128x128xf32, #tpu.memory_space<vmem_shared>>
      %dma_start3A_89 = arith.constant 0 : i32
      %dma_start3A_90 = tpu.memref_slice %arg10[%add3A_9, %dma_start3A_89] : memref<10240x128xf32, #tpu.memory_space<vmem_shared>> -> memref<128x128xf32, #tpu.memory_space<vmem_shared>>
      tpu.enqueue_dma source(%arg8 : memref<128x128xf32, #tpu.memory_space<vmem>>) target(%dma_start3A_90 : memref<128x128xf32, #tpu.memory_space<vmem_shared>>) target_semaphore(%run_scoped3A : memref<!tpu.dma_semaphore, #tpu.memory_space<semaphore_mem>>)
      %dma_wait3A = arith.constant 0 : i32
      %dma_wait3A_91 = tpu.memref_slice %arg10[%add3A_9, %dma_wait3A] : memref<10240x128xf32, #tpu.memory_space<vmem_shared>> -> memref<128x128xf32, #tpu.memory_space<vmem_shared>>
      %dma_wait3A_92 = arith.constant 0 : i32
      %dma_wait3A_93 = tpu.memref_slice %arg10[%add3A_9, %dma_wait3A_92] : memref<10240x128xf32, #tpu.memory_space<vmem_shared>> -> memref<128x128xf32, #tpu.memory_space<vmem_shared>>
      tpu.wait_dma2 semaphore(%run_scoped3A : memref<!tpu.dma_semaphore, #tpu.memory_space<semaphore_mem>>) src(%arg8 : memref<128x128xf32, #tpu.memory_space<vmem>>) dst(%dma_wait3A_93 : memref<128x128xf32, #tpu.memory_space<vmem_shared>>)
      tpu.yield
    }) : () -> ()
    %mul3A_10 = arith.constant 640 : i32
    %mul3A_11 = arith.muli %arg1, %mul3A_10 : i32
    %add3A_12 = arith.constant 128 : i32
    %add3A_13 = arith.addi %mul3A_11, %add3A_12 : i32
    "tpu.region"() ({
      %run_scoped3A = tpu.sem_alloc : memref<!tpu.dma_semaphore, #tpu.memory_space<semaphore_mem>>
      %dma_start3A = arith.constant 0 : i32
      %dma_start3A_88 = tpu.memref_slice %arg10[%add3A_13, %dma_start3A] : memref<10240x128xf32, #tpu.memory_space<vmem_shared>> -> memref<128x128xf32, #tpu.memory_space<vmem_shared>>
      %dma_start3A_89 = arith.constant 0 : i32
      %dma_start3A_90 = tpu.memref_slice %arg10[%add3A_13, %dma_start3A_89] : memref<10240x128xf32, #tpu.memory_space<vmem_shared>> -> memref<128x128xf32, #tpu.memory_space<vmem_shared>>
      tpu.enqueue_dma source(%arg8 : memref<128x128xf32, #tpu.memory_space<vmem>>) target(%dma_start3A_90 : memref<128x128xf32, #tpu.memory_space<vmem_shared>>) target_semaphore(%run_scoped3A : memref<!tpu.dma_semaphore, #tpu.memory_space<semaphore_mem>>)
      %dma_wait3A = arith.constant 0 : i32
      %dma_wait3A_91 = tpu.memref_slice %arg10[%add3A_13, %dma_wait3A] : memref<10240x128xf32, #tpu.memory_space<vmem_shared>> -> memref<128x128xf32, #tpu.memory_space<vmem_shared>>
      %dma_wait3A_92 = arith.constant 0 : i32
      %dma_wait3A_93 = tpu.memref_slice %arg10[%add3A_13, %dma_wait3A_92] : memref<10240x128xf32, #tpu.memory_space<vmem_shared>> -> memref<128x128xf32, #tpu.memory_space<vmem_shared>>
      tpu.wait_dma2 semaphore(%run_scoped3A : memref<!tpu.dma_semaphore, #tpu.memory_space<semaphore_mem>>) src(%arg8 : memref<128x128xf32, #tpu.memory_space<vmem>>) dst(%dma_wait3A_93 : memref<128x128xf32, #tpu.memory_space<vmem_shared>>)
      tpu.yield
    }) : () -> ()
    %mul3A_14 = arith.constant 640 : i32
    %mul3A_15 = arith.muli %arg1, %mul3A_14 : i32
    %add3A_16 = arith.constant 256 : i32
    %add3A_17 = arith.addi %mul3A_15, %add3A_16 : i32
    "tpu.region"() ({
      %run_scoped3A = tpu.sem_alloc : memref<!tpu.dma_semaphore, #tpu.memory_space<semaphore_mem>>
      %dma_start3A = arith.constant 0 : i32
      %dma_start3A_88 = tpu.memref_slice %arg10[%add3A_17, %dma_start3A] : memref<10240x128xf32, #tpu.memory_space<vmem_shared>> -> memref<128x128xf32, #tpu.memory_space<vmem_shared>>
      %dma_start3A_89 = arith.constant 0 : i32
      %dma_start3A_90 = tpu.memref_slice %arg10[%add3A_17, %dma_start3A_89] : memref<10240x128xf32, #tpu.memory_space<vmem_shared>> -> memref<128x128xf32, #tpu.memory_space<vmem_shared>>
      tpu.enqueue_dma source(%arg8 : memref<128x128xf32, #tpu.memory_space<vmem>>) target(%dma_start3A_90 : memref<128x128xf32, #tpu.memory_space<vmem_shared>>) target_semaphore(%run_scoped3A : memref<!tpu.dma_semaphore, #tpu.memory_space<semaphore_mem>>)
      %dma_wait3A = arith.constant 0 : i32
      %dma_wait3A_91 = tpu.memref_slice %arg10[%add3A_17, %dma_wait3A] : memref<10240x128xf32, #tpu.memory_space<vmem_shared>> -> memref<128x128xf32, #tpu.memory_space<vmem_shared>>
      %dma_wait3A_92 = arith.constant 0 : i32
      %dma_wait3A_93 = tpu.memref_slice %arg10[%add3A_17, %dma_wait3A_92] : memref<10240x128xf32, #tpu.memory_space<vmem_shared>> -> memref<128x128xf32, #tpu.memory_space<vmem_shared>>
      tpu.wait_dma2 semaphore(%run_scoped3A : memref<!tpu.dma_semaphore, #tpu.memory_space<semaphore_mem>>) src(%arg8 : memref<128x128xf32, #tpu.memory_space<vmem>>) dst(%dma_wait3A_93 : memref<128x128xf32, #tpu.memory_space<vmem_shared>>)
      tpu.yield
    }) : () -> ()
    %mul3A_18 = arith.constant 640 : i32
    %mul3A_19 = arith.muli %arg1, %mul3A_18 : i32
    %add3A_20 = arith.constant 384 : i32
    %add3A_21 = arith.addi %mul3A_19, %add3A_20 : i32
    "tpu.region"() ({
      %run_scoped3A = tpu.sem_alloc : memref<!tpu.dma_semaphore, #tpu.memory_space<semaphore_mem>>
      %dma_start3A = arith.constant 0 : i32
      %dma_start3A_88 = tpu.memref_slice %arg10[%add3A_21, %dma_start3A] : memref<10240x128xf32, #tpu.memory_space<vmem_shared>> -> memref<128x128xf32, #tpu.memory_space<vmem_shared>>
      %dma_start3A_89 = arith.constant 0 : i32
      %dma_start3A_90 = tpu.memref_slice %arg10[%add3A_21, %dma_start3A_89] : memref<10240x128xf32, #tpu.memory_space<vmem_shared>> -> memref<128x128xf32, #tpu.memory_space<vmem_shared>>
      tpu.enqueue_dma source(%arg8 : memref<128x128xf32, #tpu.memory_space<vmem>>) target(%dma_start3A_90 : memref<128x128xf32, #tpu.memory_space<vmem_shared>>) target_semaphore(%run_scoped3A : memref<!tpu.dma_semaphore, #tpu.memory_space<semaphore_mem>>)
      %dma_wait3A = arith.constant 0 : i32
      %dma_wait3A_91 = tpu.memref_slice %arg10[%add3A_21, %dma_wait3A] : memref<10240x128xf32, #tpu.memory_space<vmem_shared>> -> memref<128x128xf32, #tpu.memory_space<vmem_shared>>
      %dma_wait3A_92 = arith.constant 0 : i32
      %dma_wait3A_93 = tpu.memref_slice %arg10[%add3A_21, %dma_wait3A_92] : memref<10240x128xf32, #tpu.memory_space<vmem_shared>> -> memref<128x128xf32, #tpu.memory_space<vmem_shared>>
      tpu.wait_dma2 semaphore(%run_scoped3A : memref<!tpu.dma_semaphore, #tpu.memory_space<semaphore_mem>>) src(%arg8 : memref<128x128xf32, #tpu.memory_space<vmem>>) dst(%dma_wait3A_93 : memref<128x128xf32, #tpu.memory_space<vmem_shared>>)
      tpu.yield
    }) : () -> ()
    %mul3A_22 = arith.constant 640 : i32
    %mul3A_23 = arith.muli %arg1, %mul3A_22 : i32
    %add3A_24 = arith.constant 512 : i32
    %add3A_25 = arith.addi %mul3A_23, %add3A_24 : i32
    "tpu.region"() ({
      %run_scoped3A = tpu.sem_alloc : memref<!tpu.dma_semaphore, #tpu.memory_space<semaphore_mem>>
      %dma_start3A = arith.constant 0 : i32
      %dma_start3A_88 = tpu.memref_slice %arg10[%add3A_25, %dma_start3A] : memref<10240x128xf32, #tpu.memory_space<vmem_shared>> -> memref<128x128xf32, #tpu.memory_space<vmem_shared>>
      %dma_start3A_89 = arith.constant 0 : i32
      %dma_start3A_90 = tpu.memref_slice %arg10[%add3A_25, %dma_start3A_89] : memref<10240x128xf32, #tpu.memory_space<vmem_shared>> -> memref<128x128xf32, #tpu.memory_space<vmem_shared>>
      tpu.enqueue_dma source(%arg8 : memref<128x128xf32, #tpu.memory_space<vmem>>) target(%dma_start3A_90 : memref<128x128xf32, #tpu.memory_space<vmem_shared>>) target_semaphore(%run_scoped3A : memref<!tpu.dma_semaphore, #tpu.memory_space<semaphore_mem>>)
      %dma_wait3A = arith.constant 0 : i32
      %dma_wait3A_91 = tpu.memref_slice %arg10[%add3A_25, %dma_wait3A] : memref<10240x128xf32, #tpu.memory_space<vmem_shared>> -> memref<128x128xf32, #tpu.memory_space<vmem_shared>>
      %dma_wait3A_92 = arith.constant 0 : i32
      %dma_wait3A_93 = tpu.memref_slice %arg10[%add3A_25, %dma_wait3A_92] : memref<10240x128xf32, #tpu.memory_space<vmem_shared>> -> memref<128x128xf32, #tpu.memory_space<vmem_shared>>
      tpu.wait_dma2 semaphore(%run_scoped3A : memref<!tpu.dma_semaphore, #tpu.memory_space<semaphore_mem>>) src(%arg8 : memref<128x128xf32, #tpu.memory_space<vmem>>) dst(%dma_wait3A_93 : memref<128x128xf32, #tpu.memory_space<vmem_shared>>)
      tpu.yield
    }) : () -> ()
    %barrier3A = arith.constant 0 : index
    tpu.barrier barrier_id(%barrier3A)
    %scan3A_26 = arith.constant 0 : i32
    %scan3A_27 = arith.constant 0 : i32
    %scan3A_28 = arith.constant 2 : i32
    %scan3A_29 = arith.addi %scan3A_27, %scan3A_28 : i32
    %scan3A_30 = arith.constant 1 : i32
    scf.for %scan3A_88 = %scan3A_27 to %scan3A_29 step %scan3A_30  : i32 {
      %mul3A_89 = arith.constant 80 : i32
      %mul3A_90 = arith.muli %add3A, %mul3A_89 : i32
      %mul3A_91 = arith.constant 40 : i32
      %mul3A_92 = arith.muli %scan3A_88, %mul3A_91 : i32
      %add3A_93 = arith.addi %mul3A_90, %mul3A_92 : i32
      "tpu.region"() ({
        %run_scoped3A_127 = tpu.sem_alloc : memref<!tpu.dma_semaphore, #tpu.memory_space<semaphore_mem>>
        %dma_start3A_128 = arith.constant 0 : i32
        %dma_start3A_129 = tpu.memref_slice %arg3[%add3A_93, %dma_start3A_128] : memref<2560x128xi32, #tpu.memory_space<hbm>> -> memref<40x128xi32, #tpu.memory_space<hbm>>
        %dma_start3A_130 = arith.constant 0 : i32
        %dma_start3A_131 = tpu.memref_slice %arg3[%add3A_93, %dma_start3A_130] : memref<2560x128xi32, #tpu.memory_space<hbm>> -> memref<40x128xi32, #tpu.memory_space<hbm>>
        tpu.enqueue_dma source(%dma_start3A_131 : memref<40x128xi32, #tpu.memory_space<hbm>>) target(%arg6 : memref<40x128xi32, #tpu.memory_space<vmem>>) target_semaphore(%run_scoped3A_127 : memref<!tpu.dma_semaphore, #tpu.memory_space<semaphore_mem>>)
        %dma_wait3A_132 = arith.constant 0 : i32
        %dma_wait3A_133 = tpu.memref_slice %arg3[%add3A_93, %dma_wait3A_132] : memref<2560x128xi32, #tpu.memory_space<hbm>> -> memref<40x128xi32, #tpu.memory_space<hbm>>
        %dma_wait3A_134 = arith.constant 0 : i32
        %dma_wait3A_135 = tpu.memref_slice %arg3[%add3A_93, %dma_wait3A_134] : memref<2560x128xi32, #tpu.memory_space<hbm>> -> memref<40x128xi32, #tpu.memory_space<hbm>>
        tpu.wait_dma2 semaphore(%run_scoped3A_127 : memref<!tpu.dma_semaphore, #tpu.memory_space<semaphore_mem>>) src(%dma_wait3A_135 : memref<40x128xi32, #tpu.memory_space<hbm>>) dst(%arg6 : memref<40x128xi32, #tpu.memory_space<vmem>>)
        tpu.yield
      }) : () -> ()
      "tpu.region"() ({
        %run_scoped3A_127 = tpu.sem_alloc : memref<!tpu.dma_semaphore, #tpu.memory_space<semaphore_mem>>
        %dma_start3A_128 = arith.constant 0 : i32
        %dma_start3A_129 = tpu.memref_slice %arg4[%add3A_93, %dma_start3A_128] : memref<2560x128xi32, #tpu.memory_space<hbm>> -> memref<40x128xi32, #tpu.memory_space<hbm>>
        %dma_start3A_130 = arith.constant 0 : i32
        %dma_start3A_131 = tpu.memref_slice %arg4[%add3A_93, %dma_start3A_130] : memref<2560x128xi32, #tpu.memory_space<hbm>> -> memref<40x128xi32, #tpu.memory_space<hbm>>
        tpu.enqueue_dma source(%dma_start3A_131 : memref<40x128xi32, #tpu.memory_space<hbm>>) target(%arg7 : memref<40x128xi32, #tpu.memory_space<vmem>>) target_semaphore(%run_scoped3A_127 : memref<!tpu.dma_semaphore, #tpu.memory_space<semaphore_mem>>)
        %dma_wait3A_132 = arith.constant 0 : i32
        %dma_wait3A_133 = tpu.memref_slice %arg4[%add3A_93, %dma_wait3A_132] : memref<2560x128xi32, #tpu.memory_space<hbm>> -> memref<40x128xi32, #tpu.memory_space<hbm>>
        %dma_wait3A_134 = arith.constant 0 : i32
        %dma_wait3A_135 = tpu.memref_slice %arg4[%add3A_93, %dma_wait3A_134] : memref<2560x128xi32, #tpu.memory_space<hbm>> -> memref<40x128xi32, #tpu.memory_space<hbm>>
        tpu.wait_dma2 semaphore(%run_scoped3A_127 : memref<!tpu.dma_semaphore, #tpu.memory_space<semaphore_mem>>) src(%dma_wait3A_135 : memref<40x128xi32, #tpu.memory_space<hbm>>) dst(%arg7 : memref<40x128xi32, #tpu.memory_space<vmem>>)
        tpu.yield
      }) : () -> ()
      %dma_start3A = arith.constant 0 : i32
      %dma_start3A_94 = arith.constant 0 : i32
      %dma_start3A_95 = tpu.memref_slice %arg6[%dma_start3A, %dma_start3A_94] : memref<40x128xi32, #tpu.memory_space<vmem>> -> memref<1x128xi32, #tpu.memory_space<vmem>>
      %dma_start3A_96 = tpu.memref_squeeze %dma_start3A_95 : memref<1x128xi32, #tpu.memory_space<vmem>> -> memref<128xi32, #tpu.memory_space<vmem>>
      %dma_start3A_97 = arith.constant 0 : i32
      %dma_start3A_98 = arith.constant 0 : i32
      %dma_start3A_99 = tpu.memref_slice %arg2[%dma_start3A_97, %dma_start3A_98] : memref<10000x128xf32, #tpu.memory_space<hbm>> -> memref<10000x128xf32, #tpu.memory_space<hbm>>
      tpu.enqueue_indirect_dma source(%dma_start3A_99 : memref<10000x128xf32, #tpu.memory_space<hbm>>) target(%arg8 : memref<128x128xf32, #tpu.memory_space<vmem>>) offsets(%dma_start3A_96 : memref<128xi32, #tpu.memory_space<vmem>>) semaphore(%arg11 : memref<!tpu.dma_semaphore, #tpu.memory_space<semaphore_mem>>)
      %dma_start3A_100 = arith.constant 1 : i32
      %dma_start3A_101 = arith.constant 0 : i32
      %dma_start3A_102 = tpu.memref_slice %arg6[%dma_start3A_100, %dma_start3A_101] : memref<40x128xi32, #tpu.memory_space<vmem>> -> memref<1x128xi32, #tpu.memory_space<vmem>>
      %dma_start3A_103 = tpu.memref_squeeze %dma_start3A_102 : memref<1x128xi32, #tpu.memory_space<vmem>> -> memref<128xi32, #tpu.memory_space<vmem>>
      %dma_start3A_104 = arith.constant 0 : i32
      %dma_start3A_105 = arith.constant 0 : i32
      %dma_start3A_106 = tpu.memref_slice %arg2[%dma_start3A_104, %dma_start3A_105] : memref<10000x128xf32, #tpu.memory_space<hbm>> -> memref<10000x128xf32, #tpu.memory_space<hbm>>
      tpu.enqueue_indirect_dma source(%dma_start3A_106 : memref<10000x128xf32, #tpu.memory_space<hbm>>) target(%arg9 : memref<128x128xf32, #tpu.memory_space<vmem>>) offsets(%dma_start3A_103 : memref<128xi32, #tpu.memory_space<vmem>>) semaphore(%arg12 : memref<!tpu.dma_semaphore, #tpu.memory_space<semaphore_mem>>)
      %scan3A_107 = arith.constant 0 : i32
      %scan3A_108 = arith.constant 0 : i32
      %scan3A_109 = arith.constant 19 : i32
      %scan3A_110 = arith.addi %scan3A_108, %scan3A_109 : i32
      %scan3A_111 = arith.constant 1 : i32
      scf.for %scan3A_127 = %scan3A_108 to %scan3A_110 step %scan3A_111  : i32 {
        %mul3A_128 = arith.constant 2 : i32
        %mul3A_129 = arith.muli %mul3A_128, %scan3A_127 : i32
        %dma_wait3A_130 = arith.constant 0 : i32
        %dma_wait3A_131 = tpu.memref_slice %arg6[%mul3A_129, %dma_wait3A_130] : memref<40x128xi32, #tpu.memory_space<vmem>> -> memref<1x128xi32, #tpu.memory_space<vmem>>
        %dma_wait3A_132 = tpu.memref_squeeze %dma_wait3A_131 : memref<1x128xi32, #tpu.memory_space<vmem>> -> memref<128xi32, #tpu.memory_space<vmem>>
        %dma_wait3A_133 = arith.constant 0 : i32
        %dma_wait3A_134 = arith.constant 0 : i32
        %dma_wait3A_135 = tpu.memref_slice %arg2[%dma_wait3A_133, %dma_wait3A_134] : memref<10000x128xf32, #tpu.memory_space<hbm>> -> memref<10000x128xf32, #tpu.memory_space<hbm>>
        tpu.wait_indirect_dma semaphore(%arg11 : memref<!tpu.dma_semaphore, #tpu.memory_space<semaphore_mem>>) src(%dma_wait3A_135 : memref<10000x128xf32, #tpu.memory_space<hbm>>) dst(%arg8 : memref<128x128xf32, #tpu.memory_space<vmem>>)
        "tpu.region"() ({
          %run_scoped3A_162 = tpu.sem_alloc : memref<!tpu.dma_semaphore, #tpu.memory_space<semaphore_mem>>
          %dma_start3A_163 = arith.constant 0 : i32
          %dma_start3A_164 = tpu.memref_slice %arg7[%mul3A_129, %dma_start3A_163] : memref<40x128xi32, #tpu.memory_space<vmem>> -> memref<1x128xi32, #tpu.memory_space<vmem>>
          %dma_start3A_165 = tpu.memref_squeeze %dma_start3A_164 : memref<1x128xi32, #tpu.memory_space<vmem>> -> memref<128xi32, #tpu.memory_space<vmem>>
          %dma_start3A_166 = arith.constant 0 : i32
          %dma_start3A_167 = arith.constant 0 : i32
          %dma_start3A_168 = tpu.memref_slice %arg10[%dma_start3A_166, %dma_start3A_167] : memref<10240x128xf32, #tpu.memory_space<vmem_shared>> -> memref<10240x128xf32, #tpu.memory_space<vmem_shared>>
          tpu.enqueue_indirect_dma source(%arg8 : memref<128x128xf32, #tpu.memory_space<vmem>>) target(%dma_start3A_168 : memref<10240x128xf32, #tpu.memory_space<vmem_shared>>) offsets(%dma_start3A_165 : memref<128xi32, #tpu.memory_space<vmem>>) semaphore(%run_scoped3A_162 : memref<!tpu.dma_semaphore, #tpu.memory_space<semaphore_mem>>) {add = true}
          %dma_wait3A_169 = arith.constant 0 : i32
          %dma_wait3A_170 = tpu.memref_slice %arg7[%mul3A_129, %dma_wait3A_169] : memref<40x128xi32, #tpu.memory_space<vmem>> -> memref<1x128xi32, #tpu.memory_space<vmem>>
          %dma_wait3A_171 = tpu.memref_squeeze %dma_wait3A_170 : memref<1x128xi32, #tpu.memory_space<vmem>> -> memref<128xi32, #tpu.memory_space<vmem>>
          %dma_wait3A_172 = arith.constant 0 : i32
          %dma_wait3A_173 = arith.constant 0 : i32
          %dma_wait3A_174 = tpu.memref_slice %arg10[%dma_wait3A_172, %dma_wait3A_173] : memref<10240x128xf32, #tpu.memory_space<vmem_shared>> -> memref<10240x128xf32, #tpu.memory_space<vmem_shared>>
          tpu.wait_indirect_dma semaphore(%run_scoped3A_162 : memref<!tpu.dma_semaphore, #tpu.memory_space<semaphore_mem>>) src(%arg8 : memref<128x128xf32, #tpu.memory_space<vmem>>) dst(%dma_wait3A_174 : memref<10240x128xf32, #tpu.memory_space<vmem_shared>>)
          tpu.yield
        }) : () -> ()
        %add3A_136 = arith.constant 2 : i32
        %add3A_137 = arith.addi %mul3A_129, %add3A_136 : i32
        %dma_start3A_138 = arith.constant 0 : i32
        %dma_start3A_139 = tpu.memref_slice %arg6[%add3A_137, %dma_start3A_138] : memref<40x128xi32, #tpu.memory_space<vmem>> -> memref<1x128xi32, #tpu.memory_space<vmem>>
        %dma_start3A_140 = tpu.memref_squeeze %dma_start3A_139 : memref<1x128xi32, #tpu.memory_space<vmem>> -> memref<128xi32, #tpu.memory_space<vmem>>
        %dma_start3A_141 = arith.constant 0 : i32
        %dma_start3A_142 = arith.constant 0 : i32
        %dma_start3A_143 = tpu.memref_slice %arg2[%dma_start3A_141, %dma_start3A_142] : memref<10000x128xf32, #tpu.memory_space<hbm>> -> memref<10000x128xf32, #tpu.memory_space<hbm>>
        tpu.enqueue_indirect_dma source(%dma_start3A_143 : memref<10000x128xf32, #tpu.memory_space<hbm>>) target(%arg8 : memref<128x128xf32, #tpu.memory_space<vmem>>) offsets(%dma_start3A_140 : memref<128xi32, #tpu.memory_space<vmem>>) semaphore(%arg11 : memref<!tpu.dma_semaphore, #tpu.memory_space<semaphore_mem>>)
        %add3A_144 = arith.constant 1 : i32
        %add3A_145 = arith.addi %mul3A_129, %add3A_144 : i32
        %dma_wait3A_146 = arith.constant 0 : i32
        %dma_wait3A_147 = tpu.memref_slice %arg6[%add3A_145, %dma_wait3A_146] : memref<40x128xi32, #tpu.memory_space<vmem>> -> memref<1x128xi32, #tpu.memory_space<vmem>>
        %dma_wait3A_148 = tpu.memref_squeeze %dma_wait3A_147 : memref<1x128xi32, #tpu.memory_space<vmem>> -> memref<128xi32, #tpu.memory_space<vmem>>
        %dma_wait3A_149 = arith.constant 0 : i32
        %dma_wait3A_150 = arith.constant 0 : i32
        %dma_wait3A_151 = tpu.memref_slice %arg2[%dma_wait3A_149, %dma_wait3A_150] : memref<10000x128xf32, #tpu.memory_space<hbm>> -> memref<10000x128xf32, #tpu.memory_space<hbm>>
        tpu.wait_indirect_dma semaphore(%arg12 : memref<!tpu.dma_semaphore, #tpu.memory_space<semaphore_mem>>) src(%dma_wait3A_151 : memref<10000x128xf32, #tpu.memory_space<hbm>>) dst(%arg9 : memref<128x128xf32, #tpu.memory_space<vmem>>)
        %add3A_152 = arith.constant 1 : i32
        %add3A_153 = arith.addi %mul3A_129, %add3A_152 : i32
        "tpu.region"() ({
          %run_scoped3A_162 = tpu.sem_alloc : memref<!tpu.dma_semaphore, #tpu.memory_space<semaphore_mem>>
          %dma_start3A_163 = arith.constant 0 : i32
          %dma_start3A_164 = tpu.memref_slice %arg7[%add3A_153, %dma_start3A_163] : memref<40x128xi32, #tpu.memory_space<vmem>> -> memref<1x128xi32, #tpu.memory_space<vmem>>
          %dma_start3A_165 = tpu.memref_squeeze %dma_start3A_164 : memref<1x128xi32, #tpu.memory_space<vmem>> -> memref<128xi32, #tpu.memory_space<vmem>>
          %dma_start3A_166 = arith.constant 0 : i32
          %dma_start3A_167 = arith.constant 0 : i32
          %dma_start3A_168 = tpu.memref_slice %arg10[%dma_start3A_166, %dma_start3A_167] : memref<10240x128xf32, #tpu.memory_space<vmem_shared>> -> memref<10240x128xf32, #tpu.memory_space<vmem_shared>>
          tpu.enqueue_indirect_dma source(%arg9 : memref<128x128xf32, #tpu.memory_space<vmem>>) target(%dma_start3A_168 : memref<10240x128xf32, #tpu.memory_space<vmem_shared>>) offsets(%dma_start3A_165 : memref<128xi32, #tpu.memory_space<vmem>>) semaphore(%run_scoped3A_162 : memref<!tpu.dma_semaphore, #tpu.memory_space<semaphore_mem>>) {add = true}
          %dma_wait3A_169 = arith.constant 0 : i32
          %dma_wait3A_170 = tpu.memref_slice %arg7[%add3A_153, %dma_wait3A_169] : memref<40x128xi32, #tpu.memory_space<vmem>> -> memref<1x128xi32, #tpu.memory_space<vmem>>
          %dma_wait3A_171 = tpu.memref_squeeze %dma_wait3A_170 : memref<1x128xi32, #tpu.memory_space<vmem>> -> memref<128xi32, #tpu.memory_space<vmem>>
          %dma_wait3A_172 = arith.constant 0 : i32
          %dma_wait3A_173 = arith.constant 0 : i32
          %dma_wait3A_174 = tpu.memref_slice %arg10[%dma_wait3A_172, %dma_wait3A_173] : memref<10240x128xf32, #tpu.memory_space<vmem_shared>> -> memref<10240x128xf32, #tpu.memory_space<vmem_shared>>
          tpu.wait_indirect_dma semaphore(%run_scoped3A_162 : memref<!tpu.dma_semaphore, #tpu.memory_space<semaphore_mem>>) src(%arg9 : memref<128x128xf32, #tpu.memory_space<vmem>>) dst(%dma_wait3A_174 : memref<10240x128xf32, #tpu.memory_space<vmem_shared>>)
          tpu.yield
        }) : () -> ()
        %add3A_154 = arith.constant 3 : i32
        %add3A_155 = arith.addi %mul3A_129, %add3A_154 : i32
        %dma_start3A_156 = arith.constant 0 : i32
        %dma_start3A_157 = tpu.memref_slice %arg6[%add3A_155, %dma_start3A_156] : memref<40x128xi32, #tpu.memory_space<vmem>> -> memref<1x128xi32, #tpu.memory_space<vmem>>
        %dma_start3A_158 = tpu.memref_squeeze %dma_start3A_157 : memref<1x128xi32, #tpu.memory_space<vmem>> -> memref<128xi32, #tpu.memory_space<vmem>>
        %dma_start3A_159 = arith.constant 0 : i32
        %dma_start3A_160 = arith.constant 0 : i32
        %dma_start3A_161 = tpu.memref_slice %arg2[%dma_start3A_159, %dma_start3A_160] : memref<10000x128xf32, #tpu.memory_space<hbm>> -> memref<10000x128xf32, #tpu.memory_space<hbm>>
        tpu.enqueue_indirect_dma source(%dma_start3A_161 : memref<10000x128xf32, #tpu.memory_space<hbm>>) target(%arg9 : memref<128x128xf32, #tpu.memory_space<vmem>>) offsets(%dma_start3A_158 : memref<128xi32, #tpu.memory_space<vmem>>) semaphore(%arg12 : memref<!tpu.dma_semaphore, #tpu.memory_space<semaphore_mem>>)
      }
      %scan3A_112 = arith.constant 19 : i32
      %dma_wait3A = arith.constant 38 : i32
      %dma_wait3A_113 = arith.constant 0 : i32
      %dma_wait3A_114 = tpu.memref_slice %arg6[%dma_wait3A, %dma_wait3A_113] : memref<40x128xi32, #tpu.memory_space<vmem>> -> memref<1x128xi32, #tpu.memory_space<vmem>>
      %dma_wait3A_115 = tpu.memref_squeeze %dma_wait3A_114 : memref<1x128xi32, #tpu.memory_space<vmem>> -> memref<128xi32, #tpu.memory_space<vmem>>
      %dma_wait3A_116 = arith.constant 0 : i32
      %dma_wait3A_117 = arith.constant 0 : i32
      %dma_wait3A_118 = tpu.memref_slice %arg2[%dma_wait3A_116, %dma_wait3A_117] : memref<10000x128xf32, #tpu.memory_space<hbm>> -> memref<10000x128xf32, #tpu.memory_space<hbm>>
      tpu.wait_indirect_dma semaphore(%arg11 : memref<!tpu.dma_semaphore, #tpu.memory_space<semaphore_mem>>) src(%dma_wait3A_118 : memref<10000x128xf32, #tpu.memory_space<hbm>>) dst(%arg8 : memref<128x128xf32, #tpu.memory_space<vmem>>)
      %run_scoped3A = arith.constant 38 : i32
      "tpu.region"() ({
        %run_scoped3A_127 = tpu.sem_alloc : memref<!tpu.dma_semaphore, #tpu.memory_space<semaphore_mem>>
        %dma_start3A_128 = arith.constant 0 : i32
        %dma_start3A_129 = tpu.memref_slice %arg7[%run_scoped3A, %dma_start3A_128] : memref<40x128xi32, #tpu.memory_space<vmem>> -> memref<1x128xi32, #tpu.memory_space<vmem>>
        %dma_start3A_130 = tpu.memref_squeeze %dma_start3A_129 : memref<1x128xi32, #tpu.memory_space<vmem>> -> memref<128xi32, #tpu.memory_space<vmem>>
        %dma_start3A_131 = arith.constant 0 : i32
        %dma_start3A_132 = arith.constant 0 : i32
        %dma_start3A_133 = tpu.memref_slice %arg10[%dma_start3A_131, %dma_start3A_132] : memref<10240x128xf32, #tpu.memory_space<vmem_shared>> -> memref<10240x128xf32, #tpu.memory_space<vmem_shared>>
        tpu.enqueue_indirect_dma source(%arg8 : memref<128x128xf32, #tpu.memory_space<vmem>>) target(%dma_start3A_133 : memref<10240x128xf32, #tpu.memory_space<vmem_shared>>) offsets(%dma_start3A_130 : memref<128xi32, #tpu.memory_space<vmem>>) semaphore(%run_scoped3A_127 : memref<!tpu.dma_semaphore, #tpu.memory_space<semaphore_mem>>) {add = true}
        %dma_wait3A_134 = arith.constant 0 : i32
        %dma_wait3A_135 = tpu.memref_slice %arg7[%run_scoped3A, %dma_wait3A_134] : memref<40x128xi32, #tpu.memory_space<vmem>> -> memref<1x128xi32, #tpu.memory_space<vmem>>
        %dma_wait3A_136 = tpu.memref_squeeze %dma_wait3A_135 : memref<1x128xi32, #tpu.memory_space<vmem>> -> memref<128xi32, #tpu.memory_space<vmem>>
        %dma_wait3A_137 = arith.constant 0 : i32
        %dma_wait3A_138 = arith.constant 0 : i32
        %dma_wait3A_139 = tpu.memref_slice %arg10[%dma_wait3A_137, %dma_wait3A_138] : memref<10240x128xf32, #tpu.memory_space<vmem_shared>> -> memref<10240x128xf32, #tpu.memory_space<vmem_shared>>
        tpu.wait_indirect_dma semaphore(%run_scoped3A_127 : memref<!tpu.dma_semaphore, #tpu.memory_space<semaphore_mem>>) src(%arg8 : memref<128x128xf32, #tpu.memory_space<vmem>>) dst(%dma_wait3A_139 : memref<10240x128xf32, #tpu.memory_space<vmem_shared>>)
        tpu.yield
      }) : () -> ()
      %dma_wait3A_119 = arith.constant 39 : i32
      %dma_wait3A_120 = arith.constant 0 : i32
      %dma_wait3A_121 = tpu.memref_slice %arg6[%dma_wait3A_119, %dma_wait3A_120] : memref<40x128xi32, #tpu.memory_space<vmem>> -> memref<1x128xi32, #tpu.memory_space<vmem>>
      %dma_wait3A_122 = tpu.memref_squeeze %dma_wait3A_121 : memref<1x128xi32, #tpu.memory_space<vmem>> -> memref<128xi32, #tpu.memory_space<vmem>>
      %dma_wait3A_123 = arith.constant 0 : i32
      %dma_wait3A_124 = arith.constant 0 : i32
      %dma_wait3A_125 = tpu.memref_slice %arg2[%dma_wait3A_123, %dma_wait3A_124] : memref<10000x128xf32, #tpu.memory_space<hbm>> -> memref<10000x128xf32, #tpu.memory_space<hbm>>
      tpu.wait_indirect_dma semaphore(%arg12 : memref<!tpu.dma_semaphore, #tpu.memory_space<semaphore_mem>>) src(%dma_wait3A_125 : memref<10000x128xf32, #tpu.memory_space<hbm>>) dst(%arg9 : memref<128x128xf32, #tpu.memory_space<vmem>>)
      %run_scoped3A_126 = arith.constant 39 : i32
      "tpu.region"() ({
        %run_scoped3A_127 = tpu.sem_alloc : memref<!tpu.dma_semaphore, #tpu.memory_space<semaphore_mem>>
        %dma_start3A_128 = arith.constant 0 : i32
        %dma_start3A_129 = tpu.memref_slice %arg7[%run_scoped3A_126, %dma_start3A_128] : memref<40x128xi32, #tpu.memory_space<vmem>> -> memref<1x128xi32, #tpu.memory_space<vmem>>
        %dma_start3A_130 = tpu.memref_squeeze %dma_start3A_129 : memref<1x128xi32, #tpu.memory_space<vmem>> -> memref<128xi32, #tpu.memory_space<vmem>>
        %dma_start3A_131 = arith.constant 0 : i32
        %dma_start3A_132 = arith.constant 0 : i32
        %dma_start3A_133 = tpu.memref_slice %arg10[%dma_start3A_131, %dma_start3A_132] : memref<10240x128xf32, #tpu.memory_space<vmem_shared>> -> memref<10240x128xf32, #tpu.memory_space<vmem_shared>>
        tpu.enqueue_indirect_dma source(%arg9 : memref<128x128xf32, #tpu.memory_space<vmem>>) target(%dma_start3A_133 : memref<10240x128xf32, #tpu.memory_space<vmem_shared>>) offsets(%dma_start3A_130 : memref<128xi32, #tpu.memory_space<vmem>>) semaphore(%run_scoped3A_127 : memref<!tpu.dma_semaphore, #tpu.memory_space<semaphore_mem>>) {add = true}
        %dma_wait3A_134 = arith.constant 0 : i32
        %dma_wait3A_135 = tpu.memref_slice %arg7[%run_scoped3A_126, %dma_wait3A_134] : memref<40x128xi32, #tpu.memory_space<vmem>> -> memref<1x128xi32, #tpu.memory_space<vmem>>
        %dma_wait3A_136 = tpu.memref_squeeze %dma_wait3A_135 : memref<1x128xi32, #tpu.memory_space<vmem>> -> memref<128xi32, #tpu.memory_space<vmem>>
        %dma_wait3A_137 = arith.constant 0 : i32
        %dma_wait3A_138 = arith.constant 0 : i32
        %dma_wait3A_139 = tpu.memref_slice %arg10[%dma_wait3A_137, %dma_wait3A_138] : memref<10240x128xf32, #tpu.memory_space<vmem_shared>> -> memref<10240x128xf32, #tpu.memory_space<vmem_shared>>
        tpu.wait_indirect_dma semaphore(%run_scoped3A_127 : memref<!tpu.dma_semaphore, #tpu.memory_space<semaphore_mem>>) src(%arg9 : memref<128x128xf32, #tpu.memory_space<vmem>>) dst(%dma_wait3A_139 : memref<10240x128xf32, #tpu.memory_space<vmem_shared>>)
        tpu.yield
      }) : () -> ()
    }
    %scan3A_31 = arith.constant 2 : i32
    %barrier3A_32 = arith.constant 0 : index
    tpu.barrier barrier_id(%barrier3A_32)
    %mul3A_33 = arith.constant 640 : i32
    %mul3A_34 = arith.muli %arg1, %mul3A_33 : i32
    %add3A_35 = arith.constant 0 : i32
    %add3A_36 = arith.addi %mul3A_34, %add3A_35 : i32
    "tpu.region"() ({
      %run_scoped3A = tpu.sem_alloc : memref<!tpu.dma_semaphore, #tpu.memory_space<semaphore_mem>>
      %dma_start3A = arith.constant 0 : i32
      %dma_start3A_88 = tpu.memref_slice %arg10[%add3A_36, %dma_start3A] : memref<10240x128xf32, #tpu.memory_space<vmem_shared>> -> memref<128x128xf32, #tpu.memory_space<vmem_shared>>
      %dma_start3A_89 = arith.constant 0 : i32
      %dma_start3A_90 = tpu.memref_slice %arg10[%add3A_36, %dma_start3A_89] : memref<10240x128xf32, #tpu.memory_space<vmem_shared>> -> memref<128x128xf32, #tpu.memory_space<vmem_shared>>
      tpu.enqueue_dma source(%dma_start3A_90 : memref<128x128xf32, #tpu.memory_space<vmem_shared>>) target(%arg8 : memref<128x128xf32, #tpu.memory_space<vmem>>) target_semaphore(%run_scoped3A : memref<!tpu.dma_semaphore, #tpu.memory_space<semaphore_mem>>)
      %dma_wait3A = arith.constant 0 : i32
      %dma_wait3A_91 = tpu.memref_slice %arg10[%add3A_36, %dma_wait3A] : memref<10240x128xf32, #tpu.memory_space<vmem_shared>> -> memref<128x128xf32, #tpu.memory_space<vmem_shared>>
      %dma_wait3A_92 = arith.constant 0 : i32
      %dma_wait3A_93 = tpu.memref_slice %arg10[%add3A_36, %dma_wait3A_92] : memref<10240x128xf32, #tpu.memory_space<vmem_shared>> -> memref<128x128xf32, #tpu.memory_space<vmem_shared>>
      tpu.wait_dma2 semaphore(%run_scoped3A : memref<!tpu.dma_semaphore, #tpu.memory_space<semaphore_mem>>) src(%dma_wait3A_93 : memref<128x128xf32, #tpu.memory_space<vmem_shared>>) dst(%arg8 : memref<128x128xf32, #tpu.memory_space<vmem>>)
      tpu.yield
    }) : () -> ()
    %mul3A_37 = arith.constant 10240 : i32
    %mul3A_38 = arith.muli %arg0, %mul3A_37 : i32
    %mul3A_39 = arith.constant 640 : i32
    %mul3A_40 = arith.muli %arg1, %mul3A_39 : i32
    %add3A_41 = arith.addi %mul3A_38, %mul3A_40 : i32
    %add3A_42 = arith.constant 0 : i32
    %add3A_43 = arith.addi %add3A_41, %add3A_42 : i32
    "tpu.region"() ({
      %run_scoped3A = tpu.sem_alloc : memref<!tpu.dma_semaphore, #tpu.memory_space<semaphore_mem>>
      %dma_start3A = arith.constant 0 : i32
      %dma_start3A_88 = tpu.memref_slice %arg5[%add3A_43, %dma_start3A] : memref<20480x128xf32, #tpu.memory_space<hbm>> -> memref<128x128xf32, #tpu.memory_space<hbm>>
      %dma_start3A_89 = arith.constant 0 : i32
      %dma_start3A_90 = tpu.memref_slice %arg5[%add3A_43, %dma_start3A_89] : memref<20480x128xf32, #tpu.memory_space<hbm>> -> memref<128x128xf32, #tpu.memory_space<hbm>>
      tpu.enqueue_dma source(%arg8 : memref<128x128xf32, #tpu.memory_space<vmem>>) target(%dma_start3A_90 : memref<128x128xf32, #tpu.memory_space<hbm>>) target_semaphore(%run_scoped3A : memref<!tpu.dma_semaphore, #tpu.memory_space<semaphore_mem>>)
      %dma_wait3A = arith.constant 0 : i32
      %dma_wait3A_91 = tpu.memref_slice %arg5[%add3A_43, %dma_wait3A] : memref<20480x128xf32, #tpu.memory_space<hbm>> -> memref<128x128xf32, #tpu.memory_space<hbm>>
      %dma_wait3A_92 = arith.constant 0 : i32
      %dma_wait3A_93 = tpu.memref_slice %arg5[%add3A_43, %dma_wait3A_92] : memref<20480x128xf32, #tpu.memory_space<hbm>> -> memref<128x128xf32, #tpu.memory_space<hbm>>
      tpu.wait_dma2 semaphore(%run_scoped3A : memref<!tpu.dma_semaphore, #tpu.memory_space<semaphore_mem>>) src(%arg8 : memref<128x128xf32, #tpu.memory_space<vmem>>) dst(%dma_wait3A_93 : memref<128x128xf32, #tpu.memory_space<hbm>>)
      tpu.yield
    }) : () -> ()
    %mul3A_44 = arith.constant 640 : i32
    %mul3A_45 = arith.muli %arg1, %mul3A_44 : i32
    %add3A_46 = arith.constant 128 : i32
    %add3A_47 = arith.addi %mul3A_45, %add3A_46 : i32
    "tpu.region"() ({
      %run_scoped3A = tpu.sem_alloc : memref<!tpu.dma_semaphore, #tpu.memory_space<semaphore_mem>>
      %dma_start3A = arith.constant 0 : i32
      %dma_start3A_88 = tpu.memref_slice %arg10[%add3A_47, %dma_start3A] : memref<10240x128xf32, #tpu.memory_space<vmem_shared>> -> memref<128x128xf32, #tpu.memory_space<vmem_shared>>
      %dma_start3A_89 = arith.constant 0 : i32
      %dma_start3A_90 = tpu.memref_slice %arg10[%add3A_47, %dma_start3A_89] : memref<10240x128xf32, #tpu.memory_space<vmem_shared>> -> memref<128x128xf32, #tpu.memory_space<vmem_shared>>
      tpu.enqueue_dma source(%dma_start3A_90 : memref<128x128xf32, #tpu.memory_space<vmem_shared>>) target(%arg8 : memref<128x128xf32, #tpu.memory_space<vmem>>) target_semaphore(%run_scoped3A : memref<!tpu.dma_semaphore, #tpu.memory_space<semaphore_mem>>)
      %dma_wait3A = arith.constant 0 : i32
      %dma_wait3A_91 = tpu.memref_slice %arg10[%add3A_47, %dma_wait3A] : memref<10240x128xf32, #tpu.memory_space<vmem_shared>> -> memref<128x128xf32, #tpu.memory_space<vmem_shared>>
      %dma_wait3A_92 = arith.constant 0 : i32
      %dma_wait3A_93 = tpu.memref_slice %arg10[%add3A_47, %dma_wait3A_92] : memref<10240x128xf32, #tpu.memory_space<vmem_shared>> -> memref<128x128xf32, #tpu.memory_space<vmem_shared>>
      tpu.wait_dma2 semaphore(%run_scoped3A : memref<!tpu.dma_semaphore, #tpu.memory_space<semaphore_mem>>) src(%dma_wait3A_93 : memref<128x128xf32, #tpu.memory_space<vmem_shared>>) dst(%arg8 : memref<128x128xf32, #tpu.memory_space<vmem>>)
      tpu.yield
    }) : () -> ()
    %mul3A_48 = arith.constant 10240 : i32
    %mul3A_49 = arith.muli %arg0, %mul3A_48 : i32
    %mul3A_50 = arith.constant 640 : i32
    %mul3A_51 = arith.muli %arg1, %mul3A_50 : i32
    %add3A_52 = arith.addi %mul3A_49, %mul3A_51 : i32
    %add3A_53 = arith.constant 128 : i32
    %add3A_54 = arith.addi %add3A_52, %add3A_53 : i32
    "tpu.region"() ({
      %run_scoped3A = tpu.sem_alloc : memref<!tpu.dma_semaphore, #tpu.memory_space<semaphore_mem>>
      %dma_start3A = arith.constant 0 : i32
      %dma_start3A_88 = tpu.memref_slice %arg5[%add3A_54, %dma_start3A] : memref<20480x128xf32, #tpu.memory_space<hbm>> -> memref<128x128xf32, #tpu.memory_space<hbm>>
      %dma_start3A_89 = arith.constant 0 : i32
      %dma_start3A_90 = tpu.memref_slice %arg5[%add3A_54, %dma_start3A_89] : memref<20480x128xf32, #tpu.memory_space<hbm>> -> memref<128x128xf32, #tpu.memory_space<hbm>>
      tpu.enqueue_dma source(%arg8 : memref<128x128xf32, #tpu.memory_space<vmem>>) target(%dma_start3A_90 : memref<128x128xf32, #tpu.memory_space<hbm>>) target_semaphore(%run_scoped3A : memref<!tpu.dma_semaphore, #tpu.memory_space<semaphore_mem>>)
      %dma_wait3A = arith.constant 0 : i32
      %dma_wait3A_91 = tpu.memref_slice %arg5[%add3A_54, %dma_wait3A] : memref<20480x128xf32, #tpu.memory_space<hbm>> -> memref<128x128xf32, #tpu.memory_space<hbm>>
      %dma_wait3A_92 = arith.constant 0 : i32
      %dma_wait3A_93 = tpu.memref_slice %arg5[%add3A_54, %dma_wait3A_92] : memref<20480x128xf32, #tpu.memory_space<hbm>> -> memref<128x128xf32, #tpu.memory_space<hbm>>
      tpu.wait_dma2 semaphore(%run_scoped3A : memref<!tpu.dma_semaphore, #tpu.memory_space<semaphore_mem>>) src(%arg8 : memref<128x128xf32, #tpu.memory_space<vmem>>) dst(%dma_wait3A_93 : memref<128x128xf32, #tpu.memory_space<hbm>>)
      tpu.yield
    }) : () -> ()
    %mul3A_55 = arith.constant 640 : i32
    %mul3A_56 = arith.muli %arg1, %mul3A_55 : i32
    %add3A_57 = arith.constant 256 : i32
    %add3A_58 = arith.addi %mul3A_56, %add3A_57 : i32
    "tpu.region"() ({
      %run_scoped3A = tpu.sem_alloc : memref<!tpu.dma_semaphore, #tpu.memory_space<semaphore_mem>>
      %dma_start3A = arith.constant 0 : i32
      %dma_start3A_88 = tpu.memref_slice %arg10[%add3A_58, %dma_start3A] : memref<10240x128xf32, #tpu.memory_space<vmem_shared>> -> memref<128x128xf32, #tpu.memory_space<vmem_shared>>
      %dma_start3A_89 = arith.constant 0 : i32
      %dma_start3A_90 = tpu.memref_slice %arg10[%add3A_58, %dma_start3A_89] : memref<10240x128xf32, #tpu.memory_space<vmem_shared>> -> memref<128x128xf32, #tpu.memory_space<vmem_shared>>
      tpu.enqueue_dma source(%dma_start3A_90 : memref<128x128xf32, #tpu.memory_space<vmem_shared>>) target(%arg8 : memref<128x128xf32, #tpu.memory_space<vmem>>) target_semaphore(%run_scoped3A : memref<!tpu.dma_semaphore, #tpu.memory_space<semaphore_mem>>)
      %dma_wait3A = arith.constant 0 : i32
      %dma_wait3A_91 = tpu.memref_slice %arg10[%add3A_58, %dma_wait3A] : memref<10240x128xf32, #tpu.memory_space<vmem_shared>> -> memref<128x128xf32, #tpu.memory_space<vmem_shared>>
      %dma_wait3A_92 = arith.constant 0 : i32
      %dma_wait3A_93 = tpu.memref_slice %arg10[%add3A_58, %dma_wait3A_92] : memref<10240x128xf32, #tpu.memory_space<vmem_shared>> -> memref<128x128xf32, #tpu.memory_space<vmem_shared>>
      tpu.wait_dma2 semaphore(%run_scoped3A : memref<!tpu.dma_semaphore, #tpu.memory_space<semaphore_mem>>) src(%dma_wait3A_93 : memref<128x128xf32, #tpu.memory_space<vmem_shared>>) dst(%arg8 : memref<128x128xf32, #tpu.memory_space<vmem>>)
      tpu.yield
    }) : () -> ()
    %mul3A_59 = arith.constant 10240 : i32
    %mul3A_60 = arith.muli %arg0, %mul3A_59 : i32
    %mul3A_61 = arith.constant 640 : i32
    %mul3A_62 = arith.muli %arg1, %mul3A_61 : i32
    %add3A_63 = arith.addi %mul3A_60, %mul3A_62 : i32
    %add3A_64 = arith.constant 256 : i32
    %add3A_65 = arith.addi %add3A_63, %add3A_64 : i32
    "tpu.region"() ({
      %run_scoped3A = tpu.sem_alloc : memref<!tpu.dma_semaphore, #tpu.memory_space<semaphore_mem>>
      %dma_start3A = arith.constant 0 : i32
      %dma_start3A_88 = tpu.memref_slice %arg5[%add3A_65, %dma_start3A] : memref<20480x128xf32, #tpu.memory_space<hbm>> -> memref<128x128xf32, #tpu.memory_space<hbm>>
      %dma_start3A_89 = arith.constant 0 : i32
      %dma_start3A_90 = tpu.memref_slice %arg5[%add3A_65, %dma_start3A_89] : memref<20480x128xf32, #tpu.memory_space<hbm>> -> memref<128x128xf32, #tpu.memory_space<hbm>>
      tpu.enqueue_dma source(%arg8 : memref<128x128xf32, #tpu.memory_space<vmem>>) target(%dma_start3A_90 : memref<128x128xf32, #tpu.memory_space<hbm>>) target_semaphore(%run_scoped3A : memref<!tpu.dma_semaphore, #tpu.memory_space<semaphore_mem>>)
      %dma_wait3A = arith.constant 0 : i32
      %dma_wait3A_91 = tpu.memref_slice %arg5[%add3A_65, %dma_wait3A] : memref<20480x128xf32, #tpu.memory_space<hbm>> -> memref<128x128xf32, #tpu.memory_space<hbm>>
      %dma_wait3A_92 = arith.constant 0 : i32
      %dma_wait3A_93 = tpu.memref_slice %arg5[%add3A_65, %dma_wait3A_92] : memref<20480x128xf32, #tpu.memory_space<hbm>> -> memref<128x128xf32, #tpu.memory_space<hbm>>
      tpu.wait_dma2 semaphore(%run_scoped3A : memref<!tpu.dma_semaphore, #tpu.memory_space<semaphore_mem>>) src(%arg8 : memref<128x128xf32, #tpu.memory_space<vmem>>) dst(%dma_wait3A_93 : memref<128x128xf32, #tpu.memory_space<hbm>>)
      tpu.yield
    }) : () -> ()
    %mul3A_66 = arith.constant 640 : i32
    %mul3A_67 = arith.muli %arg1, %mul3A_66 : i32
    %add3A_68 = arith.constant 384 : i32
    %add3A_69 = arith.addi %mul3A_67, %add3A_68 : i32
    "tpu.region"() ({
      %run_scoped3A = tpu.sem_alloc : memref<!tpu.dma_semaphore, #tpu.memory_space<semaphore_mem>>
      %dma_start3A = arith.constant 0 : i32
      %dma_start3A_88 = tpu.memref_slice %arg10[%add3A_69, %dma_start3A] : memref<10240x128xf32, #tpu.memory_space<vmem_shared>> -> memref<128x128xf32, #tpu.memory_space<vmem_shared>>
      %dma_start3A_89 = arith.constant 0 : i32
      %dma_start3A_90 = tpu.memref_slice %arg10[%add3A_69, %dma_start3A_89] : memref<10240x128xf32, #tpu.memory_space<vmem_shared>> -> memref<128x128xf32, #tpu.memory_space<vmem_shared>>
      tpu.enqueue_dma source(%dma_start3A_90 : memref<128x128xf32, #tpu.memory_space<vmem_shared>>) target(%arg8 : memref<128x128xf32, #tpu.memory_space<vmem>>) target_semaphore(%run_scoped3A : memref<!tpu.dma_semaphore, #tpu.memory_space<semaphore_mem>>)
      %dma_wait3A = arith.constant 0 : i32
      %dma_wait3A_91 = tpu.memref_slice %arg10[%add3A_69, %dma_wait3A] : memref<10240x128xf32, #tpu.memory_space<vmem_shared>> -> memref<128x128xf32, #tpu.memory_space<vmem_shared>>
      %dma_wait3A_92 = arith.constant 0 : i32
      %dma_wait3A_93 = tpu.memref_slice %arg10[%add3A_69, %dma_wait3A_92] : memref<10240x128xf32, #tpu.memory_space<vmem_shared>> -> memref<128x128xf32, #tpu.memory_space<vmem_shared>>
      tpu.wait_dma2 semaphore(%run_scoped3A : memref<!tpu.dma_semaphore, #tpu.memory_space<semaphore_mem>>) src(%dma_wait3A_93 : memref<128x128xf32, #tpu.memory_space<vmem_shared>>) dst(%arg8 : memref<128x128xf32, #tpu.memory_space<vmem>>)
      tpu.yield
    }) : () -> ()
    %mul3A_70 = arith.constant 10240 : i32
    %mul3A_71 = arith.muli %arg0, %mul3A_70 : i32
    %mul3A_72 = arith.constant 640 : i32
    %mul3A_73 = arith.muli %arg1, %mul3A_72 : i32
    %add3A_74 = arith.addi %mul3A_71, %mul3A_73 : i32
    %add3A_75 = arith.constant 384 : i32
    %add3A_76 = arith.addi %add3A_74, %add3A_75 : i32
    "tpu.region"() ({
      %run_scoped3A = tpu.sem_alloc : memref<!tpu.dma_semaphore, #tpu.memory_space<semaphore_mem>>
      %dma_start3A = arith.constant 0 : i32
      %dma_start3A_88 = tpu.memref_slice %arg5[%add3A_76, %dma_start3A] : memref<20480x128xf32, #tpu.memory_space<hbm>> -> memref<128x128xf32, #tpu.memory_space<hbm>>
      %dma_start3A_89 = arith.constant 0 : i32
      %dma_start3A_90 = tpu.memref_slice %arg5[%add3A_76, %dma_start3A_89] : memref<20480x128xf32, #tpu.memory_space<hbm>> -> memref<128x128xf32, #tpu.memory_space<hbm>>
      tpu.enqueue_dma source(%arg8 : memref<128x128xf32, #tpu.memory_space<vmem>>) target(%dma_start3A_90 : memref<128x128xf32, #tpu.memory_space<hbm>>) target_semaphore(%run_scoped3A : memref<!tpu.dma_semaphore, #tpu.memory_space<semaphore_mem>>)
      %dma_wait3A = arith.constant 0 : i32
      %dma_wait3A_91 = tpu.memref_slice %arg5[%add3A_76, %dma_wait3A] : memref<20480x128xf32, #tpu.memory_space<hbm>> -> memref<128x128xf32, #tpu.memory_space<hbm>>
      %dma_wait3A_92 = arith.constant 0 : i32
      %dma_wait3A_93 = tpu.memref_slice %arg5[%add3A_76, %dma_wait3A_92] : memref<20480x128xf32, #tpu.memory_space<hbm>> -> memref<128x128xf32, #tpu.memory_space<hbm>>
      tpu.wait_dma2 semaphore(%run_scoped3A : memref<!tpu.dma_semaphore, #tpu.memory_space<semaphore_mem>>) src(%arg8 : memref<128x128xf32, #tpu.memory_space<vmem>>) dst(%dma_wait3A_93 : memref<128x128xf32, #tpu.memory_space<hbm>>)
      tpu.yield
    }) : () -> ()
    %mul3A_77 = arith.constant 640 : i32
    %mul3A_78 = arith.muli %arg1, %mul3A_77 : i32
    %add3A_79 = arith.constant 512 : i32
    %add3A_80 = arith.addi %mul3A_78, %add3A_79 : i32
    "tpu.region"() ({
      %run_scoped3A = tpu.sem_alloc : memref<!tpu.dma_semaphore, #tpu.memory_space<semaphore_mem>>
      %dma_start3A = arith.constant 0 : i32
      %dma_start3A_88 = tpu.memref_slice %arg10[%add3A_80, %dma_start3A] : memref<10240x128xf32, #tpu.memory_space<vmem_shared>> -> memref<128x128xf32, #tpu.memory_space<vmem_shared>>
      %dma_start3A_89 = arith.constant 0 : i32
      %dma_start3A_90 = tpu.memref_slice %arg10[%add3A_80, %dma_start3A_89] : memref<10240x128xf32, #tpu.memory_space<vmem_shared>> -> memref<128x128xf32, #tpu.memory_space<vmem_shared>>
      tpu.enqueue_dma source(%dma_start3A_90 : memref<128x128xf32, #tpu.memory_space<vmem_shared>>) target(%arg8 : memref<128x128xf32, #tpu.memory_space<vmem>>) target_semaphore(%run_scoped3A : memref<!tpu.dma_semaphore, #tpu.memory_space<semaphore_mem>>)
      %dma_wait3A = arith.constant 0 : i32
      %dma_wait3A_91 = tpu.memref_slice %arg10[%add3A_80, %dma_wait3A] : memref<10240x128xf32, #tpu.memory_space<vmem_shared>> -> memref<128x128xf32, #tpu.memory_space<vmem_shared>>
      %dma_wait3A_92 = arith.constant 0 : i32
      %dma_wait3A_93 = tpu.memref_slice %arg10[%add3A_80, %dma_wait3A_92] : memref<10240x128xf32, #tpu.memory_space<vmem_shared>> -> memref<128x128xf32, #tpu.memory_space<vmem_shared>>
      tpu.wait_dma2 semaphore(%run_scoped3A : memref<!tpu.dma_semaphore, #tpu.memory_space<semaphore_mem>>) src(%dma_wait3A_93 : memref<128x128xf32, #tpu.memory_space<vmem_shared>>) dst(%arg8 : memref<128x128xf32, #tpu.memory_space<vmem>>)
      tpu.yield
    }) : () -> ()
    %mul3A_81 = arith.constant 10240 : i32
    %mul3A_82 = arith.muli %arg0, %mul3A_81 : i32
    %mul3A_83 = arith.constant 640 : i32
    %mul3A_84 = arith.muli %arg1, %mul3A_83 : i32
    %add3A_85 = arith.addi %mul3A_82, %mul3A_84 : i32
    %add3A_86 = arith.constant 512 : i32
    %add3A_87 = arith.addi %add3A_85, %add3A_86 : i32
    "tpu.region"() ({
      %run_scoped3A = tpu.sem_alloc : memref<!tpu.dma_semaphore, #tpu.memory_space<semaphore_mem>>
      %dma_start3A = arith.constant 0 : i32
      %dma_start3A_88 = tpu.memref_slice %arg5[%add3A_87, %dma_start3A] : memref<20480x128xf32, #tpu.memory_space<hbm>> -> memref<128x128xf32, #tpu.memory_space<hbm>>
      %dma_start3A_89 = arith.constant 0 : i32
      %dma_start3A_90 = tpu.memref_slice %arg5[%add3A_87, %dma_start3A_89] : memref<20480x128xf32, #tpu.memory_space<hbm>> -> memref<128x128xf32, #tpu.memory_space<hbm>>
      tpu.enqueue_dma source(%arg8 : memref<128x128xf32, #tpu.memory_space<vmem>>) target(%dma_start3A_90 : memref<128x128xf32, #tpu.memory_space<hbm>>) target_semaphore(%run_scoped3A : memref<!tpu.dma_semaphore, #tpu.memory_space<semaphore_mem>>)
      %dma_wait3A = arith.constant 0 : i32
      %dma_wait3A_91 = tpu.memref_slice %arg5[%add3A_87, %dma_wait3A] : memref<20480x128xf32, #tpu.memory_space<hbm>> -> memref<128x128xf32, #tpu.memory_space<hbm>>
      %dma_wait3A_92 = arith.constant 0 : i32
      %dma_wait3A_93 = tpu.memref_slice %arg5[%add3A_87, %dma_wait3A_92] : memref<20480x128xf32, #tpu.memory_space<hbm>> -> memref<128x128xf32, #tpu.memory_space<hbm>>
      tpu.wait_dma2 semaphore(%run_scoped3A : memref<!tpu.dma_semaphore, #tpu.memory_space<semaphore_mem>>) src(%arg8 : memref<128x128xf32, #tpu.memory_space<vmem>>) dst(%dma_wait3A_93 : memref<128x128xf32, #tpu.memory_space<hbm>>)
      tpu.yield
    }) : () -> ()
    return
  }
}

module attributes {stable_mosaic.version = 14 : i64} {
  func.func @_prep_body(%arg0: memref<4x10240xf32, #tpu.memory_space<vmem>>, %arg1: memref<2x10240xf32, #tpu.memory_space<vmem>>) attributes {dimension_semantics = [], scalar_prefetch = 0 : i64, scratch_operands = 0 : i64, tpu.core_type = #tpu.core_type<tc>} {
    %get3A = arith.constant 0 : index
    %get3A_0 = arith.constant 0 : index
    %get3A_1 = vector.load %arg0[%get3A, %get3A_0] : memref<4x10240xf32, #tpu.memory_space<vmem>>, vector<1x10240xf32>
    %get3A_2 = vector.shape_cast %get3A_1 : vector<1x10240xf32> to vector<10240xf32>
    %get3A_3 = arith.constant 2 : index
    %get3A_4 = arith.constant 0 : index
    %get3A_5 = vector.load %arg0[%get3A_3, %get3A_4] : memref<4x10240xf32, #tpu.memory_space<vmem>>, vector<1x10240xf32>
    %get3A_6 = vector.shape_cast %get3A_5 : vector<1x10240xf32> to vector<10240xf32>
    %add3A = arith.addf %get3A_2, %get3A_6 : vector<10240xf32>
    %max3A = arith.constant 1.000000e+00 : f32
    %max3A_7 = vector.broadcast %max3A : f32 to vector<10240xf32>
    %max3A_8 = arith.maximumf %add3A, %max3A_7 : vector<10240xf32>
    %get3A_9 = arith.constant 1 : index
    %get3A_10 = arith.constant 0 : index
    %get3A_11 = vector.load %arg0[%get3A_9, %get3A_10] : memref<4x10240xf32, #tpu.memory_space<vmem>>, vector<1x10240xf32>
    %get3A_12 = vector.shape_cast %get3A_11 : vector<1x10240xf32> to vector<10240xf32>
    %get3A_13 = arith.constant 3 : index
    %get3A_14 = arith.constant 0 : index
    %get3A_15 = vector.load %arg0[%get3A_13, %get3A_14] : memref<4x10240xf32, #tpu.memory_space<vmem>>, vector<1x10240xf32>
    %get3A_16 = vector.shape_cast %get3A_15 : vector<1x10240xf32> to vector<10240xf32>
    %add3A_17 = arith.addf %get3A_12, %get3A_16 : vector<10240xf32>
    %max3A_18 = arith.constant 1.000000e+00 : f32
    %max3A_19 = vector.broadcast %max3A_18 : f32 to vector<10240xf32>
    %max3A_20 = arith.maximumf %add3A_17, %max3A_19 : vector<10240xf32>
    %rsqrt3A = math.rsqrt %max3A_8 : vector<10240xf32>
    %broadcast_in_dim3A = vector.shape_cast %rsqrt3A : vector<10240xf32> to vector<1x10240xf32>
    %rsqrt3A_21 = math.rsqrt %max3A_20 : vector<10240xf32>
    %broadcast_in_dim3A_22 = vector.shape_cast %rsqrt3A_21 : vector<10240xf32> to vector<1x10240xf32>
    %concatenate3A = tpu.concatenate %broadcast_in_dim3A, %broadcast_in_dim3A_22 in 0 : vector<1x10240xf32>, vector<1x10240xf32> -> vector<2x10240xf32>
    %swap3A = arith.constant 0 : index
    %swap3A_23 = arith.constant 0 : index
    %swap3A_24 = vector.load %arg1[%swap3A, %swap3A_23] : memref<2x10240xf32, #tpu.memory_space<vmem>>, vector<2x10240xf32>
    tpu.vector_store %arg1[%swap3A, %swap3A_23], %concatenate3A {strides = array<i32>} : memref<2x10240xf32, #tpu.memory_space<vmem>>, vector<2x10240xf32>,
    return
  }
}

module attributes {stable_mosaic.version = 14 : i64} {
  func.func @_mm_scale_body(%arg0: i32, %arg1: memref<1000x128xf32, #tpu.memory_space<vmem>>, %arg2: memref<128x128xf32, #tpu.memory_space<vmem>>, %arg3: memref<1000x1xf32, #tpu.memory_space<vmem>>, %arg4: memref<1000x128xf32, #tpu.memory_space<vmem>>) attributes {dimension_semantics = [#tpu.dimension_semantics<arbitrary>], iteration_bounds = array<i64: 10>, scalar_prefetch = 0 : i64, scratch_operands = 0 : i64, tpu.core_type = #tpu.core_type<tc>, window_params = [{transform_indices = @transform_0, window_bounds = array<i64: 1000, 128>}, {pipeline_mode = #tpu.pipeline_mode<synchronous>, transform_indices = @transform_1, window_bounds = array<i64: 128, 128>}, {transform_indices = @transform_2, window_bounds = array<i64: 1000, 1>}, {transform_indices = @transform_3, window_bounds = array<i64: 1000, 128>}]} {
    %get3A = arith.constant 0 : index
    %get3A_0 = arith.constant 0 : index
    %get3A_1 = vector.load %arg1[%get3A, %get3A_0] : memref<1000x128xf32, #tpu.memory_space<vmem>>, vector<1000x128xf32>
    %get3A_2 = arith.constant 0 : index
    %get3A_3 = arith.constant 0 : index
    %get3A_4 = vector.load %arg2[%get3A_2, %get3A_3] : memref<128x128xf32, #tpu.memory_space<vmem>>, vector<128x128xf32>
    %dot_general3A = arith.constant dense<0.000000e+00> : vector<1000x128xf32>
    %dot_general3A_5 = tpu.matmul %get3A_1, %get3A_4, %dot_general3A {dimension_numbers = #tpu.dot_dimension_numbers<[1], [0], [0], [1], [0, 0, 1, 1], [], []>, transpose_lhs_hint = false} : vector<1000x128xf32>, vector<128x128xf32>, vector<1000x128xf32> -> vector<1000x128xf32>
    %get3A_6 = arith.constant 0 : index
    %get3A_7 = arith.constant 0 : index
    %get3A_8 = vector.load %arg3[%get3A_6, %get3A_7] : memref<1000x1xf32, #tpu.memory_space<vmem>>, vector<1000x1xf32>
    %mul3A = vector.broadcast %get3A_8 : vector<1000x1xf32> to vector<1000x128xf32>
    %mul3A_9 = arith.mulf %dot_general3A_5, %mul3A : vector<1000x128xf32>
    %swap3A = arith.constant 0 : index
    %swap3A_10 = arith.constant 0 : index
    %swap3A_11 = vector.load %arg4[%swap3A, %swap3A_10] : memref<1000x128xf32, #tpu.memory_space<vmem>>, vector<1000x128xf32>
    tpu.vector_store %arg4[%swap3A, %swap3A_10], %mul3A_9 {strides = array<i32>} : memref<1000x128xf32, #tpu.memory_space<vmem>>, vector<1000x128xf32>,
    return
  }
  func.func @transform_0(%arg0: i32) -> (i32, i32) {
    %c0_i32 = arith.constant 0 : i32
    %c0_i32_0 = arith.constant 0 : i32
    return %arg0, %c0_i32 : i32, i32
  }
  func.func @transform_1(%arg0: i32) -> (i32, i32) {
    %c0_i32 = arith.constant 0 : i32
    %c0_i32_0 = arith.constant 0 : i32
    %c0_i32_1 = arith.constant 0 : i32
    return %c0_i32, %c0_i32_0 : i32, i32
  }
  func.func @transform_2(%arg0: i32) -> (i32, i32) {
    %c0_i32 = arith.constant 0 : i32
    %c0_i32_0 = arith.constant 0 : i32
    return %arg0, %c0_i32 : i32, i32
  }
  func.func @transform_3(%arg0: i32) -> (i32, i32) {
    %c0_i32 = arith.constant 0 : i32
    %c0_i32_0 = arith.constant 0 : i32
    return %arg0, %c0_i32 : i32, i32
  }
}

module attributes {stable_mosaic.version = 14 : i64} {
  func.func @_layer_body(%arg0: i32, %arg1: memref<2x1000x128xf32, #tpu.memory_space<vmem>>, %arg2: memref<1000x1xf32, #tpu.memory_space<vmem>>, %arg3: memref<1000x1xf32, #tpu.memory_space<vmem>>, %arg4: memref<1x128xf32, #tpu.memory_space<vmem>>, %arg5: memref<128x128xf32, #tpu.memory_space<vmem>>, %arg6: memref<1000x128xf32, #tpu.memory_space<vmem>>) attributes {dimension_semantics = [#tpu.dimension_semantics<arbitrary>], iteration_bounds = array<i64: 10>, scalar_prefetch = 0 : i64, scratch_operands = 0 : i64, tpu.core_type = #tpu.core_type<tc>, window_params = [{transform_indices = @transform_0, window_bounds = array<i64: 2, 1000, 128>}, {transform_indices = @transform_1, window_bounds = array<i64: 1000, 1>}, {transform_indices = @transform_2, window_bounds = array<i64: 1000, 1>}, {pipeline_mode = #tpu.pipeline_mode<synchronous>, transform_indices = @transform_3, window_bounds = array<i64: 1, 128>}, {pipeline_mode = #tpu.pipeline_mode<synchronous>, transform_indices = @transform_4, window_bounds = array<i64: 128, 128>}, {transform_indices = @transform_5, window_bounds = array<i64: 1000, 128>}]} {
    %get3A = arith.constant 0 : index
    %get3A_0 = arith.constant 0 : index
    %get3A_1 = arith.constant 0 : index
    %get3A_2 = vector.load %arg1[%get3A, %get3A_0, %get3A_1] : memref<2x1000x128xf32, #tpu.memory_space<vmem>>, vector<1x1000x128xf32>
    %get3A_3 = vector.shape_cast %get3A_2 : vector<1x1000x128xf32> to vector<1000x128xf32>
    %get3A_4 = arith.constant 1 : index
    %get3A_5 = arith.constant 0 : index
    %get3A_6 = arith.constant 0 : index
    %get3A_7 = vector.load %arg1[%get3A_4, %get3A_5, %get3A_6] : memref<2x1000x128xf32, #tpu.memory_space<vmem>>, vector<1x1000x128xf32>
    %get3A_8 = vector.shape_cast %get3A_7 : vector<1x1000x128xf32> to vector<1000x128xf32>
    %add3A = arith.addf %get3A_3, %get3A_8 : vector<1000x128xf32>
    %get3A_9 = arith.constant 0 : index
    %get3A_10 = arith.constant 0 : index
    %get3A_11 = vector.load %arg2[%get3A_9, %get3A_10] : memref<1000x1xf32, #tpu.memory_space<vmem>>, vector<1000x1xf32>
    %mul3A = vector.broadcast %get3A_11 : vector<1000x1xf32> to vector<1000x128xf32>
    %mul3A_12 = arith.mulf %add3A, %mul3A : vector<1000x128xf32>
    %get3A_13 = arith.constant 0 : index
    %get3A_14 = arith.constant 0 : index
    %get3A_15 = vector.load %arg4[%get3A_13, %get3A_14] : memref<1x128xf32, #tpu.memory_space<vmem>>, vector<1x128xf32>
    %add3A_16 = vector.broadcast %get3A_15 : vector<1x128xf32> to vector<1000x128xf32>
    %add3A_17 = arith.addf %mul3A_12, %add3A_16 : vector<1000x128xf32>
    %max3A = arith.constant 0.000000e+00 : f32
    %max3A_18 = vector.broadcast %max3A : f32 to vector<1000x128xf32>
    %max3A_19 = arith.maximumf %add3A_17, %max3A_18 : vector<1000x128xf32>
    %get3A_20 = arith.constant 0 : index
    %get3A_21 = arith.constant 0 : index
    %get3A_22 = vector.load %arg3[%get3A_20, %get3A_21] : memref<1000x1xf32, #tpu.memory_space<vmem>>, vector<1000x1xf32>
    %mul3A_23 = vector.broadcast %get3A_22 : vector<1000x1xf32> to vector<1000x128xf32>
    %mul3A_24 = arith.mulf %max3A_19, %mul3A_23 : vector<1000x128xf32>
    %get3A_25 = arith.constant 0 : index
    %get3A_26 = arith.constant 0 : index
    %get3A_27 = vector.load %arg5[%get3A_25, %get3A_26] : memref<128x128xf32, #tpu.memory_space<vmem>>, vector<128x128xf32>
    %dot_general3A = arith.constant dense<0.000000e+00> : vector<1000x128xf32>
    %dot_general3A_28 = tpu.matmul %mul3A_24, %get3A_27, %dot_general3A {dimension_numbers = #tpu.dot_dimension_numbers<[1], [0], [0], [1], [0, 0, 1, 1], [], []>, transpose_lhs_hint = false} : vector<1000x128xf32>, vector<128x128xf32>, vector<1000x128xf32> -> vector<1000x128xf32>
    %swap3A = arith.constant 0 : index
    %swap3A_29 = arith.constant 0 : index
    %swap3A_30 = vector.load %arg6[%swap3A, %swap3A_29] : memref<1000x128xf32, #tpu.memory_space<vmem>>, vector<1000x128xf32>
    tpu.vector_store %arg6[%swap3A, %swap3A_29], %dot_general3A_28 {strides = array<i32>} : memref<1000x128xf32, #tpu.memory_space<vmem>>, vector<1000x128xf32>,
    return
  }
  func.func @transform_0(%arg0: i32) -> (i32, i32, i32) {
    %c0_i32 = arith.constant 0 : i32
    %c0_i32_0 = arith.constant 0 : i32
    %c0_i32_1 = arith.constant 0 : i32
    return %c0_i32, %arg0, %c0_i32_0 : i32, i32, i32
  }
  func.func @transform_1(%arg0: i32) -> (i32, i32) {
    %c0_i32 = arith.constant 0 : i32
    %c0_i32_0 = arith.constant 0 : i32
    return %arg0, %c0_i32 : i32, i32
  }
  func.func @transform_2(%arg0: i32) -> (i32, i32) {
    %c0_i32 = arith.constant 0 : i32
    %c0_i32_0 = arith.constant 0 : i32
    return %arg0, %c0_i32 : i32, i32
  }
  func.func @transform_3(%arg0: i32) -> (i32, i32) {
    %c0_i32 = arith.constant 0 : i32
    %c0_i32_0 = arith.constant 0 : i32
    %c0_i32_1 = arith.constant 0 : i32
    return %c0_i32, %c0_i32_0 : i32, i32
  }
  func.func @transform_4(%arg0: i32) -> (i32, i32) {
    %c0_i32 = arith.constant 0 : i32
    %c0_i32_0 = arith.constant 0 : i32
    %c0_i32_1 = arith.constant 0 : i32
    return %c0_i32, %c0_i32_0 : i32, i32
  }
  func.func @transform_5(%arg0: i32) -> (i32, i32) {
    %c0_i32 = arith.constant 0 : i32
    %c0_i32_0 = arith.constant 0 : i32
    return %arg0, %c0_i32 : i32, i32
  }
}

module attributes {stable_mosaic.version = 14 : i64} {
  func.func @_final_body(%arg0: i32, %arg1: memref<2x1000x128xf32, #tpu.memory_space<vmem>>, %arg2: memref<1000x1xf32, #tpu.memory_space<vmem>>, %arg3: memref<1x128xf32, #tpu.memory_space<vmem>>, %arg4: memref<128x10xf32, #tpu.memory_space<vmem>>, %arg5: memref<1x10xf32, #tpu.memory_space<vmem>>, %arg6: memref<128x3xf32, #tpu.memory_space<vmem>>, %arg7: memref<1x3xf32, #tpu.memory_space<vmem>>, %arg8: memref<1x10xf32, #tpu.memory_space<vmem>>, %arg9: memref<1x3xf32, #tpu.memory_space<vmem>>, %arg10: memref<1x128xf32, #tpu.memory_space<vmem>>) attributes {dimension_semantics = [#tpu.dimension_semantics<arbitrary>], iteration_bounds = array<i64: 10>, scalar_prefetch = 0 : i64, scratch_operands = 1 : i64, tpu.core_type = #tpu.core_type<tc>, window_params = [{transform_indices = @transform_0, window_bounds = array<i64: 2, 1000, 128>}, {transform_indices = @transform_1, window_bounds = array<i64: 1000, 1>}, {pipeline_mode = #tpu.pipeline_mode<synchronous>, transform_indices = @transform_2, window_bounds = array<i64: 1, 128>}, {pipeline_mode = #tpu.pipeline_mode<synchronous>, transform_indices = @transform_3, window_bounds = array<i64: 128, 10>}, {pipeline_mode = #tpu.pipeline_mode<synchronous>, transform_indices = @transform_4, window_bounds = array<i64: 1, 10>}, {pipeline_mode = #tpu.pipeline_mode<synchronous>, transform_indices = @transform_5, window_bounds = array<i64: 128, 3>}, {pipeline_mode = #tpu.pipeline_mode<synchronous>, transform_indices = @transform_6, window_bounds = array<i64: 1, 3>}, {pipeline_mode = #tpu.pipeline_mode<synchronous>, transform_indices = @transform_7, window_bounds = array<i64: 1, 10>}, {pipeline_mode = #tpu.pipeline_mode<synchronous>, transform_indices = @transform_8, window_bounds = array<i64: 1, 3>}]} {
    %get3A = arith.constant 0 : index
    %get3A_0 = arith.constant 0 : index
    %get3A_1 = arith.constant 0 : index
    %get3A_2 = vector.load %arg1[%get3A, %get3A_0, %get3A_1] : memref<2x1000x128xf32, #tpu.memory_space<vmem>>, vector<1x1000x128xf32>
    %get3A_3 = vector.shape_cast %get3A_2 : vector<1x1000x128xf32> to vector<1000x128xf32>
    %get3A_4 = arith.constant 1 : index
    %get3A_5 = arith.constant 0 : index
    %get3A_6 = arith.constant 0 : index
    %get3A_7 = vector.load %arg1[%get3A_4, %get3A_5, %get3A_6] : memref<2x1000x128xf32, #tpu.memory_space<vmem>>, vector<1x1000x128xf32>
    %get3A_8 = vector.shape_cast %get3A_7 : vector<1x1000x128xf32> to vector<1000x128xf32>
    %add3A = arith.addf %get3A_3, %get3A_8 : vector<1000x128xf32>
    %get3A_9 = arith.constant 0 : index
    %get3A_10 = arith.constant 0 : index
    %get3A_11 = vector.load %arg2[%get3A_9, %get3A_10] : memref<1000x1xf32, #tpu.memory_space<vmem>>, vector<1000x1xf32>
    %mul3A = vector.broadcast %get3A_11 : vector<1000x1xf32> to vector<1000x128xf32>
    %mul3A_12 = arith.mulf %add3A, %mul3A : vector<1000x128xf32>
    %get3A_13 = arith.constant 0 : index
    %get3A_14 = arith.constant 0 : index
    %get3A_15 = vector.load %arg3[%get3A_13, %get3A_14] : memref<1x128xf32, #tpu.memory_space<vmem>>, vector<1x128xf32>
    %add3A_16 = vector.broadcast %get3A_15 : vector<1x128xf32> to vector<1000x128xf32>
    %add3A_17 = arith.addf %mul3A_12, %add3A_16 : vector<1000x128xf32>
    %max3A = arith.constant 0.000000e+00 : f32
    %max3A_18 = vector.broadcast %max3A : f32 to vector<1000x128xf32>
    %max3A_19 = arith.maximumf %add3A_17, %max3A_18 : vector<1000x128xf32>
    %reduce_sum3A = arith.constant dense<0.000000e+00> : vector<128xf32>
    %reduce_sum3A_20 = vector.multi_reduction <add>, %max3A_19, %reduce_sum3A [0] : vector<1000x128xf32> to vector<128xf32>
    %broadcast_in_dim3A = vector.shape_cast %reduce_sum3A_20 : vector<128xf32> to vector<1x128xf32>
    %eq3A = arith.constant 0 : i32
    %eq3A_21 = arith.cmpi eq, %arg0, %eq3A : i32
    %convert_element_type3A = arith.extui %eq3A_21 : i1 to i32
    %cond3A = arith.constant 0 : i32
    %cond3A_22 = arith.cmpi ne, %convert_element_type3A, %cond3A : i32
    scf.if %cond3A_22 {
      %swap3A = arith.constant 0 : index
      %swap3A_32 = arith.constant 0 : index
      %swap3A_33 = vector.load %arg10[%swap3A, %swap3A_32] : memref<1x128xf32, #tpu.memory_space<vmem>>, vector<1x128xf32>
      tpu.vector_store %arg10[%swap3A, %swap3A_32], %broadcast_in_dim3A {strides = array<i32>} : memref<1x128xf32, #tpu.memory_space<vmem>>, vector<1x128xf32>,
    } else {
    }
    %gt3A = arith.constant 0 : i32
    %gt3A_23 = arith.cmpi sgt, %arg0, %gt3A : i32
    %convert_element_type3A_24 = arith.extui %gt3A_23 : i1 to i32
    %cond3A_25 = arith.constant 0 : i32
    %cond3A_26 = arith.cmpi ne, %convert_element_type3A_24, %cond3A_25 : i32
    scf.if %cond3A_26 {
      %get3A_32 = arith.constant 0 : index
      %get3A_33 = arith.constant 0 : index
      %get3A_34 = vector.load %arg10[%get3A_32, %get3A_33] : memref<1x128xf32, #tpu.memory_space<vmem>>, vector<1x128xf32>
      %add3A_35 = arith.addf %get3A_34, %broadcast_in_dim3A : vector<1x128xf32>
      %swap3A = arith.constant 0 : index
      %swap3A_36 = arith.constant 0 : index
      %swap3A_37 = vector.load %arg10[%swap3A, %swap3A_36] : memref<1x128xf32, #tpu.memory_space<vmem>>, vector<1x128xf32>
      tpu.vector_store %arg10[%swap3A, %swap3A_36], %add3A_35 {strides = array<i32>} : memref<1x128xf32, #tpu.memory_space<vmem>>, vector<1x128xf32>,
    } else {
    }
    %eq3A_27 = arith.constant 9 : i32
    %eq3A_28 = arith.cmpi eq, %arg0, %eq3A_27 : i32
    %convert_element_type3A_29 = arith.extui %eq3A_28 : i1 to i32
    %cond3A_30 = arith.constant 0 : i32
    %cond3A_31 = arith.cmpi ne, %convert_element_type3A_29, %cond3A_30 : i32
    scf.if %cond3A_31 {
      %get3A_32 = arith.constant 0 : index
      %get3A_33 = arith.constant 0 : index
      %get3A_34 = vector.load %arg10[%get3A_32, %get3A_33] : memref<1x128xf32, #tpu.memory_space<vmem>>, vector<1x128xf32>
      %mul3A_35 = arith.constant 9.99999974E-5 : f32
      %mul3A_36 = vector.broadcast %mul3A_35 : f32 to vector<1x128xf32>
      %mul3A_37 = arith.mulf %get3A_34, %mul3A_36 : vector<1x128xf32>
      %get3A_38 = arith.constant 0 : index
      %get3A_39 = arith.constant 0 : index
      %get3A_40 = vector.load %arg4[%get3A_38, %get3A_39] : memref<128x10xf32, #tpu.memory_space<vmem>>, vector<128x10xf32>
      %dot_general3A = arith.constant dense<0.000000e+00> : vector<1x10xf32>
      %dot_general3A_41 = tpu.matmul %mul3A_37, %get3A_40, %dot_general3A {dimension_numbers = #tpu.dot_dimension_numbers<[1], [0], [0], [1], [0, 0, 1, 1], [], []>, transpose_lhs_hint = false} : vector<1x128xf32>, vector<128x10xf32>, vector<1x10xf32> -> vector<1x10xf32>
      %get3A_42 = arith.constant 0 : index
      %get3A_43 = arith.constant 0 : index
      %get3A_44 = vector.load %arg5[%get3A_42, %get3A_43] : memref<1x10xf32, #tpu.memory_space<vmem>>, vector<1x10xf32>
      %add3A_45 = arith.addf %dot_general3A_41, %get3A_44 : vector<1x10xf32>
      %swap3A = arith.constant 0 : index
      %swap3A_46 = arith.constant 0 : index
      %swap3A_47 = vector.load %arg8[%swap3A, %swap3A_46] : memref<1x10xf32, #tpu.memory_space<vmem>>, vector<1x10xf32>
      tpu.vector_store %arg8[%swap3A, %swap3A_46], %add3A_45 {strides = array<i32>} : memref<1x10xf32, #tpu.memory_space<vmem>>, vector<1x10xf32>,
      %get3A_48 = arith.constant 0 : index
      %get3A_49 = arith.constant 0 : index
      %get3A_50 = vector.load %arg6[%get3A_48, %get3A_49] : memref<128x3xf32, #tpu.memory_space<vmem>>, vector<128x3xf32>
      %dot_general3A_51 = arith.constant dense<0.000000e+00> : vector<1x3xf32>
      %dot_general3A_52 = tpu.matmul %mul3A_37, %get3A_50, %dot_general3A_51 {dimension_numbers = #tpu.dot_dimension_numbers<[1], [0], [0], [1], [0, 0, 1, 1], [], []>, transpose_lhs_hint = false} : vector<1x128xf32>, vector<128x3xf32>, vector<1x3xf32> -> vector<1x3xf32>
      %get3A_53 = arith.constant 0 : index
      %get3A_54 = arith.constant 0 : index
      %get3A_55 = vector.load %arg7[%get3A_53, %get3A_54] : memref<1x3xf32, #tpu.memory_space<vmem>>, vector<1x3xf32>
      %add3A_56 = arith.addf %dot_general3A_52, %get3A_55 : vector<1x3xf32>
      %swap3A_57 = arith.constant 0 : index
      %swap3A_58 = arith.constant 0 : index
      %swap3A_59 = vector.load %arg9[%swap3A_57, %swap3A_58] : memref<1x3xf32, #tpu.memory_space<vmem>>, vector<1x3xf32>
      tpu.vector_store %arg9[%swap3A_57, %swap3A_58], %add3A_56 {strides = array<i32>} : memref<1x3xf32, #tpu.memory_space<vmem>>, vector<1x3xf32>,
    } else {
    }
    return
  }
  func.func @transform_0(%arg0: i32) -> (i32, i32, i32) {
    %c0_i32 = arith.constant 0 : i32
    %c0_i32_0 = arith.constant 0 : i32
    %c0_i32_1 = arith.constant 0 : i32
    return %c0_i32, %arg0, %c0_i32_0 : i32, i32, i32
  }
  func.func @transform_1(%arg0: i32) -> (i32, i32) {
    %c0_i32 = arith.constant 0 : i32
    %c0_i32_0 = arith.constant 0 : i32
    return %arg0, %c0_i32 : i32, i32
  }
  func.func @transform_2(%arg0: i32) -> (i32, i32) {
    %c0_i32 = arith.constant 0 : i32
    %c0_i32_0 = arith.constant 0 : i32
    %c0_i32_1 = arith.constant 0 : i32
    return %c0_i32, %c0_i32_0 : i32, i32
  }
  func.func @transform_3(%arg0: i32) -> (i32, i32) {
    %c0_i32 = arith.constant 0 : i32
    %c0_i32_0 = arith.constant 0 : i32
    %c0_i32_1 = arith.constant 0 : i32
    return %c0_i32, %c0_i32_0 : i32, i32
  }
  func.func @transform_4(%arg0: i32) -> (i32, i32) {
    %c0_i32 = arith.constant 0 : i32
    %c0_i32_0 = arith.constant 0 : i32
    %c0_i32_1 = arith.constant 0 : i32
    return %c0_i32, %c0_i32_0 : i32, i32
  }
  func.func @transform_5(%arg0: i32) -> (i32, i32) {
    %c0_i32 = arith.constant 0 : i32
    %c0_i32_0 = arith.constant 0 : i32
    %c0_i32_1 = arith.constant 0 : i32
    return %c0_i32, %c0_i32_0 : i32, i32
  }
  func.func @transform_6(%arg0: i32) -> (i32, i32) {
    %c0_i32 = arith.constant 0 : i32
    %c0_i32_0 = arith.constant 0 : i32
    %c0_i32_1 = arith.constant 0 : i32
    return %c0_i32, %c0_i32_0 : i32, i32
  }
  func.func @transform_7(%arg0: i32) -> (i32, i32) {
    %c0_i32 = arith.constant 0 : i32
    %c0_i32_0 = arith.constant 0 : i32
    %c0_i32_1 = arith.constant 0 : i32
    return %c0_i32, %c0_i32_0 : i32, i32
  }
  func.func @transform_8(%arg0: i32) -> (i32, i32) {
    %c0_i32 = arith.constant 0 : i32
    %c0_i32_0 = arith.constant 0 : i32
    %c0_i32_1 = arith.constant 0 : i32
    return %c0_i32, %c0_i32_0 : i32, i32
  }
}

</mosaic_0001>

<sc_bundles>
// kernel: kernel.12.cloned.1.call-start
scs
__scs_entry_jumppad:
0x0: {  	(pc) =	sbr.rel $0x88, $3  }
0x1: {  	(tag) =	ssettag $0x0;
	lr =	simm.s32 $0x1  }
0x2: {  	[smem:$0x3F97] =	sst lr;
	_ =	strace $0xD0000000  }
0x3: {  	_ = 	snop  }
0x4: {  	_ = 	snop  }
0x5: {  	_ = 	snop  }
0x6: {  	_ = 	snop  }
0x7: {  	_ = 	snop  }
__scs_overlays_trampoline_lowered:
0x8: {  	[smem:$0x3FA6] =	sst s0  }
0x9: {  	[smem:$0x3FA7] =	sst s1  }
0xa: {  	[smem:$0x3FA8] =	sst s2  }
0xb: {  	[smem:$0x3FA9] =	sst s3  }
0xc: {  	[smem:$0x3FAA] =	sst s4  }
0xd: {  	[smem:$0x3FAB] =	sst s5  }
0xe: {  	[smem:$0x3FAC] =	sst s6  }
0xf: {  	[smem:$0x3FAD] =	sst s7  }
0x10: {  	[smem:$0x3FAE] =	sst s8  }
0x11: {  	[smem:$0x3FAF] =	sst s9;
	s0 =	simm.s32 @!p0 $0x0  }
0x12: {  	s1 =	sld [smem:$0x3F95];
	s0 =	simm.s32 @p0 $0x1  }
0x13: {  	[smem:$0x3FB0] =	sst s0;
	s0 =	simm.s32 @!p1 $0x0  }
0x14: {  	s2 =	sld [smem:$0x3F94];
	s0 =	simm.s32 @p1 $0x1  }
0x15: {  	[smem:$0x3FB1] =	sst s0;
	s0 =	simm.s32 @!p2 $0x0  }
0x16: {  	s3 =	sld [smem:$0x3FDB];
	s0 =	simm.s32 @p2 $0x1  }
0x17: {  	s4 =	simm.s32 $0x1BF5;
	[smem:$0x3FB3] =	sst s0  }
0x18: {  	s0 =	sld [smem:$0x3F96];
	_ =	swait.ge [sflag:s4], $0x0  }
0x19: {  	s7 =	sld [smem:$0x3F97]  }
0x1a: {  	s8 =	sadd.s32 $0xFFFFE003, lr  }
0x1b: {  	s9 =	sadd.s32 $0xFFFFFEF7, lr;
	s5 =	simm.s32 $0xFFFFFFFF;
	p2 =	slt.u32 s8, $0xFFFFF086  }
0x1c: {  	p1 =	slt.u32 s9, $0xF7A;
	s5 =	simm.s32 @!p2 $0x0  }
0x1d: {  	s5 =	simm.s32 @p1 $0x1;
	p0 =	seq.s32 s7, s2  }
0x1e: {  	s7 =	smul.u32 @!p0 $0xF7A, s2;
	p2 =	seq.s32 @!p0 s5, $0x0  }
0x1f: {  	s9 =	smul.u32 $0xF7A, s1;
	s8 =	simm.s32 @!p0 $0x1BF5;
	p2 =	por !p2, p0  }
0x20: {  	[sflag:s8] =	ssyncset.s32 @!p0 $0xFFFFF086;
	s6 =	sadd.s32 @!p0 s3, s7;
	s7 =	simm.s32 @!p0 $0x108  }
0x21: {  	s3 =	sadd.s32 s3, s9;
	s6 =	sadd.s32 @!p0 $0x88, s6;
	s7 =	simm.s32 @p2 $0x1082  }
0x22: {  	[simem:s7], [sflag:s8] =	dma.local @!p0 [hbm:s6], $0xF7A  }
0x23: {  	s9 =	sor.u32 $0xD0000000, s2;
	s6 =	simm.s32 $0x108;
	_ =	swait.ge @!p0 [sflag:s8], $0x0  }
0x24: {  	s3 =	sadd.s32 $0x88, s3;
	s6 =	simm.s32 @!p1 $0x1082;
	[sflag:s4] =	ssyncset.s32 $0xFFFFF086  }
0x25: {  	[simem:s6], [sflag:s4] =	dma.local [hbm:s3], $0xF7A  }
0x26: {  	[smem:$0x3F97] =	sst s1;
	(tag) =	ssettag s2;
	_ =	strace s9  }
0x27: {  	s1 =	sld [smem:$0x3FA7]  }
0x28: {  	s2 =	sld [smem:$0x3FA8]  }
0x29: {  	s4 =	sld [smem:$0x3FAA]  }
0x2a: {  	p0 =	seq.s32 s5, $0x0;
	s5 =	sld [smem:$0x3FAB]  }
0x2b: {  	s6 =	sld [smem:$0x3FAC]  }
0x2c: {  	s7 =	sld [smem:$0x3FAD]  }
0x2d: {  	s3 =	simm.s32 $0x108;
	s8 =	sld [smem:$0x3FAE]  }
0x2e: {  	s3 =	simm.s32 @!p0 $0x1082;
	s9 =	sld [smem:$0x3FAF]  }
0x2f: {  	lr =	sadd.s32 s0, s3;
	s0 =	sld [smem:$0x3FA6]  }
0x30: {  	s3 =	sld [smem:$0x3FA9]  }
0x31: {  	[smem:$0x3FB2] =	sst s10  }
0x32: {  	s10 =	sld [smem:$0x3FB0];
	_ =	sdelay $0x3  }
0x33: {  	p0 =	seq.s32 s10, $0x1;
	s10 =	sld [smem:$0x3FB2];
	_ =	sdelay $0x3  }
0x34: {  	[smem:$0x3FB2] =	sst s10  }
0x35: {  	s10 =	sld [smem:$0x3FB1];
	_ =	sdelay $0x3  }
0x36: {  	p1 =	seq.s32 s10, $0x1;
	s10 =	sld [smem:$0x3FB2];
	_ =	sdelay $0x3  }
0x37: {  	[smem:$0x3FB2] =	sst s10  }
0x38: {  	s10 =	sld [smem:$0x3FB3]  }
0x39: {  	_ = 	snop;
	(pc) =	sbr.ind lr, $3  }
0x3a: {  	_ = 	snop  }
0x3b: {  	_ = 	snop  }
0x3c: {  	p2 =	seq.s32 s10, $0x1;
	s10 =	sld [smem:$0x3FB2]  }
0x3d: {  	_ =	shalt  }
0x3e: {  	_ =	shalt  }
0x3f: {  	_ =	shalt  }
0x40: {  	_ =	shalt  }
0x41: {  	_ =	shalt  }
0x42: {  	_ =	shalt  }
0x43: {  	_ =	shalt  }
0x44: {  	_ =	shalt  }
0x45: {  	_ =	shalt  }
0x46: {  	_ =	shalt  }
0x47: {  	_ =	shalt  }
0x48: {  	_ =	shalt  }
0x49: {  	_ =	shalt  }
0x4a: {  	_ =	shalt  }
0x4b: {  	_ =	shalt  }
0x4c: {  	_ =	shalt  }
0x4d: {  	_ =	shalt  }
0x4e: {  	_ =	shalt  }
0x4f: {  	_ =	shalt  }
0x50: {  	_ =	shalt  }
0x51: {  	_ =	shalt  }
0x52: {  	_ =	shalt  }
0x53: {  	_ =	shalt  }
0x54: {  	_ =	shalt  }
0x55: {  	_ =	shalt  }
0x56: {  	_ =	shalt  }
0x57: {  	_ =	shalt  }
0x58: {  	_ =	shalt  }
0x59: {  	_ =	shalt  }
0x5a: {  	_ =	shalt  }
0x5b: {  	_ =	shalt  }
0x5c: {  	_ =	shalt  }
0x5d: {  	_ =	shalt  }
0x5e: {  	_ =	shalt  }
0x5f: {  	_ =	shalt  }
0x60: {  	_ =	shalt  }
0x61: {  	_ =	shalt  }
0x62: {  	_ =	shalt  }
0x63: {  	_ =	shalt  }
0x64: {  	_ =	shalt  }
0x65: {  	_ =	shalt  }
0x66: {  	_ =	shalt  }
0x67: {  	_ =	shalt  }
0x68: {  	_ =	shalt  }
0x69: {  	_ =	shalt  }
0x6a: {  	_ =	shalt  }
0x6b: {  	_ =	shalt  }
0x6c: {  	_ =	shalt  }
0x6d: {  	_ =	shalt  }
0x6e: {  	_ =	shalt  }
0x6f: {  	_ =	shalt  }
0x70: {  	_ =	shalt  }
0x71: {  	_ =	shalt  }
0x72: {  	_ =	shalt  }
0x73: {  	_ =	shalt  }
0x74: {  	_ =	shalt  }
0x75: {  	_ =	shalt  }
0x76: {  	_ =	shalt  }
0x77: {  	_ =	shalt  }
0x78: {  	_ =	shalt  }
0x79: {  	_ =	shalt  }
0x7a: {  	_ =	shalt  }
0x7b: {  	_ =	shalt  }
0x7c: {  	_ =	shalt  }
0x7d: {  	_ =	shalt  }
0x7e: {  	_ =	shalt  }
0x7f: {  	_ =	shalt  }
0x80: {  	_ =	shalt  }
0x81: {  	_ =	shalt  }
0x82: {  	_ =	shalt  }
0x83: {  	_ =	shalt  }
0x84: {  	_ =	shalt  }
0x85: {  	_ =	shalt  }
0x86: {  	_ =	shalt  }
0x87: {  	_ =	shalt  }
.Lfunc_end0:
.L_simem_size_0:
called_computation.1_lowered:
.L_overlay_start_0:
0x88: {  	s2 =	sld [smem:$0x3FD9]  }
0x89: {  	s3 =	sld [smem:$0x3FFE];
	_ =	sdelay $0x1  }
0x8a: {  	s1 =	srdreg.scid  }
0x8b: {  	s0 =	sand.u32 $0x1, s1  }
0x8c: {  	s16 =	sshll.u32 s0, $0xA;
	s2 =	sadd.s32 s3, s2  }
0x8d: {  	s2 =	sadd.s32 s2, s16  }
0x8e: {  	[smem:$0x3FBE] =	sst s2  }
0x8f: {  	_ = 	snop  }
0x90: {  	(tm) =	ssettm $0x1  }
0x91: {  	s17 =	sld [smem:$0x3FFB];
	_ =	sdelay $0x3  }
0x92: {  	_ =	strace s17  }
0x93: {  	s2 =	sld [smem:$0x3FFC];
	_ =	sdelay $0x3  }
0x94: {  	_ =	strace s2  }
0x95: {  	s2 =	sld [smem:$0x3FFD];
	_ =	sdelay $0x3  }
0x96: {  	_ =	strace s2  }
0x97: {  	_ =	strace $0x8FFFFFFF  }
0x98: {  	s18 =	sld [smem:$0x3FDB];
	_ =	sdelay $0x1  }
0x99: {  	s19 =	simm.s32 $_scs_section_size  }
0x9a: {  	s4 =	simm.s32 $_size__tile_overlayer_lowered;
	s5 =	simm.s32 $_tile_overlayer_lowered  }
0x9b: {  	s22 =	simm.s32 $0x1BFF;
	s21 =	sshll.u32 s5, $0x1;
	s2 =	sadd.s32 s19, s18  }
0x9c: {  	s6 =	simm.s32 $0x0;
	s20 =	sshll.u32 s4, $0x1;
	s4 =	sadd.s32 s21, s2  }
0x9d: {  	[timem:s6], [sflag:s22] =	dma.local [hbm:s4], s20  }
0x9e: {  	_ =	swait.ge [sflag:s22], s20  }
0x9f: {  	s3 =	ssub.s32 $0x0, s20;
	[sflag:s22] =	ssyncset.done $0x0  }
0xa0: {  	[sflag:s22] =	ssyncadd.s32 s3;
	_ =	sdelay $0x1  }
0xa1: {  	s23 =	simm.s32 $0x1B8B  }
0xa2: {  	_ =	swait.ge [sflag:s23], $0x1  }
0xa3: {  	[sflag:s23] =	ssyncset.done $0x0  }
0xa4: {  	s25 =	simm.s32 $0x1B8E;
	s24 =	sld [smem:$0x3FFE];
	[sflag:s23] =	ssyncadd.s32 $0xFFFFFFFF  }
0xa5: {  	s26 =	simm.s32 $execute0_lowered;
	[smem:$0x3FD2] =	sst s25  }
0xa6: {  	s4 =	sshll.u32 s26, $0x1;
	_ =	strace $0x80000049;
	[dreg:$0x1] =	wrdreg $0xFFFFFFFF  }
0xa7: {  	s28 =	simm.s32 $_size_execute0_lowered;
	s2 =	sadd.s32 s2, s4;
	[dreg:$0x0] =	wrdreg $0x0  }
0xa8: {  	s4 =	sshll.u32 s28, $0x1;
	[dreg:$0x2] =	wrdreg s2  }
0xa9: {  	[dreg:$0x3] =	wrdreg s4  }
0xaa: {  	[dreg:$0x4] =	wrdreg $0xC0  }
0xab: {  	_ =	task [dreg:s6], $0x5FFFF  }
0xac: {  	[dreg:$0x1] =	wrdreg $0xFFFFFFFF  }
0xad: {  	[dreg:$0x0] =	wrdreg $0x60  }
0xae: {  	[dreg:$0x2] =	wrdreg s24  }
0xaf: {  	[dreg:$0x3] =	wrdreg $0xA8000  }
0xb0: {  	[dreg:$0x4] =	wrdreg $0x9  }
0xb1: {  	_ =	task.clear_ibuf [dreg:s6], $0x5FFFF;
	_ =	strace $0x90000049  }
0xb2: {  	s29 =	simm.s32 $0x9;
	_ =	strace $0x8000004B  }
0xb3: {  	_ =	swait.ge [sflag:s29], $0x1  }
0xb4: {  	[sflag:s29] =	ssyncadd.s32 $0xFFFFFFFF  }
0xb5: {  	_ =	strace $0x9000004B  }
0xb6: {  	_ =	sfence  }
0xb7: {  	s30 =	sld [smem:$0x0];
	_ =	sdelay $0x2  }
0xb8: {  	s31 =	sshll.u32 s1, $0xD;
	s1 =	sshrl.u32 s1, $0x2  }
0xb9: {  	s3 =	sand.u32 $0x4000, s31;
	s1 =	sadd.s32 s1, s30  }
0xba: {  	s0 =	sor.u32 s3, s0;
	s1 =	sshll.u32 s1, $0x11  }
0xbb: {  	s0 =	sor.u32 s1, s0  }
0xbc: {  	s0 =	sadd.s32 $0x8F2B, s0  }
0xbd: {  	[sflag:s0] =	ssyncadd.remote.s32 $0x1  }
0xbe: {  	_ =	sfence.sel $0xFFFF  }
0xbf: {  	[dreg:$0x0] =	wrdreg $0xFFFFFFFF;
	(pc) =	sbr.abs _section_cstart, $3  }
0xc0: {  	[dreg:$0x1] =	wrdreg $0xFFFFFFFF  }
0xc1: {  	_ =	task.clear_ibuf [dreg:s6], $0x2FFFF;
	_ =	strace $0x9FFFFFFF  }
0xc2: {  	(tm) =	ssettm $0x7FFFFFFF  }
0xc3: {  	_ =	shalt  }
tec
execute0_lowered:
.L_overlay_start_1:
0x0: {  	(tag) =	ssettag $0x1  }
0x1: {  	s0 =	rddreg [dreg:$0x0]  }
0x2: {  	s2 =	rddreg [dreg:$0x1]  }
0x3: {  	s4 =	srdreg.scid;
	s1 =	stileid.u32;
	s3 =	simm.s32 $0x0  }
0x4: {  	s21 =	simm.s32 $0x3;
	s22 =	simm.s32 $0x1400;
	s23 =	simm.s32 $0x80  }
0x5: {  	s28 =	simm.s32 $0x2700;
	s29 =	simm.s32 $0x2780;
	s30 =	simm.s32 $0x0  }
0x6: {  	s5 =	sand.u32 $0x1, s4;
	s6 =	smul.u32 $0x280, s1;
	[smem:$0x7FF] =	sst s3  }
0x7: {  	s4 =	sadd.s32 $0x16600, s0;
	s18 =	sadd.s32 $0x2600, s0;
	s24 =	smul.u32 $0x50000, s1  }
0x8: {  	s19 =	sadd.s32 $0xC600, s0;
	s7 =	smul.u32 $0x2800, s5;
	s8 =	ssub.s32 $0x2, s5  }
0x9: {  	_ =	strace $0x8000004A;
	s26 =	sshll.u32 s5, $0x4;
	s25 =	sshrl.u32 s8, $0x1  }
0xa: {  	s13 =	sor.u32 s1, s26;
	s26 =	simm.s32 $0x2;
	s6 =	sadd.s32 s6, s7  }
0xb: {  	s7 =	sshrl.u32 s24, $0x2;
	s15 =	ssub.s32 s8, s25;
	s20 =	smul.u32 $0x500, s13  }
0xc: {  	s24 =	simm.s32 $0x6800;
	s25 =	simm.s32 $0x1;
	s6 =	sshll.u32 s6, $0x4  }
0xd: {  	s5 =	sadd.s32 s7, s2;
	s15 =	smax.u32 s15, $0x1;
	s0 =	sadd.s32 s6, s0  }
0xe: {  	s6 =	sadd.s32 $0x4000, s5;
	s7 =	sadd.s32 $0x8000, s5;
	s8 =	sadd.s32 $0xC000, s5  }
0xf: {  	s9 =	sadd.s32 $0x10000, s5;
	s16 =	sadd.s32 s18, s20;
	s17 =	sadd.s32 s19, s20  }
0x10: {  	s31 =	sadd.s32 $0x280, s20;
	s20 =	simm.s32 $0x2800;
	s10 =	sadd.s32 $0x3D800, s0  }
0x11: {  	s11 =	sadd.s32 $0x3E000, s0;
	s12 =	sadd.s32 $0x3E800, s0;
	s13 =	sadd.s32 $0x3F000, s0  }
0x12: {  	v0 =	vimm.f32 $0.0e+00;
	s14 =	sadd.s32 $0x3F800, s0;
	s18 =	sadd.s32 s18, s31;
	s19 =	sadd.s32 s19, s31  }
.LBB2_1:
0x13: {  	s31 =	simm.s32 $0x0;
	s0 =	simm.s32 $0x200  }
.LBB2_2:
0x14: {  	p0 =	sne.s32 s0, $0xFE00;
	[tilespmem:s31+$0x2870] =	vst v0  }
0x15: {  	[tilespmem:s31+$0x2800] =	vst v0  }
0x16: {  	[tilespmem:s31+$0x2810] =	vst v0  }
.Ltmp0:
0x17: {  	[tilespmem:s31+$0x2820] =	vst v0;
	(pc) =	sbr.rel @p0 .LBB2_2-.Ltmp0, $4  }
0x18: {  	[tilespmem:s31+$0x2830] =	vst v0  }
0x19: {  	[tilespmem:s31+$0x2840] =	vst v0  }
0x1a: {  	[tilespmem:s31+$0x2850] =	vst v0  }
0x1b: {  	[tilespmem:s31+$0x2860] =	vst v0;
	s31 =	sshra.s32 s0, $0x2;
	s0 =	sadd.s32 $0x200, s0  }
0x1c: {  	[tilespmem:s31+$0x2870] =	vst v0  }
0x1d: {  	[tilespmem:s31+$0x2800] =	vst v0  }
0x1e: {  	[tilespmem:s31+$0x2810] =	vst v0  }
0x1f: {  	[tilespmem:s31+$0x2820] =	vst v0  }
0x20: {  	[tilespmem:s31+$0x2830] =	vst v0  }
0x21: {  	[tilespmem:s31+$0x2840] =	vst v0  }
0x22: {  	[tilespmem:s31+$0x2850] =	vst v0  }
0x23: {  	[tilespmem:s31+$0x2860] =	vst v0  }
0x24: {  	[spmem:s5] =	stream.linear.scatter [tilespmem:s20], [sflag:$0x3], $0x4000, $0x38;
	[tilespmem:$0x1E800] =	vst v63  }
0x25: {  	_ =	swait.ge [sflag:s21], $0x4000  }
0x26: {  	[sflag:s21] =	ssyncset.done $0x0  }
0x27: {  	[sflag:s21] =	ssyncadd.s32 $0xFFFFC000  }
0x28: {  	[spmem:s6] =	stream.linear.scatter [tilespmem:s20], [sflag:$0x3], $0x4000, $0x38;
	[tilespmem:$0x1E800] =	vst v63  }
0x29: {  	_ =	swait.ge [sflag:s21], $0x4000  }
0x2a: {  	[sflag:s21] =	ssyncset.done $0x0  }
0x2b: {  	[sflag:s21] =	ssyncadd.s32 $0xFFFFC000  }
0x2c: {  	[spmem:s7] =	stream.linear.scatter [tilespmem:s20], [sflag:$0x3], $0x4000, $0x38;
	[tilespmem:$0x1E800] =	vst v63  }
0x2d: {  	_ =	swait.ge [sflag:s21], $0x4000  }
0x2e: {  	[sflag:s21] =	ssyncset.done $0x0  }
0x2f: {  	[sflag:s21] =	ssyncadd.s32 $0xFFFFC000  }
0x30: {  	[spmem:s8] =	stream.linear.scatter [tilespmem:s20], [sflag:$0x3], $0x4000, $0x38;
	[tilespmem:$0x1E800] =	vst v63  }
0x31: {  	_ =	swait.ge [sflag:s21], $0x4000  }
0x32: {  	[sflag:s21] =	ssyncset.done $0x0  }
0x33: {  	[sflag:s21] =	ssyncadd.s32 $0xFFFFC000  }
0x34: {  	[spmem:s9] =	stream.linear.scatter [tilespmem:s20], [sflag:$0x3], $0x4000, $0x38;
	[tilespmem:$0x1E800] =	vst v63  }
0x35: {  	_ =	swait.ge [sflag:s21], $0x4000  }
0x36: {  	[sflag:s21] =	ssyncset.done $0x0  }
0x37: {  	[sflag:s21] =	ssyncadd.s32 $0xFFFFC000  }
0x38: {  	s0 =	simm.s32 $0x0;
	[bflag:$0x0] =	sbarrier.arrive $0xFFFF  }
0x39: {  	[tilespmem:s0], [sflag:$0x3] =	stream.linear.gather [hbm4b:s16+s0], $0x1400, $0x38;
	[tilespmem:$0x1E800] =	vst v63  }
0x3a: {  	_ =	swait.ge [sflag:s21], $0x1400  }
0x3b: {  	[sflag:s21] =	ssyncset.done $0x0  }
0x3c: {  	[sflag:s21] =	ssyncadd.s32 $0xFFFFEC00  }
0x3d: {  	[tilespmem:s22], [sflag:$0x3] =	stream.linear.gather [hbm4b:s17+s0], $0x1400, $0x38;
	[tilespmem:$0x1E800] =	vst v63  }
0x3e: {  	_ =	swait.ge [sflag:s21], $0x1400  }
0x3f: {  	[sflag:s21] =	ssyncset.done $0x0  }
0x40: {  	[sflag:s21] =	ssyncadd.s32 $0xFFFFEC00  }
0x41: {  	[tilespmem:s20], [sflag:$0x1] =	stream.indirect.gather [hbm4b:s4+s23], $0x80, s0, s23, $0xb8;
	[tilespmem:$0x1E800] =	vst v63  }
0x42: {  	_ = 	snop  }
0x43: {  	[tilespmem:s24], [sflag:$0x2] =	stream.indirect.gather [hbm4b:s4+s23], $0x80, s23, s23, $0xb8;
	[tilespmem:$0x1E800] =	vst v63  }
0x44: {  	_ =	swait.ge [sflag:s25], $0x4000  }
0x45: {  	[sflag:s25] =	ssyncset.done $0x0  }
0x46: {  	s1 =	simm.s32 $0x1400;
	[sflag:s25] =	ssyncadd.s32 $0xFFFFC000  }
0x47: {  	[spmem:s2] =	stream.indirect.scatter.add.f32 [tilespmem:s20], [sflag:$0x3], $0x80, s1, s23, $0xb8;
	[tilespmem:$0x1E800] =	vst v63  }
0x48: {  	_ =	swait.ge [sflag:s21], $0x4000  }
0x49: {  	[sflag:s21] =	ssyncset.done $0x0  }
0x4a: {  	s1 =	simm.s32 $0x100;
	[sflag:s21] =	ssyncadd.s32 $0xFFFFC000  }
0x4b: {  	[tilespmem:s20], [sflag:$0x1] =	stream.indirect.gather [hbm4b:s4+s23], $0x80, s1, s23, $0xb8;
	[tilespmem:$0x1E800] =	vst v63  }
0x4c: {  	_ =	swait.ge [sflag:s26], $0x4000  }
0x4d: {  	[sflag:s26] =	ssyncset.done $0x0  }
0x4e: {  	s1 =	simm.s32 $0x1480;
	[sflag:s26] =	ssyncadd.s32 $0xFFFFC000  }
0x4f: {  	[spmem:s2] =	stream.indirect.scatter.add.f32 [tilespmem:s24], [sflag:$0x3], $0x80, s1, s23, $0xb8;
	[tilespmem:$0x1E800] =	vst v63  }
0x50: {  	_ =	swait.ge [sflag:s21], $0x4000  }
0x51: {  	[sflag:s21] =	ssyncset.done $0x0  }
0x52: {  	s31 =	simm.s32 $0x400;
	s0 =	simm.s32 $0x180;
	[sflag:s21] =	ssyncadd.s32 $0xFFFFC000  }
.LBB2_4:
0x53: {  	[tilespmem:s24], [sflag:$0x2] =	stream.indirect.gather [hbm4b:s4+s23], $0x80, s0, s23, $0xb8;
	[tilespmem:$0x1E800] =	vst v63  }
0x54: {  	s0 =	smov.u32 s31  }
0x55: {  	p0 =	sne.s32 s31, $0x4800;
	s31 =	sadd.s32 $0x400, s31;
	_ =	swait.ge [sflag:s25], $0x4000  }
0x56: {  	s0 =	sshra.s32 s0, $0x2;
	[sflag:s25] =	ssyncset.done $0x0  }
0x57: {  	s1 =	sadd.s32 $0x1400, s0;
	[sflag:s25] =	ssyncadd.s32 $0xFFFFC000  }
0x58: {  	[spmem:s2] =	stream.indirect.scatter.add.f32 [tilespmem:s20], [sflag:$0x3], $0x80, s1, s23, $0xb8;
	[tilespmem:$0x1E800] =	vst v63  }
0x59: {  	_ =	swait.ge [sflag:s21], $0x4000  }
0x5a: {  	[sflag:s21] =	ssyncset.done $0x0  }
0x5b: {  	s1 =	sadd.s32 $0x100, s0;
	[sflag:s21] =	ssyncadd.s32 $0xFFFFC000  }
0x5c: {  	[tilespmem:s20], [sflag:$0x1] =	stream.indirect.gather [hbm4b:s4+s23], $0x80, s1, s23, $0xb8;
	[tilespmem:$0x1E800] =	vst v63  }
0x5d: {  	_ =	swait.ge [sflag:s26], $0x4000  }
0x5e: {  	[sflag:s26] =	ssyncset.done $0x0  }
.Ltmp1:
0x5f: {  	s1 =	sadd.s32 $0x1480, s0;
	[sflag:s26] =	ssyncadd.s32 $0xFFFFC000;
	(pc) =	sbr.rel @p0 .LBB2_4-.Ltmp1, $4  }
0x60: {  	[spmem:s2] =	stream.indirect.scatter.add.f32 [tilespmem:s24], [sflag:$0x3], $0x80, s1, s23, $0xb8;
	[tilespmem:$0x1E800] =	vst v63  }
0x61: {  	_ =	swait.ge [sflag:s21], $0x4000  }
0x62: {  	[sflag:s21] =	ssyncset.done $0x0  }
0x63: {  	s0 =	sadd.s32 $0x180, s0;
	[sflag:s21] =	ssyncadd.s32 $0xFFFFC000  }
0x64: {  	[tilespmem:s24], [sflag:$0x2] =	stream.indirect.gather [hbm4b:s4+s23], $0x80, s0, s23, $0xb8;
	[tilespmem:$0x1E800] =	vst v63  }
0x65: {  	_ =	swait.ge [sflag:s25], $0x4000  }
0x66: {  	[sflag:s25] =	ssyncset.done $0x0  }
0x67: {  	[sflag:s25] =	ssyncadd.s32 $0xFFFFC000  }
0x68: {  	[spmem:s2] =	stream.indirect.scatter.add.f32 [tilespmem:s20], [sflag:$0x3], $0x80, s28, s23, $0xb8;
	[tilespmem:$0x1E800] =	vst v63  }
0x69: {  	_ =	swait.ge [sflag:s21], $0x4000  }
0x6a: {  	[sflag:s21] =	ssyncset.done $0x0  }
0x6b: {  	[sflag:s21] =	ssyncadd.s32 $0xFFFFC000  }
0x6c: {  	_ =	swait.ge [sflag:s26], $0x4000  }
0x6d: {  	[sflag:s26] =	ssyncset.done $0x0  }
0x6e: {  	[sflag:s26] =	ssyncadd.s32 $0xFFFFC000  }
0x6f: {  	[spmem:s2] =	stream.indirect.scatter.add.f32 [tilespmem:s24], [sflag:$0x3], $0x80, s29, s23, $0xb8;
	[tilespmem:$0x1E800] =	vst v63  }
0x70: {  	_ =	swait.ge [sflag:s21], $0x4000  }
0x71: {  	[sflag:s21] =	ssyncset.done $0x0  }
0x72: {  	s1 =	simm.s32 $0x0;
	[sflag:s21] =	ssyncadd.s32 $0xFFFFC000  }
0x73: {  	[tilespmem:s1], [sflag:$0x3] =	stream.linear.gather [hbm4b:s18+s1], $0x1400, $0x38;
	[tilespmem:$0x1E800] =	vst v63  }
0x74: {  	_ =	swait.ge [sflag:s21], $0x1400  }
0x75: {  	[sflag:s21] =	ssyncset.done $0x0  }
0x76: {  	[sflag:s21] =	ssyncadd.s32 $0xFFFFEC00  }
0x77: {  	[tilespmem:s22], [sflag:$0x3] =	stream.linear.gather [hbm4b:s19+s1], $0x1400, $0x38;
	[tilespmem:$0x1E800] =	vst v63  }
0x78: {  	_ =	swait.ge [sflag:s21], $0x1400  }
0x79: {  	[sflag:s21] =	ssyncset.done $0x0  }
0x7a: {  	[sflag:s21] =	ssyncadd.s32 $0xFFFFEC00  }
0x7b: {  	[tilespmem:s20], [sflag:$0x1] =	stream.indirect.gather [hbm4b:s4+s23], $0x80, s1, s23, $0xb8;
	[tilespmem:$0x1E800] =	vst v63  }
0x7c: {  	_ = 	snop  }
0x7d: {  	[tilespmem:s24], [sflag:$0x2] =	stream.indirect.gather [hbm4b:s4+s23], $0x80, s23, s23, $0xb8;
	[tilespmem:$0x1E800] =	vst v63  }
0x7e: {  	_ =	swait.ge [sflag:s25], $0x4000  }
0x7f: {  	[sflag:s25] =	ssyncset.done $0x0  }
0x80: {  	s1 =	simm.s32 $0x1400;
	[sflag:s25] =	ssyncadd.s32 $0xFFFFC000  }
0x81: {  	[spmem:s2] =	stream.indirect.scatter.add.f32 [tilespmem:s20], [sflag:$0x3], $0x80, s1, s23, $0xb8;
	[tilespmem:$0x1E800] =	vst v63  }
0x82: {  	_ =	swait.ge [sflag:s21], $0x4000  }
0x83: {  	[sflag:s21] =	ssyncset.done $0x0  }
0x84: {  	s1 =	simm.s32 $0x100;
	[sflag:s21] =	ssyncadd.s32 $0xFFFFC000  }
0x85: {  	[tilespmem:s20], [sflag:$0x1] =	stream.indirect.gather [hbm4b:s4+s23], $0x80, s1, s23, $0xb8;
	[tilespmem:$0x1E800] =	vst v63  }
0x86: {  	_ =	swait.ge [sflag:s26], $0x4000  }
0x87: {  	[sflag:s26] =	ssyncset.done $0x0  }
0x88: {  	s1 =	simm.s32 $0x1480;
	[sflag:s26] =	ssyncadd.s32 $0xFFFFC000  }
0x89: {  	[spmem:s2] =	stream.indirect.scatter.add.f32 [tilespmem:s24], [sflag:$0x3], $0x80, s1, s23, $0xb8;
	[tilespmem:$0x1E800] =	vst v63  }
0x8a: {  	_ =	swait.ge [sflag:s21], $0x4000  }
0x8b: {  	[sflag:s21] =	ssyncset.done $0x0  }
0x8c: {  	s31 =	simm.s32 $0x400;
	s0 =	simm.s32 $0x180;
	[sflag:s21] =	ssyncadd.s32 $0xFFFFC000  }
.LBB2_6:
0x8d: {  	[tilespmem:s24], [sflag:$0x2] =	stream.indirect.gather [hbm4b:s4+s23], $0x80, s0, s23, $0xb8;
	[tilespmem:$0x1E800] =	vst v63  }
0x8e: {  	s0 =	smov.u32 s31  }
0x8f: {  	p0 =	sne.s32 s31, $0x4800;
	s31 =	sadd.s32 $0x400, s31;
	_ =	swait.ge [sflag:s25], $0x4000  }
0x90: {  	s0 =	sshra.s32 s0, $0x2;
	[sflag:s25] =	ssyncset.done $0x0  }
0x91: {  	s1 =	sadd.s32 $0x1400, s0;
	[sflag:s25] =	ssyncadd.s32 $0xFFFFC000  }
0x92: {  	[spmem:s2] =	stream.indirect.scatter.add.f32 [tilespmem:s20], [sflag:$0x3], $0x80, s1, s23, $0xb8;
	[tilespmem:$0x1E800] =	vst v63  }
0x93: {  	_ =	swait.ge [sflag:s21], $0x4000  }
0x94: {  	[sflag:s21] =	ssyncset.done $0x0  }
0x95: {  	s1 =	sadd.s32 $0x100, s0;
	[sflag:s21] =	ssyncadd.s32 $0xFFFFC000  }
0x96: {  	[tilespmem:s20], [sflag:$0x1] =	stream.indirect.gather [hbm4b:s4+s23], $0x80, s1, s23, $0xb8;
	[tilespmem:$0x1E800] =	vst v63  }
0x97: {  	_ =	swait.ge [sflag:s26], $0x4000  }
0x98: {  	[sflag:s26] =	ssyncset.done $0x0  }
.Ltmp2:
0x99: {  	s1 =	sadd.s32 $0x1480, s0;
	[sflag:s26] =	ssyncadd.s32 $0xFFFFC000;
	(pc) =	sbr.rel @p0 .LBB2_6-.Ltmp2, $4  }
0x9a: {  	[spmem:s2] =	stream.indirect.scatter.add.f32 [tilespmem:s24], [sflag:$0x3], $0x80, s1, s23, $0xb8;
	[tilespmem:$0x1E800] =	vst v63  }
0x9b: {  	_ =	swait.ge [sflag:s21], $0x4000  }
0x9c: {  	[sflag:s21] =	ssyncset.done $0x0  }
0x9d: {  	s0 =	sadd.s32 $0x180, s0;
	[sflag:s21] =	ssyncadd.s32 $0xFFFFC000  }
0x9e: {  	[tilespmem:s24], [sflag:$0x2] =	stream.indirect.gather [hbm4b:s4+s23], $0x80, s0, s23, $0xb8;
	[tilespmem:$0x1E800] =	vst v63  }
0x9f: {  	_ =	swait.ge [sflag:s25], $0x4000  }
0xa0: {  	[sflag:s25] =	ssyncset.done $0x0  }
0xa1: {  	[sflag:s25] =	ssyncadd.s32 $0xFFFFC000  }
0xa2: {  	[spmem:s2] =	stream.indirect.scatter.add.f32 [tilespmem:s20], [sflag:$0x3], $0x80, s28, s23, $0xb8;
	[tilespmem:$0x1E800] =	vst v63  }
0xa3: {  	_ =	swait.ge [sflag:s21], $0x4000  }
0xa4: {  	[sflag:s21] =	ssyncset.done $0x0  }
0xa5: {  	[sflag:s21] =	ssyncadd.s32 $0xFFFFC000  }
0xa6: {  	_ =	swait.ge [sflag:s26], $0x4000  }
0xa7: {  	[sflag:s26] =	ssyncset.done $0x0  }
0xa8: {  	[sflag:s26] =	ssyncadd.s32 $0xFFFFC000  }
0xa9: {  	[spmem:s2] =	stream.indirect.scatter.add.f32 [tilespmem:s24], [sflag:$0x3], $0x80, s29, s23, $0xb8;
	[tilespmem:$0x1E800] =	vst v63  }
0xaa: {  	_ =	swait.ge [sflag:s21], $0x4000  }
0xab: {  	[sflag:s21] =	ssyncset.done $0x0  }
0xac: {  	[sflag:s21] =	ssyncadd.s32 $0xFFFFC000  }
0xad: {  	[bflag:$0x0] =	sbarrier.arrive $0xFFFF  }
0xae: {  	[tilespmem:s20], [sflag:$0x3] =	stream.linear.gather [spmem:s5], $0x4000, $0x38;
	[tilespmem:$0x1E800] =	vst v63  }
0xaf: {  	_ =	swait.ge [sflag:s21], $0x4000  }
0xb0: {  	[sflag:s21] =	ssyncset.done $0x0  }
0xb1: {  	[sflag:s21] =	ssyncadd.s32 $0xFFFFC000  }
0xb2: {  	[hbm4b:s10+s3] =	stream.linear.scatter [tilespmem:s20], [sflag:$0x3], $0x4000, $0x38;
	[tilespmem:$0x1E800] =	vst v63  }
0xb3: {  	_ =	swait.ge [sflag:s21], $0x4000  }
0xb4: {  	[sflag:s21] =	ssyncset.done $0x0  }
0xb5: {  	[sflag:s21] =	ssyncadd.s32 $0xFFFFC000  }
0xb6: {  	[tilespmem:s20], [sflag:$0x3] =	stream.linear.gather [spmem:s6], $0x4000, $0x38;
	[tilespmem:$0x1E800] =	vst v63  }
0xb7: {  	_ =	swait.ge [sflag:s21], $0x4000  }
0xb8: {  	[sflag:s21] =	ssyncset.done $0x0  }
0xb9: {  	[sflag:s21] =	ssyncadd.s32 $0xFFFFC000  }
0xba: {  	[hbm4b:s11+s3] =	stream.linear.scatter [tilespmem:s20], [sflag:$0x3], $0x4000, $0x38;
	[tilespmem:$0x1E800] =	vst v63  }
0xbb: {  	_ =	swait.ge [sflag:s21], $0x4000  }
0xbc: {  	[sflag:s21] =	ssyncset.done $0x0  }
0xbd: {  	[sflag:s21] =	ssyncadd.s32 $0xFFFFC000  }
0xbe: {  	[tilespmem:s20], [sflag:$0x3] =	stream.linear.gather [spmem:s7], $0x4000, $0x38;
	[tilespmem:$0x1E800] =	vst v63  }
0xbf: {  	_ =	swait.ge [sflag:s21], $0x4000  }
0xc0: {  	[sflag:s21] =	ssyncset.done $0x0  }
0xc1: {  	[sflag:s21] =	ssyncadd.s32 $0xFFFFC000  }
0xc2: {  	[hbm4b:s12+s3] =	stream.linear.scatter [tilespmem:s20], [sflag:$0x3], $0x4000, $0x38;
	[tilespmem:$0x1E800] =	vst v63  }
0xc3: {  	_ =	swait.ge [sflag:s21], $0x4000  }
0xc4: {  	[sflag:s21] =	ssyncset.done $0x0  }
0xc5: {  	[sflag:s21] =	ssyncadd.s32 $0xFFFFC000  }
0xc6: {  	[tilespmem:s20], [sflag:$0x3] =	stream.linear.gather [spmem:s8], $0x4000, $0x38;
	[tilespmem:$0x1E800] =	vst v63  }
0xc7: {  	_ =	swait.ge [sflag:s21], $0x4000  }
0xc8: {  	[sflag:s21] =	ssyncset.done $0x0  }
0xc9: {  	[sflag:s21] =	ssyncadd.s32 $0xFFFFC000  }
0xca: {  	[hbm4b:s13+s3] =	stream.linear.scatter [tilespmem:s20], [sflag:$0x3], $0x4000, $0x38;
	[tilespmem:$0x1E800] =	vst v63  }
0xcb: {  	_ =	swait.ge [sflag:s21], $0x4000  }
0xcc: {  	[sflag:s21] =	ssyncset.done $0x0  }
0xcd: {  	[sflag:s21] =	ssyncadd.s32 $0xFFFFC000  }
0xce: {  	[tilespmem:s20], [sflag:$0x3] =	stream.linear.gather [spmem:s9], $0x4000, $0x38;
	[tilespmem:$0x1E800] =	vst v63  }
0xcf: {  	s30 =	sadd.s32 $0x1, s30;
	_ =	swait.ge [sflag:s21], $0x4000  }
0xd0: {  	p0 =	sne.s32 s30, s15;
	[sflag:s21] =	ssyncset.done $0x0  }
.Ltmp3:
0xd1: {  	[sflag:s21] =	ssyncadd.s32 $0xFFFFC000;
	(pc) =	sbr.rel @p0 .LBB2_1-.Ltmp3, $4  }
0xd2: {  	[hbm4b:s14+s3] =	stream.linear.scatter [tilespmem:s20], [sflag:$0x3], $0x4000, $0x38;
	[tilespmem:$0x1E800] =	vst v63  }
0xd3: {  	_ =	swait.ge [sflag:s21], $0x4000  }
0xd4: {  	[sflag:s21] =	ssyncset.done $0x0  }
0xd5: {  	[sflag:s21] =	ssyncadd.s32 $0xFFFFC000  }
0xd6: {  	_ =	sfence.sel $0x180000  }
0xd7: {  	[bflag:$0x0] =	sbarrier.arrive $0xFFFF  }
0xd8: {  	_ =	strace $0x9000004A  }
0xd9: {  	s0 =	stileid.u32;
	[bflag:$0x2] =	sbarrier.arrive $0xFFFF  }
0xda: {  	p0 =	sne.s32 s0, $0x0;
	s0 =	rddreg [dreg:$0x2]  }
0xdb: {  	s0 =	sadd.s32 @!p0 $0x100000, s0  }
0xdc: {  	[sflag:s0] =	ssyncadd.tile.s32 @!p0 $0x1;
	_ =	shalt  }
.Lfunc_end2:
_tile_overlayer_lowered:
.L_overlay_start_2:
0xdd: {  	(tag) =	ssettag $0x2  }
0xde: {  	s0 =	rddreg [dreg:$0x0];
	s2 =	stileid.u32  }
0xdf: {  	s1 =	rddreg [dreg:$0x1];
	p0 =	sne.s32 s2, $0x0  }
0xe0: {  	s3 =	rddreg [dreg:$0x2];
	[bflag:$0x3] =	sbarrier.arrive $0xFFFF;
	s2 =	simm.s32 @!p0 $0x1C03  }
0xe1: {  	[timem:s3], [sflag:s2] =	dma.local @!p0 [hbm:s0], s1  }
0xe2: {  	s0 =	simm.s32 @!p0 $0x3  }
0xe3: {  	_ =	swait.ge @!p0 [sflag:s0], s1  }
0xe4: {  	s1 =	ssub.s32 @!p0 $0x0, s1;
	[sflag:s0] =	ssyncset.done @!p0 $0x0  }
0xe5: {  	[sflag:s0] =	ssyncadd.s32 @!p0 s1  }
0xe6: {  	[bflag:$0x3] =	sbarrier.arrive $0xFFFF  }
0xe7: {  	_ =	shalt  }

// kernel: kernel.15.cloned.1.call-start
scs
__scs_entry_jumppad:
0x0: {  	(pc) =	sbr.rel $0x88, $3  }
0x1: {  	(tag) =	ssettag $0x0;
	lr =	simm.s32 $0x1  }
0x2: {  	[smem:$0x3F97] =	sst lr;
	_ =	strace $0xD0000000  }
0x3: {  	_ = 	snop  }
0x4: {  	_ = 	snop  }
0x5: {  	_ = 	snop  }
0x6: {  	_ = 	snop  }
0x7: {  	_ = 	snop  }
__scs_overlays_trampoline_lowered:
0x8: {  	[smem:$0x3FA6] =	sst s0  }
0x9: {  	[smem:$0x3FA7] =	sst s1  }
0xa: {  	[smem:$0x3FA8] =	sst s2  }
0xb: {  	[smem:$0x3FA9] =	sst s3  }
0xc: {  	[smem:$0x3FAA] =	sst s4  }
0xd: {  	[smem:$0x3FAB] =	sst s5  }
0xe: {  	[smem:$0x3FAC] =	sst s6  }
0xf: {  	[smem:$0x3FAD] =	sst s7  }
0x10: {  	[smem:$0x3FAE] =	sst s8  }
0x11: {  	[smem:$0x3FAF] =	sst s9;
	s0 =	simm.s32 @!p0 $0x0  }
0x12: {  	s1 =	sld [smem:$0x3F95];
	s0 =	simm.s32 @p0 $0x1  }
0x13: {  	[smem:$0x3FB0] =	sst s0;
	s0 =	simm.s32 @!p1 $0x0  }
0x14: {  	s2 =	sld [smem:$0x3F94];
	s0 =	simm.s32 @p1 $0x1  }
0x15: {  	[smem:$0x3FB1] =	sst s0;
	s0 =	simm.s32 @!p2 $0x0  }
0x16: {  	s3 =	sld [smem:$0x3FDB];
	s0 =	simm.s32 @p2 $0x1  }
0x17: {  	s4 =	simm.s32 $0x1BF5;
	[smem:$0x3FB3] =	sst s0  }
0x18: {  	s0 =	sld [smem:$0x3F96];
	_ =	swait.ge [sflag:s4], $0x0  }
0x19: {  	s7 =	sld [smem:$0x3F97]  }
0x1a: {  	s8 =	sadd.s32 $0xFFFFE003, lr  }
0x1b: {  	s9 =	sadd.s32 $0xFFFFFEF7, lr;
	s5 =	simm.s32 $0xFFFFFFFF;
	p2 =	slt.u32 s8, $0xFFFFF086  }
0x1c: {  	p1 =	slt.u32 s9, $0xF7A;
	s5 =	simm.s32 @!p2 $0x0  }
0x1d: {  	s5 =	simm.s32 @p1 $0x1;
	p0 =	seq.s32 s7, s2  }
0x1e: {  	s7 =	smul.u32 @!p0 $0xF7A, s2;
	p2 =	seq.s32 @!p0 s5, $0x0  }
0x1f: {  	s9 =	smul.u32 $0xF7A, s1;
	s8 =	simm.s32 @!p0 $0x1BF5;
	p2 =	por !p2, p0  }
0x20: {  	[sflag:s8] =	ssyncset.s32 @!p0 $0xFFFFF086;
	s6 =	sadd.s32 @!p0 s3, s7;
	s7 =	simm.s32 @!p0 $0x108  }
0x21: {  	s3 =	sadd.s32 s3, s9;
	s6 =	sadd.s32 @!p0 $0x88, s6;
	s7 =	simm.s32 @p2 $0x1082  }
0x22: {  	[simem:s7], [sflag:s8] =	dma.local @!p0 [hbm:s6], $0xF7A  }
0x23: {  	s9 =	sor.u32 $0xD0000000, s2;
	s6 =	simm.s32 $0x108;
	_ =	swait.ge @!p0 [sflag:s8], $0x0  }
0x24: {  	s3 =	sadd.s32 $0x88, s3;
	s6 =	simm.s32 @!p1 $0x1082;
	[sflag:s4] =	ssyncset.s32 $0xFFFFF086  }
0x25: {  	[simem:s6], [sflag:s4] =	dma.local [hbm:s3], $0xF7A  }
0x26: {  	[smem:$0x3F97] =	sst s1;
	(tag) =	ssettag s2;
	_ =	strace s9  }
0x27: {  	s1 =	sld [smem:$0x3FA7]  }
0x28: {  	s2 =	sld [smem:$0x3FA8]  }
0x29: {  	s4 =	sld [smem:$0x3FAA]  }
0x2a: {  	p0 =	seq.s32 s5, $0x0;
	s5 =	sld [smem:$0x3FAB]  }
0x2b: {  	s6 =	sld [smem:$0x3FAC]  }
0x2c: {  	s7 =	sld [smem:$0x3FAD]  }
0x2d: {  	s3 =	simm.s32 $0x108;
	s8 =	sld [smem:$0x3FAE]  }
0x2e: {  	s3 =	simm.s32 @!p0 $0x1082;
	s9 =	sld [smem:$0x3FAF]  }
0x2f: {  	lr =	sadd.s32 s0, s3;
	s0 =	sld [smem:$0x3FA6]  }
0x30: {  	s3 =	sld [smem:$0x3FA9]  }
0x31: {  	[smem:$0x3FB2] =	sst s10  }
0x32: {  	s10 =	sld [smem:$0x3FB0];
	_ =	sdelay $0x3  }
0x33: {  	p0 =	seq.s32 s10, $0x1;
	s10 =	sld [smem:$0x3FB2];
	_ =	sdelay $0x3  }
0x34: {  	[smem:$0x3FB2] =	sst s10  }
0x35: {  	s10 =	sld [smem:$0x3FB1];
	_ =	sdelay $0x3  }
0x36: {  	p1 =	seq.s32 s10, $0x1;
	s10 =	sld [smem:$0x3FB2];
	_ =	sdelay $0x3  }
0x37: {  	[smem:$0x3FB2] =	sst s10  }
0x38: {  	s10 =	sld [smem:$0x3FB3]  }
0x39: {  	_ = 	snop;
	(pc) =	sbr.ind lr, $3  }
0x3a: {  	_ = 	snop  }
0x3b: {  	_ = 	snop  }
0x3c: {  	p2 =	seq.s32 s10, $0x1;
	s10 =	sld [smem:$0x3FB2]  }
0x3d: {  	_ =	shalt  }
0x3e: {  	_ =	shalt  }
0x3f: {  	_ =	shalt  }
0x40: {  	_ =	shalt  }
0x41: {  	_ =	shalt  }
0x42: {  	_ =	shalt  }
0x43: {  	_ =	shalt  }
0x44: {  	_ =	shalt  }
0x45: {  	_ =	shalt  }
0x46: {  	_ =	shalt  }
0x47: {  	_ =	shalt  }
0x48: {  	_ =	shalt  }
0x49: {  	_ =	shalt  }
0x4a: {  	_ =	shalt  }
0x4b: {  	_ =	shalt  }
0x4c: {  	_ =	shalt  }
0x4d: {  	_ =	shalt  }
0x4e: {  	_ =	shalt  }
0x4f: {  	_ =	shalt  }
0x50: {  	_ =	shalt  }
0x51: {  	_ =	shalt  }
0x52: {  	_ =	shalt  }
0x53: {  	_ =	shalt  }
0x54: {  	_ =	shalt  }
0x55: {  	_ =	shalt  }
0x56: {  	_ =	shalt  }
0x57: {  	_ =	shalt  }
0x58: {  	_ =	shalt  }
0x59: {  	_ =	shalt  }
0x5a: {  	_ =	shalt  }
0x5b: {  	_ =	shalt  }
0x5c: {  	_ =	shalt  }
0x5d: {  	_ =	shalt  }
0x5e: {  	_ =	shalt  }
0x5f: {  	_ =	shalt  }
0x60: {  	_ =	shalt  }
0x61: {  	_ =	shalt  }
0x62: {  	_ =	shalt  }
0x63: {  	_ =	shalt  }
0x64: {  	_ =	shalt  }
0x65: {  	_ =	shalt  }
0x66: {  	_ =	shalt  }
0x67: {  	_ =	shalt  }
0x68: {  	_ =	shalt  }
0x69: {  	_ =	shalt  }
0x6a: {  	_ =	shalt  }
0x6b: {  	_ =	shalt  }
0x6c: {  	_ =	shalt  }
0x6d: {  	_ =	shalt  }
0x6e: {  	_ =	shalt  }
0x6f: {  	_ =	shalt  }
0x70: {  	_ =	shalt  }
0x71: {  	_ =	shalt  }
0x72: {  	_ =	shalt  }
0x73: {  	_ =	shalt  }
0x74: {  	_ =	shalt  }
0x75: {  	_ =	shalt  }
0x76: {  	_ =	shalt  }
0x77: {  	_ =	shalt  }
0x78: {  	_ =	shalt  }
0x79: {  	_ =	shalt  }
0x7a: {  	_ =	shalt  }
0x7b: {  	_ =	shalt  }
0x7c: {  	_ =	shalt  }
0x7d: {  	_ =	shalt  }
0x7e: {  	_ =	shalt  }
0x7f: {  	_ =	shalt  }
0x80: {  	_ =	shalt  }
0x81: {  	_ =	shalt  }
0x82: {  	_ =	shalt  }
0x83: {  	_ =	shalt  }
0x84: {  	_ =	shalt  }
0x85: {  	_ =	shalt  }
0x86: {  	_ =	shalt  }
0x87: {  	_ =	shalt  }
.Lfunc_end0:
.L_simem_size_0:
called_computation.2_lowered:
.L_overlay_start_0:
0x88: {  	s2 =	sld [smem:$0x3FD9]  }
0x89: {  	s3 =	sld [smem:$0x3FFE];
	_ =	sdelay $0x1  }
0x8a: {  	s1 =	srdreg.scid  }
0x8b: {  	s0 =	sand.u32 $0x1, s1  }
0x8c: {  	s16 =	sshll.u32 s0, $0xA;
	s2 =	sadd.s32 s3, s2  }
0x8d: {  	s2 =	sadd.s32 s2, s16  }
0x8e: {  	[smem:$0x3FBE] =	sst s2  }
0x8f: {  	_ = 	snop  }
0x90: {  	(tm) =	ssettm $0x1  }
0x91: {  	s17 =	sld [smem:$0x3FFB];
	_ =	sdelay $0x3  }
0x92: {  	_ =	strace s17  }
0x93: {  	s2 =	sld [smem:$0x3FFC];
	_ =	sdelay $0x3  }
0x94: {  	_ =	strace s2  }
0x95: {  	s2 =	sld [smem:$0x3FFD];
	_ =	sdelay $0x3  }
0x96: {  	_ =	strace s2  }
0x97: {  	_ =	strace $0x8FFFFFFF  }
0x98: {  	s18 =	sld [smem:$0x3FDB];
	_ =	sdelay $0x1  }
0x99: {  	s19 =	simm.s32 $_scs_section_size  }
0x9a: {  	s4 =	simm.s32 $_size__tile_overlayer_lowered;
	s5 =	simm.s32 $_tile_overlayer_lowered  }
0x9b: {  	s22 =	simm.s32 $0x1BFF;
	s21 =	sshll.u32 s5, $0x1;
	s2 =	sadd.s32 s19, s18  }
0x9c: {  	s6 =	simm.s32 $0x0;
	s20 =	sshll.u32 s4, $0x1;
	s4 =	sadd.s32 s21, s2  }
0x9d: {  	[timem:s6], [sflag:s22] =	dma.local [hbm:s4], s20  }
0x9e: {  	_ =	swait.ge [sflag:s22], s20  }
0x9f: {  	s3 =	ssub.s32 $0x0, s20;
	[sflag:s22] =	ssyncset.done $0x0  }
0xa0: {  	[sflag:s22] =	ssyncadd.s32 s3;
	_ =	sdelay $0x1  }
0xa1: {  	s23 =	simm.s32 $0x1B8B  }
0xa2: {  	_ =	swait.ge [sflag:s23], $0x1  }
0xa3: {  	[sflag:s23] =	ssyncset.done $0x0  }
0xa4: {  	s25 =	simm.s32 $0x1B8E;
	s24 =	sld [smem:$0x3FFE];
	[sflag:s23] =	ssyncadd.s32 $0xFFFFFFFF  }
0xa5: {  	s26 =	simm.s32 $execute0_lowered;
	[smem:$0x3FD2] =	sst s25  }
0xa6: {  	s4 =	sshll.u32 s26, $0x1;
	_ =	strace $0x8000004C;
	[dreg:$0x1] =	wrdreg $0xFFFFFFFF  }
0xa7: {  	s28 =	simm.s32 $_size_execute0_lowered;
	s2 =	sadd.s32 s2, s4;
	[dreg:$0x0] =	wrdreg $0x0  }
0xa8: {  	s4 =	sshll.u32 s28, $0x1;
	[dreg:$0x2] =	wrdreg s2  }
0xa9: {  	[dreg:$0x3] =	wrdreg s4  }
0xaa: {  	[dreg:$0x4] =	wrdreg $0xC0  }
0xab: {  	_ =	task [dreg:s6], $0x5FFFF  }
0xac: {  	[dreg:$0x1] =	wrdreg $0xFFFFFFFF  }
0xad: {  	[dreg:$0x0] =	wrdreg $0x60  }
0xae: {  	[dreg:$0x2] =	wrdreg s24  }
0xaf: {  	[dreg:$0x3] =	wrdreg $0xA8000  }
0xb0: {  	[dreg:$0x4] =	wrdreg $0x9  }
0xb1: {  	_ =	task.clear_ibuf [dreg:s6], $0x5FFFF;
	_ =	strace $0x9000004C  }
0xb2: {  	s29 =	simm.s32 $0x9;
	_ =	strace $0x8000004E  }
0xb3: {  	_ =	swait.ge [sflag:s29], $0x1  }
0xb4: {  	[sflag:s29] =	ssyncadd.s32 $0xFFFFFFFF  }
0xb5: {  	_ =	strace $0x9000004E  }
0xb6: {  	_ =	sfence  }
0xb7: {  	s30 =	sld [smem:$0x0];
	_ =	sdelay $0x2  }
0xb8: {  	s31 =	sshll.u32 s1, $0xD;
	s1 =	sshrl.u32 s1, $0x2  }
0xb9: {  	s3 =	sand.u32 $0x4000, s31;
	s1 =	sadd.s32 s1, s30  }
0xba: {  	s0 =	sor.u32 s3, s0;
	s1 =	sshll.u32 s1, $0x11  }
0xbb: {  	s0 =	sor.u32 s1, s0  }
0xbc: {  	s0 =	sadd.s32 $0x8F2B, s0  }
0xbd: {  	[sflag:s0] =	ssyncadd.remote.s32 $0x1  }
0xbe: {  	_ =	sfence.sel $0xFFFF  }
0xbf: {  	[dreg:$0x0] =	wrdreg $0xFFFFFFFF;
	(pc) =	sbr.abs _section_cstart, $3  }
0xc0: {  	[dreg:$0x1] =	wrdreg $0xFFFFFFFF  }
0xc1: {  	_ =	task.clear_ibuf [dreg:s6], $0x2FFFF;
	_ =	strace $0x9FFFFFFF  }
0xc2: {  	(tm) =	ssettm $0x7FFFFFFF  }
0xc3: {  	_ =	shalt  }
tec
execute0_lowered:
.L_overlay_start_1:
0x0: {  	(tag) =	ssettag $0x1  }
0x1: {  	s0 =	rddreg [dreg:$0x0]  }
0x2: {  	s2 =	rddreg [dreg:$0x1]  }
0x3: {  	s4 =	srdreg.scid;
	s1 =	stileid.u32;
	s3 =	simm.s32 $0x0  }
0x4: {  	s21 =	simm.s32 $0x3;
	s22 =	simm.s32 $0x1400;
	s23 =	simm.s32 $0x80  }
0x5: {  	s28 =	simm.s32 $0x2700;
	s29 =	simm.s32 $0x2780;
	s30 =	simm.s32 $0x0  }
0x6: {  	s5 =	sand.u32 $0x1, s4;
	s6 =	smul.u32 $0x280, s1;
	[smem:$0x7FF] =	sst s3  }
0x7: {  	s4 =	sadd.s32 $0x16600, s0;
	s18 =	sadd.s32 $0x2600, s0;
	s24 =	smul.u32 $0x50000, s1  }
0x8: {  	s19 =	sadd.s32 $0xC600, s0;
	s7 =	smul.u32 $0x2800, s5;
	s8 =	ssub.s32 $0x2, s5  }
0x9: {  	_ =	strace $0x8000004D;
	s26 =	sshll.u32 s5, $0x4;
	s25 =	sshrl.u32 s8, $0x1  }
0xa: {  	s13 =	sor.u32 s1, s26;
	s26 =	simm.s32 $0x2;
	s6 =	sadd.s32 s6, s7  }
0xb: {  	s7 =	sshrl.u32 s24, $0x2;
	s15 =	ssub.s32 s8, s25;
	s20 =	smul.u32 $0x500, s13  }
0xc: {  	s24 =	simm.s32 $0x6800;
	s25 =	simm.s32 $0x1;
	s6 =	sshll.u32 s6, $0x4  }
0xd: {  	s5 =	sadd.s32 s7, s2;
	s15 =	smax.u32 s15, $0x1;
	s0 =	sadd.s32 s6, s0  }
0xe: {  	s6 =	sadd.s32 $0x4000, s5;
	s7 =	sadd.s32 $0x8000, s5;
	s8 =	sadd.s32 $0xC000, s5  }
0xf: {  	s9 =	sadd.s32 $0x10000, s5;
	s16 =	sadd.s32 s18, s20;
	s17 =	sadd.s32 s19, s20  }
0x10: {  	s31 =	sadd.s32 $0x280, s20;
	s20 =	simm.s32 $0x2800;
	s10 =	sadd.s32 $0x3D800, s0  }
0x11: {  	s11 =	sadd.s32 $0x3E000, s0;
	s12 =	sadd.s32 $0x3E800, s0;
	s13 =	sadd.s32 $0x3F000, s0  }
0x12: {  	v0 =	vimm.f32 $0.0e+00;
	s14 =	sadd.s32 $0x3F800, s0;
	s18 =	sadd.s32 s18, s31;
	s19 =	sadd.s32 s19, s31  }
.LBB2_1:
0x13: {  	s31 =	simm.s32 $0x0;
	s0 =	simm.s32 $0x200  }
.LBB2_2:
0x14: {  	p0 =	sne.s32 s0, $0xFE00;
	[tilespmem:s31+$0x2870] =	vst v0  }
0x15: {  	[tilespmem:s31+$0x2800] =	vst v0  }
0x16: {  	[tilespmem:s31+$0x2810] =	vst v0  }
.Ltmp0:
0x17: {  	[tilespmem:s31+$0x2820] =	vst v0;
	(pc) =	sbr.rel @p0 .LBB2_2-.Ltmp0, $4  }
0x18: {  	[tilespmem:s31+$0x2830] =	vst v0  }
0x19: {  	[tilespmem:s31+$0x2840] =	vst v0  }
0x1a: {  	[tilespmem:s31+$0x2850] =	vst v0  }
0x1b: {  	[tilespmem:s31+$0x2860] =	vst v0;
	s31 =	sshra.s32 s0, $0x2;
	s0 =	sadd.s32 $0x200, s0  }
0x1c: {  	[tilespmem:s31+$0x2870] =	vst v0  }
0x1d: {  	[tilespmem:s31+$0x2800] =	vst v0  }
0x1e: {  	[tilespmem:s31+$0x2810] =	vst v0  }
0x1f: {  	[tilespmem:s31+$0x2820] =	vst v0  }
0x20: {  	[tilespmem:s31+$0x2830] =	vst v0  }
0x21: {  	[tilespmem:s31+$0x2840] =	vst v0  }
0x22: {  	[tilespmem:s31+$0x2850] =	vst v0  }
0x23: {  	[tilespmem:s31+$0x2860] =	vst v0  }
0x24: {  	[spmem:s5] =	stream.linear.scatter [tilespmem:s20], [sflag:$0x3], $0x4000, $0x38;
	[tilespmem:$0x1E800] =	vst v63  }
0x25: {  	_ =	swait.ge [sflag:s21], $0x4000  }
0x26: {  	[sflag:s21] =	ssyncset.done $0x0  }
0x27: {  	[sflag:s21] =	ssyncadd.s32 $0xFFFFC000  }
0x28: {  	[spmem:s6] =	stream.linear.scatter [tilespmem:s20], [sflag:$0x3], $0x4000, $0x38;
	[tilespmem:$0x1E800] =	vst v63  }
0x29: {  	_ =	swait.ge [sflag:s21], $0x4000  }
0x2a: {  	[sflag:s21] =	ssyncset.done $0x0  }
0x2b: {  	[sflag:s21] =	ssyncadd.s32 $0xFFFFC000  }
0x2c: {  	[spmem:s7] =	stream.linear.scatter [tilespmem:s20], [sflag:$0x3], $0x4000, $0x38;
	[tilespmem:$0x1E800] =	vst v63  }
0x2d: {  	_ =	swait.ge [sflag:s21], $0x4000  }
0x2e: {  	[sflag:s21] =	ssyncset.done $0x0  }
0x2f: {  	[sflag:s21] =	ssyncadd.s32 $0xFFFFC000  }
0x30: {  	[spmem:s8] =	stream.linear.scatter [tilespmem:s20], [sflag:$0x3], $0x4000, $0x38;
	[tilespmem:$0x1E800] =	vst v63  }
0x31: {  	_ =	swait.ge [sflag:s21], $0x4000  }
0x32: {  	[sflag:s21] =	ssyncset.done $0x0  }
0x33: {  	[sflag:s21] =	ssyncadd.s32 $0xFFFFC000  }
0x34: {  	[spmem:s9] =	stream.linear.scatter [tilespmem:s20], [sflag:$0x3], $0x4000, $0x38;
	[tilespmem:$0x1E800] =	vst v63  }
0x35: {  	_ =	swait.ge [sflag:s21], $0x4000  }
0x36: {  	[sflag:s21] =	ssyncset.done $0x0  }
0x37: {  	[sflag:s21] =	ssyncadd.s32 $0xFFFFC000  }
0x38: {  	s0 =	simm.s32 $0x0;
	[bflag:$0x0] =	sbarrier.arrive $0xFFFF  }
0x39: {  	[tilespmem:s0], [sflag:$0x3] =	stream.linear.gather [hbm4b:s16+s0], $0x1400, $0x38;
	[tilespmem:$0x1E800] =	vst v63  }
0x3a: {  	_ =	swait.ge [sflag:s21], $0x1400  }
0x3b: {  	[sflag:s21] =	ssyncset.done $0x0  }
0x3c: {  	[sflag:s21] =	ssyncadd.s32 $0xFFFFEC00  }
0x3d: {  	[tilespmem:s22], [sflag:$0x3] =	stream.linear.gather [hbm4b:s17+s0], $0x1400, $0x38;
	[tilespmem:$0x1E800] =	vst v63  }
0x3e: {  	_ =	swait.ge [sflag:s21], $0x1400  }
0x3f: {  	[sflag:s21] =	ssyncset.done $0x0  }
0x40: {  	[sflag:s21] =	ssyncadd.s32 $0xFFFFEC00  }
0x41: {  	[tilespmem:s20], [sflag:$0x1] =	stream.indirect.gather [hbm4b:s4+s23], $0x80, s0, s23, $0xb8;
	[tilespmem:$0x1E800] =	vst v63  }
0x42: {  	_ = 	snop  }
0x43: {  	[tilespmem:s24], [sflag:$0x2] =	stream.indirect.gather [hbm4b:s4+s23], $0x80, s23, s23, $0xb8;
	[tilespmem:$0x1E800] =	vst v63  }
0x44: {  	_ =	swait.ge [sflag:s25], $0x4000  }
0x45: {  	[sflag:s25] =	ssyncset.done $0x0  }
0x46: {  	s1 =	simm.s32 $0x1400;
	[sflag:s25] =	ssyncadd.s32 $0xFFFFC000  }
0x47: {  	[spmem:s2] =	stream.indirect.scatter.add.f32 [tilespmem:s20], [sflag:$0x3], $0x80, s1, s23, $0xb8;
	[tilespmem:$0x1E800] =	vst v63  }
0x48: {  	_ =	swait.ge [sflag:s21], $0x4000  }
0x49: {  	[sflag:s21] =	ssyncset.done $0x0  }
0x4a: {  	s1 =	simm.s32 $0x100;
	[sflag:s21] =	ssyncadd.s32 $0xFFFFC000  }
0x4b: {  	[tilespmem:s20], [sflag:$0x1] =	stream.indirect.gather [hbm4b:s4+s23], $0x80, s1, s23, $0xb8;
	[tilespmem:$0x1E800] =	vst v63  }
0x4c: {  	_ =	swait.ge [sflag:s26], $0x4000  }
0x4d: {  	[sflag:s26] =	ssyncset.done $0x0  }
0x4e: {  	s1 =	simm.s32 $0x1480;
	[sflag:s26] =	ssyncadd.s32 $0xFFFFC000  }
0x4f: {  	[spmem:s2] =	stream.indirect.scatter.add.f32 [tilespmem:s24], [sflag:$0x3], $0x80, s1, s23, $0xb8;
	[tilespmem:$0x1E800] =	vst v63  }
0x50: {  	_ =	swait.ge [sflag:s21], $0x4000  }
0x51: {  	[sflag:s21] =	ssyncset.done $0x0  }
0x52: {  	s31 =	simm.s32 $0x400;
	s0 =	simm.s32 $0x180;
	[sflag:s21] =	ssyncadd.s32 $0xFFFFC000  }
.LBB2_4:
0x53: {  	[tilespmem:s24], [sflag:$0x2] =	stream.indirect.gather [hbm4b:s4+s23], $0x80, s0, s23, $0xb8;
	[tilespmem:$0x1E800] =	vst v63  }
0x54: {  	s0 =	smov.u32 s31  }
0x55: {  	p0 =	sne.s32 s31, $0x4800;
	s31 =	sadd.s32 $0x400, s31;
	_ =	swait.ge [sflag:s25], $0x4000  }
0x56: {  	s0 =	sshra.s32 s0, $0x2;
	[sflag:s25] =	ssyncset.done $0x0  }
0x57: {  	s1 =	sadd.s32 $0x1400, s0;
	[sflag:s25] =	ssyncadd.s32 $0xFFFFC000  }
0x58: {  	[spmem:s2] =	stream.indirect.scatter.add.f32 [tilespmem:s20], [sflag:$0x3], $0x80, s1, s23, $0xb8;
	[tilespmem:$0x1E800] =	vst v63  }
0x59: {  	_ =	swait.ge [sflag:s21], $0x4000  }
0x5a: {  	[sflag:s21] =	ssyncset.done $0x0  }
0x5b: {  	s1 =	sadd.s32 $0x100, s0;
	[sflag:s21] =	ssyncadd.s32 $0xFFFFC000  }
0x5c: {  	[tilespmem:s20], [sflag:$0x1] =	stream.indirect.gather [hbm4b:s4+s23], $0x80, s1, s23, $0xb8;
	[tilespmem:$0x1E800] =	vst v63  }
0x5d: {  	_ =	swait.ge [sflag:s26], $0x4000  }
0x5e: {  	[sflag:s26] =	ssyncset.done $0x0  }
.Ltmp1:
0x5f: {  	s1 =	sadd.s32 $0x1480, s0;
	[sflag:s26] =	ssyncadd.s32 $0xFFFFC000;
	(pc) =	sbr.rel @p0 .LBB2_4-.Ltmp1, $4  }
0x60: {  	[spmem:s2] =	stream.indirect.scatter.add.f32 [tilespmem:s24], [sflag:$0x3], $0x80, s1, s23, $0xb8;
	[tilespmem:$0x1E800] =	vst v63  }
0x61: {  	_ =	swait.ge [sflag:s21], $0x4000  }
0x62: {  	[sflag:s21] =	ssyncset.done $0x0  }
0x63: {  	s0 =	sadd.s32 $0x180, s0;
	[sflag:s21] =	ssyncadd.s32 $0xFFFFC000  }
0x64: {  	[tilespmem:s24], [sflag:$0x2] =	stream.indirect.gather [hbm4b:s4+s23], $0x80, s0, s23, $0xb8;
	[tilespmem:$0x1E800] =	vst v63  }
0x65: {  	_ =	swait.ge [sflag:s25], $0x4000  }
0x66: {  	[sflag:s25] =	ssyncset.done $0x0  }
0x67: {  	[sflag:s25] =	ssyncadd.s32 $0xFFFFC000  }
0x68: {  	[spmem:s2] =	stream.indirect.scatter.add.f32 [tilespmem:s20], [sflag:$0x3], $0x80, s28, s23, $0xb8;
	[tilespmem:$0x1E800] =	vst v63  }
0x69: {  	_ =	swait.ge [sflag:s21], $0x4000  }
0x6a: {  	[sflag:s21] =	ssyncset.done $0x0  }
0x6b: {  	[sflag:s21] =	ssyncadd.s32 $0xFFFFC000  }
0x6c: {  	_ =	swait.ge [sflag:s26], $0x4000  }
0x6d: {  	[sflag:s26] =	ssyncset.done $0x0  }
0x6e: {  	[sflag:s26] =	ssyncadd.s32 $0xFFFFC000  }
0x6f: {  	[spmem:s2] =	stream.indirect.scatter.add.f32 [tilespmem:s24], [sflag:$0x3], $0x80, s29, s23, $0xb8;
	[tilespmem:$0x1E800] =	vst v63  }
0x70: {  	_ =	swait.ge [sflag:s21], $0x4000  }
0x71: {  	[sflag:s21] =	ssyncset.done $0x0  }
0x72: {  	s1 =	simm.s32 $0x0;
	[sflag:s21] =	ssyncadd.s32 $0xFFFFC000  }
0x73: {  	[tilespmem:s1], [sflag:$0x3] =	stream.linear.gather [hbm4b:s18+s1], $0x1400, $0x38;
	[tilespmem:$0x1E800] =	vst v63  }
0x74: {  	_ =	swait.ge [sflag:s21], $0x1400  }
0x75: {  	[sflag:s21] =	ssyncset.done $0x0  }
0x76: {  	[sflag:s21] =	ssyncadd.s32 $0xFFFFEC00  }
0x77: {  	[tilespmem:s22], [sflag:$0x3] =	stream.linear.gather [hbm4b:s19+s1], $0x1400, $0x38;
	[tilespmem:$0x1E800] =	vst v63  }
0x78: {  	_ =	swait.ge [sflag:s21], $0x1400  }
0x79: {  	[sflag:s21] =	ssyncset.done $0x0  }
0x7a: {  	[sflag:s21] =	ssyncadd.s32 $0xFFFFEC00  }
0x7b: {  	[tilespmem:s20], [sflag:$0x1] =	stream.indirect.gather [hbm4b:s4+s23], $0x80, s1, s23, $0xb8;
	[tilespmem:$0x1E800] =	vst v63  }
0x7c: {  	_ = 	snop  }
0x7d: {  	[tilespmem:s24], [sflag:$0x2] =	stream.indirect.gather [hbm4b:s4+s23], $0x80, s23, s23, $0xb8;
	[tilespmem:$0x1E800] =	vst v63  }
0x7e: {  	_ =	swait.ge [sflag:s25], $0x4000  }
0x7f: {  	[sflag:s25] =	ssyncset.done $0x0  }
0x80: {  	s1 =	simm.s32 $0x1400;
	[sflag:s25] =	ssyncadd.s32 $0xFFFFC000  }
0x81: {  	[spmem:s2] =	stream.indirect.scatter.add.f32 [tilespmem:s20], [sflag:$0x3], $0x80, s1, s23, $0xb8;
	[tilespmem:$0x1E800] =	vst v63  }
0x82: {  	_ =	swait.ge [sflag:s21], $0x4000  }
0x83: {  	[sflag:s21] =	ssyncset.done $0x0  }
0x84: {  	s1 =	simm.s32 $0x100;
	[sflag:s21] =	ssyncadd.s32 $0xFFFFC000  }
0x85: {  	[tilespmem:s20], [sflag:$0x1] =	stream.indirect.gather [hbm4b:s4+s23], $0x80, s1, s23, $0xb8;
	[tilespmem:$0x1E800] =	vst v63  }
0x86: {  	_ =	swait.ge [sflag:s26], $0x4000  }
0x87: {  	[sflag:s26] =	ssyncset.done $0x0  }
0x88: {  	s1 =	simm.s32 $0x1480;
	[sflag:s26] =	ssyncadd.s32 $0xFFFFC000  }
0x89: {  	[spmem:s2] =	stream.indirect.scatter.add.f32 [tilespmem:s24], [sflag:$0x3], $0x80, s1, s23, $0xb8;
	[tilespmem:$0x1E800] =	vst v63  }
0x8a: {  	_ =	swait.ge [sflag:s21], $0x4000  }
0x8b: {  	[sflag:s21] =	ssyncset.done $0x0  }
0x8c: {  	s31 =	simm.s32 $0x400;
	s0 =	simm.s32 $0x180;
	[sflag:s21] =	ssyncadd.s32 $0xFFFFC000  }
.LBB2_6:
0x8d: {  	[tilespmem:s24], [sflag:$0x2] =	stream.indirect.gather [hbm4b:s4+s23], $0x80, s0, s23, $0xb8;
	[tilespmem:$0x1E800] =	vst v63  }
0x8e: {  	s0 =	smov.u32 s31  }
0x8f: {  	p0 =	sne.s32 s31, $0x4800;
	s31 =	sadd.s32 $0x400, s31;
	_ =	swait.ge [sflag:s25], $0x4000  }
0x90: {  	s0 =	sshra.s32 s0, $0x2;
	[sflag:s25] =	ssyncset.done $0x0  }
0x91: {  	s1 =	sadd.s32 $0x1400, s0;
	[sflag:s25] =	ssyncadd.s32 $0xFFFFC000  }
0x92: {  	[spmem:s2] =	stream.indirect.scatter.add.f32 [tilespmem:s20], [sflag:$0x3], $0x80, s1, s23, $0xb8;
	[tilespmem:$0x1E800] =	vst v63  }
0x93: {  	_ =	swait.ge [sflag:s21], $0x4000  }
0x94: {  	[sflag:s21] =	ssyncset.done $0x0  }
0x95: {  	s1 =	sadd.s32 $0x100, s0;
	[sflag:s21] =	ssyncadd.s32 $0xFFFFC000  }
0x96: {  	[tilespmem:s20], [sflag:$0x1] =	stream.indirect.gather [hbm4b:s4+s23], $0x80, s1, s23, $0xb8;
	[tilespmem:$0x1E800] =	vst v63  }
0x97: {  	_ =	swait.ge [sflag:s26], $0x4000  }
0x98: {  	[sflag:s26] =	ssyncset.done $0x0  }
.Ltmp2:
0x99: {  	s1 =	sadd.s32 $0x1480, s0;
	[sflag:s26] =	ssyncadd.s32 $0xFFFFC000;
	(pc) =	sbr.rel @p0 .LBB2_6-.Ltmp2, $4  }
0x9a: {  	[spmem:s2] =	stream.indirect.scatter.add.f32 [tilespmem:s24], [sflag:$0x3], $0x80, s1, s23, $0xb8;
	[tilespmem:$0x1E800] =	vst v63  }
0x9b: {  	_ =	swait.ge [sflag:s21], $0x4000  }
0x9c: {  	[sflag:s21] =	ssyncset.done $0x0  }
0x9d: {  	s0 =	sadd.s32 $0x180, s0;
	[sflag:s21] =	ssyncadd.s32 $0xFFFFC000  }
0x9e: {  	[tilespmem:s24], [sflag:$0x2] =	stream.indirect.gather [hbm4b:s4+s23], $0x80, s0, s23, $0xb8;
	[tilespmem:$0x1E800] =	vst v63  }
0x9f: {  	_ =	swait.ge [sflag:s25], $0x4000  }
0xa0: {  	[sflag:s25] =	ssyncset.done $0x0  }
0xa1: {  	[sflag:s25] =	ssyncadd.s32 $0xFFFFC000  }
0xa2: {  	[spmem:s2] =	stream.indirect.scatter.add.f32 [tilespmem:s20], [sflag:$0x3], $0x80, s28, s23, $0xb8;
	[tilespmem:$0x1E800] =	vst v63  }
0xa3: {  	_ =	swait.ge [sflag:s21], $0x4000  }
0xa4: {  	[sflag:s21] =	ssyncset.done $0x0  }
0xa5: {  	[sflag:s21] =	ssyncadd.s32 $0xFFFFC000  }
0xa6: {  	_ =	swait.ge [sflag:s26], $0x4000  }
0xa7: {  	[sflag:s26] =	ssyncset.done $0x0  }
0xa8: {  	[sflag:s26] =	ssyncadd.s32 $0xFFFFC000  }
0xa9: {  	[spmem:s2] =	stream.indirect.scatter.add.f32 [tilespmem:s24], [sflag:$0x3], $0x80, s29, s23, $0xb8;
	[tilespmem:$0x1E800] =	vst v63  }
0xaa: {  	_ =	swait.ge [sflag:s21], $0x4000  }
0xab: {  	[sflag:s21] =	ssyncset.done $0x0  }
0xac: {  	[sflag:s21] =	ssyncadd.s32 $0xFFFFC000  }
0xad: {  	[bflag:$0x0] =	sbarrier.arrive $0xFFFF  }
0xae: {  	[tilespmem:s20], [sflag:$0x3] =	stream.linear.gather [spmem:s5], $0x4000, $0x38;
	[tilespmem:$0x1E800] =	vst v63  }
0xaf: {  	_ =	swait.ge [sflag:s21], $0x4000  }
0xb0: {  	[sflag:s21] =	ssyncset.done $0x0  }
0xb1: {  	[sflag:s21] =	ssyncadd.s32 $0xFFFFC000  }
0xb2: {  	[hbm4b:s10+s3] =	stream.linear.scatter [tilespmem:s20], [sflag:$0x3], $0x4000, $0x38;
	[tilespmem:$0x1E800] =	vst v63  }
0xb3: {  	_ =	swait.ge [sflag:s21], $0x4000  }
0xb4: {  	[sflag:s21] =	ssyncset.done $0x0  }
0xb5: {  	[sflag:s21] =	ssyncadd.s32 $0xFFFFC000  }
0xb6: {  	[tilespmem:s20], [sflag:$0x3] =	stream.linear.gather [spmem:s6], $0x4000, $0x38;
	[tilespmem:$0x1E800] =	vst v63  }
0xb7: {  	_ =	swait.ge [sflag:s21], $0x4000  }
0xb8: {  	[sflag:s21] =	ssyncset.done $0x0  }
0xb9: {  	[sflag:s21] =	ssyncadd.s32 $0xFFFFC000  }
0xba: {  	[hbm4b:s11+s3] =	stream.linear.scatter [tilespmem:s20], [sflag:$0x3], $0x4000, $0x38;
	[tilespmem:$0x1E800] =	vst v63  }
0xbb: {  	_ =	swait.ge [sflag:s21], $0x4000  }
0xbc: {  	[sflag:s21] =	ssyncset.done $0x0  }
0xbd: {  	[sflag:s21] =	ssyncadd.s32 $0xFFFFC000  }
0xbe: {  	[tilespmem:s20], [sflag:$0x3] =	stream.linear.gather [spmem:s7], $0x4000, $0x38;
	[tilespmem:$0x1E800] =	vst v63  }
0xbf: {  	_ =	swait.ge [sflag:s21], $0x4000  }
0xc0: {  	[sflag:s21] =	ssyncset.done $0x0  }
0xc1: {  	[sflag:s21] =	ssyncadd.s32 $0xFFFFC000  }
0xc2: {  	[hbm4b:s12+s3] =	stream.linear.scatter [tilespmem:s20], [sflag:$0x3], $0x4000, $0x38;
	[tilespmem:$0x1E800] =	vst v63  }
0xc3: {  	_ =	swait.ge [sflag:s21], $0x4000  }
0xc4: {  	[sflag:s21] =	ssyncset.done $0x0  }
0xc5: {  	[sflag:s21] =	ssyncadd.s32 $0xFFFFC000  }
0xc6: {  	[tilespmem:s20], [sflag:$0x3] =	stream.linear.gather [spmem:s8], $0x4000, $0x38;
	[tilespmem:$0x1E800] =	vst v63  }
0xc7: {  	_ =	swait.ge [sflag:s21], $0x4000  }
0xc8: {  	[sflag:s21] =	ssyncset.done $0x0  }
0xc9: {  	[sflag:s21] =	ssyncadd.s32 $0xFFFFC000  }
0xca: {  	[hbm4b:s13+s3] =	stream.linear.scatter [tilespmem:s20], [sflag:$0x3], $0x4000, $0x38;
	[tilespmem:$0x1E800] =	vst v63  }
0xcb: {  	_ =	swait.ge [sflag:s21], $0x4000  }
0xcc: {  	[sflag:s21] =	ssyncset.done $0x0  }
0xcd: {  	[sflag:s21] =	ssyncadd.s32 $0xFFFFC000  }
0xce: {  	[tilespmem:s20], [sflag:$0x3] =	stream.linear.gather [spmem:s9], $0x4000, $0x38;
	[tilespmem:$0x1E800] =	vst v63  }
0xcf: {  	s30 =	sadd.s32 $0x1, s30;
	_ =	swait.ge [sflag:s21], $0x4000  }
0xd0: {  	p0 =	sne.s32 s30, s15;
	[sflag:s21] =	ssyncset.done $0x0  }
.Ltmp3:
0xd1: {  	[sflag:s21] =	ssyncadd.s32 $0xFFFFC000;
	(pc) =	sbr.rel @p0 .LBB2_1-.Ltmp3, $4  }
0xd2: {  	[hbm4b:s14+s3] =	stream.linear.scatter [tilespmem:s20], [sflag:$0x3], $0x4000, $0x38;
	[tilespmem:$0x1E800] =	vst v63  }
0xd3: {  	_ =	swait.ge [sflag:s21], $0x4000  }
0xd4: {  	[sflag:s21] =	ssyncset.done $0x0  }
0xd5: {  	[sflag:s21] =	ssyncadd.s32 $0xFFFFC000  }
0xd6: {  	_ =	sfence.sel $0x180000  }
0xd7: {  	[bflag:$0x0] =	sbarrier.arrive $0xFFFF  }
0xd8: {  	_ =	strace $0x9000004D  }
0xd9: {  	s0 =	stileid.u32;
	[bflag:$0x2] =	sbarrier.arrive $0xFFFF  }
0xda: {  	p0 =	sne.s32 s0, $0x0;
	s0 =	rddreg [dreg:$0x2]  }
0xdb: {  	s0 =	sadd.s32 @!p0 $0x100000, s0  }
0xdc: {  	[sflag:s0] =	ssyncadd.tile.s32 @!p0 $0x1;
	_ =	shalt  }
.Lfunc_end2:
_tile_overlayer_lowered:
.L_overlay_start_2:
0xdd: {  	(tag) =	ssettag $0x2  }
0xde: {  	s0 =	rddreg [dreg:$0x0];
	s2 =	stileid.u32  }
0xdf: {  	s1 =	rddreg [dreg:$0x1];
	p0 =	sne.s32 s2, $0x0  }
0xe0: {  	s3 =	rddreg [dreg:$0x2];
	[bflag:$0x3] =	sbarrier.arrive $0xFFFF;
	s2 =	simm.s32 @!p0 $0x1C03  }
0xe1: {  	[timem:s3], [sflag:s2] =	dma.local @!p0 [hbm:s0], s1  }
0xe2: {  	s0 =	simm.s32 @!p0 $0x3  }
0xe3: {  	_ =	swait.ge @!p0 [sflag:s0], s1  }
0xe4: {  	s1 =	ssub.s32 @!p0 $0x0, s1;
	[sflag:s0] =	ssyncset.done @!p0 $0x0  }
0xe5: {  	[sflag:s0] =	ssyncadd.s32 @!p0 s1  }
0xe6: {  	[bflag:$0x3] =	sbarrier.arrive $0xFFFF  }
0xe7: {  	_ =	shalt  }

// kernel: kernel.9.cloned.1.call-start
scs
__scs_entry_jumppad:
0x0: {  	(pc) =	sbr.rel $0x88, $3  }
0x1: {  	(tag) =	ssettag $0x0;
	lr =	simm.s32 $0x1  }
0x2: {  	[smem:$0x3F97] =	sst lr;
	_ =	strace $0xD0000000  }
0x3: {  	_ = 	snop  }
0x4: {  	_ = 	snop  }
0x5: {  	_ = 	snop  }
0x6: {  	_ = 	snop  }
0x7: {  	_ = 	snop  }
__scs_overlays_trampoline_lowered:
0x8: {  	[smem:$0x3FA6] =	sst s0  }
0x9: {  	[smem:$0x3FA7] =	sst s1  }
0xa: {  	[smem:$0x3FA8] =	sst s2  }
0xb: {  	[smem:$0x3FA9] =	sst s3  }
0xc: {  	[smem:$0x3FAA] =	sst s4  }
0xd: {  	[smem:$0x3FAB] =	sst s5  }
0xe: {  	[smem:$0x3FAC] =	sst s6  }
0xf: {  	[smem:$0x3FAD] =	sst s7  }
0x10: {  	[smem:$0x3FAE] =	sst s8  }
0x11: {  	[smem:$0x3FAF] =	sst s9;
	s0 =	simm.s32 @!p0 $0x0  }
0x12: {  	s1 =	sld [smem:$0x3F95];
	s0 =	simm.s32 @p0 $0x1  }
0x13: {  	[smem:$0x3FB0] =	sst s0;
	s0 =	simm.s32 @!p1 $0x0  }
0x14: {  	s2 =	sld [smem:$0x3F94];
	s0 =	simm.s32 @p1 $0x1  }
0x15: {  	[smem:$0x3FB1] =	sst s0;
	s0 =	simm.s32 @!p2 $0x0  }
0x16: {  	s3 =	sld [smem:$0x3FDB];
	s0 =	simm.s32 @p2 $0x1  }
0x17: {  	s4 =	simm.s32 $0x1BF5;
	[smem:$0x3FB3] =	sst s0  }
0x18: {  	s0 =	sld [smem:$0x3F96];
	_ =	swait.ge [sflag:s4], $0x0  }
0x19: {  	s7 =	sld [smem:$0x3F97]  }
0x1a: {  	s8 =	sadd.s32 $0xFFFFE003, lr  }
0x1b: {  	s9 =	sadd.s32 $0xFFFFFEF7, lr;
	s5 =	simm.s32 $0xFFFFFFFF;
	p2 =	slt.u32 s8, $0xFFFFF086  }
0x1c: {  	p1 =	slt.u32 s9, $0xF7A;
	s5 =	simm.s32 @!p2 $0x0  }
0x1d: {  	s5 =	simm.s32 @p1 $0x1;
	p0 =	seq.s32 s7, s2  }
0x1e: {  	s7 =	smul.u32 @!p0 $0xF7A, s2;
	p2 =	seq.s32 @!p0 s5, $0x0  }
0x1f: {  	s9 =	smul.u32 $0xF7A, s1;
	s8 =	simm.s32 @!p0 $0x1BF5;
	p2 =	por !p2, p0  }
0x20: {  	[sflag:s8] =	ssyncset.s32 @!p0 $0xFFFFF086;
	s6 =	sadd.s32 @!p0 s3, s7;
	s7 =	simm.s32 @!p0 $0x108  }
0x21: {  	s3 =	sadd.s32 s3, s9;
	s6 =	sadd.s32 @!p0 $0x88, s6;
	s7 =	simm.s32 @p2 $0x1082  }
0x22: {  	[simem:s7], [sflag:s8] =	dma.local @!p0 [hbm:s6], $0xF7A  }
0x23: {  	s9 =	sor.u32 $0xD0000000, s2;
	s6 =	simm.s32 $0x108;
	_ =	swait.ge @!p0 [sflag:s8], $0x0  }
0x24: {  	s3 =	sadd.s32 $0x88, s3;
	s6 =	simm.s32 @!p1 $0x1082;
	[sflag:s4] =	ssyncset.s32 $0xFFFFF086  }
0x25: {  	[simem:s6], [sflag:s4] =	dma.local [hbm:s3], $0xF7A  }
0x26: {  	[smem:$0x3F97] =	sst s1;
	(tag) =	ssettag s2;
	_ =	strace s9  }
0x27: {  	s1 =	sld [smem:$0x3FA7]  }
0x28: {  	s2 =	sld [smem:$0x3FA8]  }
0x29: {  	s4 =	sld [smem:$0x3FAA]  }
0x2a: {  	p0 =	seq.s32 s5, $0x0;
	s5 =	sld [smem:$0x3FAB]  }
0x2b: {  	s6 =	sld [smem:$0x3FAC]  }
0x2c: {  	s7 =	sld [smem:$0x3FAD]  }
0x2d: {  	s3 =	simm.s32 $0x108;
	s8 =	sld [smem:$0x3FAE]  }
0x2e: {  	s3 =	simm.s32 @!p0 $0x1082;
	s9 =	sld [smem:$0x3FAF]  }
0x2f: {  	lr =	sadd.s32 s0, s3;
	s0 =	sld [smem:$0x3FA6]  }
0x30: {  	s3 =	sld [smem:$0x3FA9]  }
0x31: {  	[smem:$0x3FB2] =	sst s10  }
0x32: {  	s10 =	sld [smem:$0x3FB0];
	_ =	sdelay $0x3  }
0x33: {  	p0 =	seq.s32 s10, $0x1;
	s10 =	sld [smem:$0x3FB2];
	_ =	sdelay $0x3  }
0x34: {  	[smem:$0x3FB2] =	sst s10  }
0x35: {  	s10 =	sld [smem:$0x3FB1];
	_ =	sdelay $0x3  }
0x36: {  	p1 =	seq.s32 s10, $0x1;
	s10 =	sld [smem:$0x3FB2];
	_ =	sdelay $0x3  }
0x37: {  	[smem:$0x3FB2] =	sst s10  }
0x38: {  	s10 =	sld [smem:$0x3FB3]  }
0x39: {  	_ = 	snop;
	(pc) =	sbr.ind lr, $3  }
0x3a: {  	_ = 	snop  }
0x3b: {  	_ = 	snop  }
0x3c: {  	p2 =	seq.s32 s10, $0x1;
	s10 =	sld [smem:$0x3FB2]  }
0x3d: {  	_ =	shalt  }
0x3e: {  	_ =	shalt  }
0x3f: {  	_ =	shalt  }
0x40: {  	_ =	shalt  }
0x41: {  	_ =	shalt  }
0x42: {  	_ =	shalt  }
0x43: {  	_ =	shalt  }
0x44: {  	_ =	shalt  }
0x45: {  	_ =	shalt  }
0x46: {  	_ =	shalt  }
0x47: {  	_ =	shalt  }
0x48: {  	_ =	shalt  }
0x49: {  	_ =	shalt  }
0x4a: {  	_ =	shalt  }
0x4b: {  	_ =	shalt  }
0x4c: {  	_ =	shalt  }
0x4d: {  	_ =	shalt  }
0x4e: {  	_ =	shalt  }
0x4f: {  	_ =	shalt  }
0x50: {  	_ =	shalt  }
0x51: {  	_ =	shalt  }
0x52: {  	_ =	shalt  }
0x53: {  	_ =	shalt  }
0x54: {  	_ =	shalt  }
0x55: {  	_ =	shalt  }
0x56: {  	_ =	shalt  }
0x57: {  	_ =	shalt  }
0x58: {  	_ =	shalt  }
0x59: {  	_ =	shalt  }
0x5a: {  	_ =	shalt  }
0x5b: {  	_ =	shalt  }
0x5c: {  	_ =	shalt  }
0x5d: {  	_ =	shalt  }
0x5e: {  	_ =	shalt  }
0x5f: {  	_ =	shalt  }
0x60: {  	_ =	shalt  }
0x61: {  	_ =	shalt  }
0x62: {  	_ =	shalt  }
0x63: {  	_ =	shalt  }
0x64: {  	_ =	shalt  }
0x65: {  	_ =	shalt  }
0x66: {  	_ =	shalt  }
0x67: {  	_ =	shalt  }
0x68: {  	_ =	shalt  }
0x69: {  	_ =	shalt  }
0x6a: {  	_ =	shalt  }
0x6b: {  	_ =	shalt  }
0x6c: {  	_ =	shalt  }
0x6d: {  	_ =	shalt  }
0x6e: {  	_ =	shalt  }
0x6f: {  	_ =	shalt  }
0x70: {  	_ =	shalt  }
0x71: {  	_ =	shalt  }
0x72: {  	_ =	shalt  }
0x73: {  	_ =	shalt  }
0x74: {  	_ =	shalt  }
0x75: {  	_ =	shalt  }
0x76: {  	_ =	shalt  }
0x77: {  	_ =	shalt  }
0x78: {  	_ =	shalt  }
0x79: {  	_ =	shalt  }
0x7a: {  	_ =	shalt  }
0x7b: {  	_ =	shalt  }
0x7c: {  	_ =	shalt  }
0x7d: {  	_ =	shalt  }
0x7e: {  	_ =	shalt  }
0x7f: {  	_ =	shalt  }
0x80: {  	_ =	shalt  }
0x81: {  	_ =	shalt  }
0x82: {  	_ =	shalt  }
0x83: {  	_ =	shalt  }
0x84: {  	_ =	shalt  }
0x85: {  	_ =	shalt  }
0x86: {  	_ =	shalt  }
0x87: {  	_ =	shalt  }
.Lfunc_end0:
.L_simem_size_0:
called_computation_lowered:
.L_overlay_start_0:
0x88: {  	s2 =	sld [smem:$0x3FD9]  }
0x89: {  	s3 =	sld [smem:$0x3FFE];
	_ =	sdelay $0x1  }
0x8a: {  	s1 =	srdreg.scid  }
0x8b: {  	s0 =	sand.u32 $0x1, s1  }
0x8c: {  	s16 =	sshll.u32 s0, $0xA;
	s2 =	sadd.s32 s3, s2  }
0x8d: {  	s2 =	sadd.s32 s2, s16  }
0x8e: {  	[smem:$0x3FBE] =	sst s2  }
0x8f: {  	_ = 	snop  }
0x90: {  	(tm) =	ssettm $0x1  }
0x91: {  	s17 =	sld [smem:$0x3FFB];
	_ =	sdelay $0x3  }
0x92: {  	_ =	strace s17  }
0x93: {  	s2 =	sld [smem:$0x3FFC];
	_ =	sdelay $0x3  }
0x94: {  	_ =	strace s2  }
0x95: {  	s2 =	sld [smem:$0x3FFD];
	_ =	sdelay $0x3  }
0x96: {  	_ =	strace s2  }
0x97: {  	_ =	strace $0x8FFFFFFF  }
0x98: {  	s18 =	sld [smem:$0x3FDB];
	_ =	sdelay $0x1  }
0x99: {  	s19 =	simm.s32 $_scs_section_size  }
0x9a: {  	s4 =	simm.s32 $_size__tile_overlayer_lowered;
	s5 =	simm.s32 $_tile_overlayer_lowered  }
0x9b: {  	s22 =	simm.s32 $0x1BFF;
	s21 =	sshll.u32 s5, $0x1;
	s2 =	sadd.s32 s19, s18  }
0x9c: {  	s6 =	simm.s32 $0x0;
	s20 =	sshll.u32 s4, $0x1;
	s4 =	sadd.s32 s21, s2  }
0x9d: {  	[timem:s6], [sflag:s22] =	dma.local [hbm:s4], s20  }
0x9e: {  	_ =	swait.ge [sflag:s22], s20  }
0x9f: {  	s3 =	ssub.s32 $0x0, s20;
	[sflag:s22] =	ssyncset.done $0x0  }
0xa0: {  	[sflag:s22] =	ssyncadd.s32 s3;
	_ =	sdelay $0x1  }
0xa1: {  	s23 =	simm.s32 $0x1B8B  }
0xa2: {  	_ =	swait.ge [sflag:s23], $0x1  }
0xa3: {  	[sflag:s23] =	ssyncset.done $0x0  }
0xa4: {  	s25 =	simm.s32 $0x1B8E;
	s24 =	sld [smem:$0x3FFE];
	[sflag:s23] =	ssyncadd.s32 $0xFFFFFFFF  }
0xa5: {  	s26 =	simm.s32 $execute0_lowered;
	[smem:$0x3FD2] =	sst s25  }
0xa6: {  	s4 =	sshll.u32 s26, $0x1;
	_ =	strace $0x80000046;
	[dreg:$0x1] =	wrdreg $0xFFFFFFFF  }
0xa7: {  	s28 =	simm.s32 $_size_execute0_lowered;
	s2 =	sadd.s32 s2, s4;
	[dreg:$0x0] =	wrdreg $0x0  }
0xa8: {  	s4 =	sshll.u32 s28, $0x1;
	[dreg:$0x2] =	wrdreg s2  }
0xa9: {  	[dreg:$0x3] =	wrdreg s4  }
0xaa: {  	[dreg:$0x4] =	wrdreg $0xC0  }
0xab: {  	_ =	task [dreg:s6], $0x5FFFF  }
0xac: {  	[dreg:$0x1] =	wrdreg $0xFFFFFFFF  }
0xad: {  	[dreg:$0x0] =	wrdreg $0x60  }
0xae: {  	[dreg:$0x2] =	wrdreg s24  }
0xaf: {  	[dreg:$0x3] =	wrdreg $0x53000  }
0xb0: {  	[dreg:$0x4] =	wrdreg $0x55800  }
0xb1: {  	[dreg:$0x5] =	wrdreg $0x9  }
0xb2: {  	_ =	task.clear_ibuf [dreg:s6], $0x6FFFF;
	_ =	strace $0x90000046  }
0xb3: {  	s29 =	simm.s32 $0x9;
	_ =	strace $0x80000048  }
0xb4: {  	_ =	swait.ge [sflag:s29], $0x1  }
0xb5: {  	[sflag:s29] =	ssyncadd.s32 $0xFFFFFFFF  }
0xb6: {  	_ =	strace $0x90000048  }
0xb7: {  	_ =	sfence  }
0xb8: {  	s30 =	sld [smem:$0x0];
	_ =	sdelay $0x2  }
0xb9: {  	s31 =	sshll.u32 s1, $0xD;
	s1 =	sshrl.u32 s1, $0x2  }
0xba: {  	s3 =	sand.u32 $0x4000, s31;
	s1 =	sadd.s32 s1, s30  }
0xbb: {  	s0 =	sor.u32 s3, s0;
	s1 =	sshll.u32 s1, $0x11  }
0xbc: {  	s0 =	sor.u32 s1, s0  }
0xbd: {  	s0 =	sadd.s32 $0x8F2B, s0  }
0xbe: {  	[sflag:s0] =	ssyncadd.remote.s32 $0x1  }
0xbf: {  	_ =	sfence.sel $0xFFFF  }
0xc0: {  	[dreg:$0x0] =	wrdreg $0xFFFFFFFF;
	(pc) =	sbr.abs _section_cstart, $3  }
0xc1: {  	[dreg:$0x1] =	wrdreg $0xFFFFFFFF  }
0xc2: {  	_ =	task.clear_ibuf [dreg:s6], $0x2FFFF;
	_ =	strace $0x9FFFFFFF  }
0xc3: {  	(tm) =	ssettm $0x7FFFFFFF  }
tec
execute0_lowered:
.L_overlay_start_1:
0x0: {  	(tag) =	ssettag $0x1  }
0x1: {  	s5 =	rddreg [dreg:$0x0]  }
0x2: {  	s2 =	rddreg [dreg:$0x1];
	s0 =	srdreg.scid  }
0x3: {  	s3 =	rddreg [dreg:$0x2];
	s1 =	stileid.u32  }
0x4: {  	s4 =	simm.s32 $0x0;
	s14 =	simm.s32 $0x5080;
	s15 =	simm.s32 $0x80  }
0x5: {  	s16 =	simm.s32 $0x5000;
	s17 =	simm.s32 $0x0;
	s8 =	smul.u32 $0x280, s1  }
0x6: {  	s6 =	sand.u32 $0x1, s0;
	s0 =	rddreg [dreg:$0x3];
	s10 =	smul.u32 $0xFFFFD800, s1  }
0x7: {  	[smem:$0x7FF] =	sst s4;
	s7 =	sshll.u32 s6, $0x4;
	s9 =	smul.u32 $0x5000, s6  }
0x8: {  	s11 =	ssub.s32 $0x2, s6;
	s6 =	smul.u32 $0xFFFD8000, s6;
	s7 =	sor.u32 s1, s7  }
0x9: {  	_ =	strace $0x80000047;
	s29 =	sshrl.u32 s11, $0x1;
	s7 =	smul.u32 $0x500, s7  }
0xa: {  	s9 =	sadd.s32 s8, s9;
	s11 =	ssub.s32 s11, s29;
	s30 =	sadd.s32 s6, s10  }
0xb: {  	s9 =	sshrl.u32 s9, $0x3;
	s10 =	sadd.s32 $0x4E200, s30;
	s11 =	smax.u32 s11, $0x1  }
0xc: {  	s7 =	sadd.s32 s7, s5;
	s12 =	sadd.s32 s9, s5;
	s13 =	sshrl.u32 s10, $0x7  }
0xd: {  	s5 =	sadd.s32 $0x2600, s7;
	s6 =	sadd.s32 $0xC600, s7;
	s7 =	sadd.s32 s8, s2  }
0xe: {  	s8 =	sadd.s32 s8, s3;
	s9 =	sadd.s32 $0x16600, s12;
	s31 =	smin.u32 s13, $0x50  }
0xf: {  	v0 =	vimm.f32 $1.000000000e+00;
	v1 =	vimm.f32 $0.0e+00;
	s10 =	sadd.s32 $0x16B00, s12;
	s13 =	simm.s32 $0x1;
	s12 =	sshll.u32 s31, $0x9  }
.LBB2_1:
0x10: {  	[tilespmem:s4], [sflag:$0x1] =	stream.linear.gather [hbm4b:s5+s4], $0x2800, $0x38;
	[tilespmem:$0x5800] =	vst v63  }
0x11: {  	_ =	swait.ge [sflag:s13], $0x2800  }
0x12: {  	[sflag:s13] =	ssyncset.done $0x0  }
0x13: {  	s18 =	simm.s32 $0x2800;
	[sflag:s13] =	ssyncadd.s32 $0xFFFFD800  }
0x14: {  	[tilespmem:s18], [sflag:$0x1] =	stream.linear.gather [hbm4b:s6+s4], $0x2800, $0x38;
	[tilespmem:$0x5800] =	vst v63  }
0x15: {  	_ =	swait.ge [sflag:s13], $0x2800  }
0x16: {  	[sflag:s13] =	ssyncset.done $0x0  }
0x17: {  	[sflag:s13] =	ssyncadd.s32 $0xFFFFD800  }
0x18: {  	[tilespmem:$0x5000] =	vst v0  }
0x19: {  	[tilespmem:$0x5010] =	vst v0  }
0x1a: {  	[tilespmem:$0x5020] =	vst v0  }
0x1b: {  	[tilespmem:$0x5030] =	vst v0  }
0x1c: {  	[tilespmem:$0x5040] =	vst v0  }
0x1d: {  	[tilespmem:$0x5050] =	vst v0  }
0x1e: {  	[tilespmem:$0x5060] =	vst v0  }
0x1f: {  	[tilespmem:$0x5070] =	vst v0  }
0x20: {  	[tilespmem:$0x5080] =	vst v1  }
0x21: {  	[tilespmem:$0x5090] =	vst v1  }
0x22: {  	[tilespmem:$0x50A0] =	vst v1  }
0x23: {  	[tilespmem:$0x50B0] =	vst v1  }
0x24: {  	[tilespmem:$0x50C0] =	vst v1  }
0x25: {  	[tilespmem:$0x50D0] =	vst v1  }
0x26: {  	[tilespmem:$0x50E0] =	vst v1  }
0x27: {  	[tilespmem:$0x50F0] =	vst v1  }
0x28: {  	[tilespmem:$0x5100] =	vst v1  }
0x29: {  	[tilespmem:$0x5110] =	vst v1  }
0x2a: {  	[tilespmem:$0x5120] =	vst v1  }
0x2b: {  	[tilespmem:$0x5130] =	vst v1  }
0x2c: {  	[tilespmem:$0x5140] =	vst v1  }
0x2d: {  	[tilespmem:$0x5150] =	vst v1  }
0x2e: {  	[tilespmem:$0x5160] =	vst v1  }
0x2f: {  	[tilespmem:$0x5170] =	vst v1  }
0x30: {  	[tilespmem:$0x5180] =	vst v1  }
0x31: {  	[tilespmem:$0x5190] =	vst v1  }
0x32: {  	[tilespmem:$0x51A0] =	vst v1  }
0x33: {  	[tilespmem:$0x51B0] =	vst v1  }
0x34: {  	[tilespmem:$0x51C0] =	vst v1  }
0x35: {  	[tilespmem:$0x51D0] =	vst v1  }
0x36: {  	[tilespmem:$0x51E0] =	vst v1  }
0x37: {  	[tilespmem:$0x51F0] =	vst v1  }
0x38: {  	[tilespmem:$0x5200] =	vst v1  }
0x39: {  	[tilespmem:$0x5210] =	vst v1  }
0x3a: {  	[tilespmem:$0x5220] =	vst v1  }
0x3b: {  	[tilespmem:$0x5230] =	vst v1  }
0x3c: {  	[tilespmem:$0x5240] =	vst v1  }
0x3d: {  	[tilespmem:$0x5250] =	vst v1  }
0x3e: {  	[tilespmem:$0x5260] =	vst v1  }
0x3f: {  	[tilespmem:$0x5270] =	vst v1  }
0x40: {  	[tilespmem:$0x5280] =	vst v1  }
0x41: {  	[tilespmem:$0x5290] =	vst v1  }
0x42: {  	[tilespmem:$0x52A0] =	vst v1  }
0x43: {  	[tilespmem:$0x52B0] =	vst v1  }
0x44: {  	[tilespmem:$0x52C0] =	vst v1  }
0x45: {  	[tilespmem:$0x52D0] =	vst v1  }
0x46: {  	[tilespmem:$0x52E0] =	vst v1  }
0x47: {  	[tilespmem:$0x52F0] =	vst v1  }
0x48: {  	[spmem:s7] =	stream.linear.scatter [tilespmem:s14], [sflag:$0x1], $0x280, $0x38;
	[tilespmem:$0x5800] =	vst v63  }
0x49: {  	_ =	swait.ge [sflag:s13], $0x280  }
0x4a: {  	[sflag:s13] =	ssyncset.done $0x0  }
0x4b: {  	[sflag:s13] =	ssyncadd.s32 $0xFFFFFD80  }
0x4c: {  	[spmem:s8] =	stream.linear.scatter [tilespmem:s14], [sflag:$0x1], $0x280, $0x38;
	[tilespmem:$0x5800] =	vst v63  }
0x4d: {  	_ =	swait.ge [sflag:s13], $0x280  }
0x4e: {  	[sflag:s13] =	ssyncset.done $0x0  }
0x4f: {  	[sflag:s13] =	ssyncadd.s32 $0xFFFFFD80  }
0x50: {  	[bflag:$0x0] =	sbarrier.arrive $0xFFFF  }
0x51: {  	[spmem:s2] =	stream.indirect.scatter.add.f32 [tilespmem:s16], [sflag:$0x1], $0x1, s4, s15, $0xb8;
	[tilespmem:$0x5800] =	vst v63  }
0x52: {  	p0 =	sne.s32 s12, $0x200;
	_ =	swait.ge [sflag:s13], $0x80  }
.Ltmp0:
0x53: {  	[sflag:s13] =	ssyncset.done $0x0;
	(pc) =	sbr.rel @!p0 .LBB2_3-.Ltmp0, $4  }
0x54: {  	[sflag:s13] =	ssyncadd.s32 $0xFFFFFF80  }
0x55: {  	[spmem:s3] =	stream.indirect.scatter.add.f32 [tilespmem:s16], [sflag:$0x1], $0x1, s18, s15, $0xb8;
	[tilespmem:$0x5800] =	vst v63  }
0x56: {  	_ =	swait.ge [sflag:s13], $0x80  }
0x57: {  	s19 =	sadd.s32 $0xFFFFFE00, s12;
	s20 =	simm.s32 $0x0;
	[sflag:s13] =	ssyncset.done $0x0  }
.LBB2_2:
0x58: {  	[sflag:s13] =	ssyncadd.s32 $0xFFFFFF80;
	s20 =	sadd.s32 $0x80, s20;
	s18 =	sadd.s32 $0x80, s18  }
0x59: {  	[spmem:s2] =	stream.indirect.scatter.add.f32 [tilespmem:s16], [sflag:$0x1], $0x1, s20, s15, $0xb8;
	[tilespmem:$0x5800] =	vst v63  }
0x5a: {  	p0 =	sne.s32 s19, $0x200;
	s19 =	sadd.s32 $0xFFFFFE00, s19;
	_ =	swait.ge [sflag:s13], $0x80  }
.Ltmp1:
0x5b: {  	[sflag:s13] =	ssyncset.done $0x0;
	(pc) =	sbr.rel @p0 .LBB2_2-.Ltmp1, $4  }
0x5c: {  	[sflag:s13] =	ssyncadd.s32 $0xFFFFFF80  }
0x5d: {  	[spmem:s3] =	stream.indirect.scatter.add.f32 [tilespmem:s16], [sflag:$0x1], $0x1, s18, s15, $0xb8;
	[tilespmem:$0x5800] =	vst v63  }
0x5e: {  	_ =	swait.ge [sflag:s13], $0x80  }
0x5f: {  	[sflag:s13] =	ssyncset.done $0x0  }
.LBB2_3:
0x60: {  	[sflag:s13] =	ssyncadd.s32 $0xFFFFFF80  }
0x61: {  	[bflag:$0x0] =	sbarrier.arrive $0xFFFF  }
0x62: {  	[tilespmem:s14], [sflag:$0x1] =	stream.linear.gather [spmem:s7], $0x280, $0x38;
	[tilespmem:$0x5800] =	vst v63  }
0x63: {  	_ =	swait.ge [sflag:s13], $0x280  }
0x64: {  	[sflag:s13] =	ssyncset.done $0x0  }
0x65: {  	[sflag:s13] =	ssyncadd.s32 $0xFFFFFD80  }
0x66: {  	[hbm4b:s9+s4] =	stream.linear.scatter [tilespmem:s14], [sflag:$0x1], $0x280, $0x38;
	[tilespmem:$0x5800] =	vst v63  }
0x67: {  	_ =	swait.ge [sflag:s13], $0x280  }
0x68: {  	[sflag:s13] =	ssyncset.done $0x0  }
0x69: {  	[sflag:s13] =	ssyncadd.s32 $0xFFFFFD80  }
0x6a: {  	[tilespmem:s14], [sflag:$0x1] =	stream.linear.gather [spmem:s8], $0x280, $0x38;
	[tilespmem:$0x5800] =	vst v63  }
0x6b: {  	s17 =	sadd.s32 $0x1, s17;
	_ =	swait.ge [sflag:s13], $0x280  }
0x6c: {  	p0 =	sne.s32 s17, s11;
	[sflag:s13] =	ssyncset.done $0x0  }
.Ltmp2:
0x6d: {  	[sflag:s13] =	ssyncadd.s32 $0xFFFFFD80;
	(pc) =	sbr.rel @p0 .LBB2_1-.Ltmp2, $4  }
0x6e: {  	[hbm4b:s10+s4] =	stream.linear.scatter [tilespmem:s14], [sflag:$0x1], $0x280, $0x38;
	[tilespmem:$0x5800] =	vst v63  }
0x6f: {  	_ =	swait.ge [sflag:s13], $0x280  }
0x70: {  	[sflag:s13] =	ssyncset.done $0x0  }
0x71: {  	[sflag:s13] =	ssyncadd.s32 $0xFFFFFD80  }
0x72: {  	_ =	sfence.sel $0x180000  }
0x73: {  	[bflag:$0x0] =	sbarrier.arrive $0xFFFF  }
0x74: {  	p0 =	sne.s32 s1, $0x0;
	_ =	strace $0x90000047  }
0x75: {  	s0 =	sadd.s32 @!p0 $0x100000, s0;
	[bflag:$0x2] =	sbarrier.arrive $0xFFFF  }
0x76: {  	[sflag:s0] =	ssyncadd.tile.s32 @!p0 $0x1;
	_ =	shalt  }
.Lfunc_end2:
_tile_overlayer_lowered:
.L_overlay_start_2:
0x77: {  	(tag) =	ssettag $0x2  }
0x78: {  	s0 =	rddreg [dreg:$0x0];
	s2 =	stileid.u32  }
0x79: {  	s1 =	rddreg [dreg:$0x1];
	p0 =	sne.s32 s2, $0x0  }
0x7a: {  	s3 =	rddreg [dreg:$0x2];
	[bflag:$0x3] =	sbarrier.arrive $0xFFFF;
	s2 =	simm.s32 @!p0 $0x1C01  }
0x7b: {  	[timem:s3], [sflag:s2] =	dma.local @!p0 [hbm:s0], s1  }
0x7c: {  	s0 =	simm.s32 @!p0 $0x1  }
0x7d: {  	_ =	swait.ge @!p0 [sflag:s0], s1  }
0x7e: {  	s1 =	ssub.s32 @!p0 $0x0, s1;
	[sflag:s0] =	ssyncset.done @!p0 $0x0  }
0x7f: {  	[sflag:s0] =	ssyncadd.s32 @!p0 s1  }
0x80: {  	[bflag:$0x3] =	sbarrier.arrive $0xFFFF  }
0x81: {  	_ =	shalt  }

</sc_bundles>
